<compile_context>
chip_gen: v7x
topology: tpu7x:2x2x1
jax: 0.10.2.dev20260603
libtpu: 0.0.44.dev20260713+nightly
codegen_flags: <defaults>
</compile_context>

<pallas_src>
import functools

import jax
import jax.numpy as jnp
from jax import lax
from jax.experimental import pallas as pl
from jax.experimental.pallas import tpu as pltpu
from jax.experimental.pallas import tpu_sc as plsc

_NC = 2
_NS = 16
_NW = _NC * _NS
_ROW = 128
_CHUNK = 64
_CPG = 4
_GPH = 2


def _make_gather(hist: int, batch: int, emb_dim: int):
    ipg = _CHUNK * _CPG
    cols = ipg * _GPH
    n_groups = hist * _GPH
    assert batch == _NW * cols and n_groups % 2 == 0
    per_row = _ROW // emb_dim
    mesh = plsc.VectorSubcoreMesh(core_axis_name="c", subcore_axis_name="s")

    n_btile = batch // 128
    btpg = ipg // 128

    @functools.partial(
        pl.kernel,
        out_type=jax.ShapeDtypeStruct(
            (hist, emb_dim // 8, n_btile, 8, 128), jnp.float32),
        mesh=mesh,
        compiler_params=pltpu.CompilerParams(use_tc_tiling_on_sc=False,
                                             needs_layout_passes=False),
        scratch_types=[
            pltpu.VMEM((hist, cols), jnp.int32),
            pltpu.VMEM((2 * _CPG, _CHUNK, _ROW), jnp.float32),
            pltpu.VMEM((2 * _CPG, _CHUNK), jnp.int32),
            pltpu.VMEM((2, emb_dim // 8, btpg, 8, 128), jnp.float32),
            pltpu.SemaphoreType.DMA,
            pltpu.SemaphoreType.DMA,
            pltpu.SemaphoreType.DMA,
            pltpu.SemaphoreType.DMA,
        ],
    )
    def gather_kernel(ids_hbm, table_hbm, out_hbm, idx_v, rows_v, qrow_v,
                      slab_v, gsem0, gsem1, wsem0, wsem1):
        wid = lax.axis_index("s") * _NC + lax.axis_index("c")
        gsems = (gsem0, gsem1)
        wsems = (wsem0, wsem1)
        col0 = pl.multiple_of(wid * cols, cols)

        pltpu.sync_copy(ids_hbm.at[:, pl.ds(col0, cols)], idx_v)

        iotav = lax.iota(jnp.int32, 16)
        item_vecs = [iotav + (lg * 16) for lg in range(8)]
        n_lg = _CHUNK // 16

        def idx_col(g, cb):
            return lax.bitwise_and(g, _GPH - 1) * ipg + cb * _CHUNK

        def fire_group(g, half, sem):
            h = lax.shift_right_logical(g, 1)
            for cb in range(_CPG):
                s = half * _CPG + cb
                c0 = idx_col(g, cb)
                for lg in range(n_lg):
                    iv = idx_v[h, pl.ds(c0 + lg * 16, 16)]
                    qrow_v[s, pl.ds(lg * 16, 16)] = lax.shift_right_logical(
                        iv, 2)
                pltpu.async_copy(table_hbm.at[qrow_v.at[s]], rows_v.at[s],
                                 sem)

        def drain_group(half, sem):
            for cb in range(_CPG):
                s = half * _CPG + cb
                pltpu.make_async_copy(table_hbm.at[qrow_v.at[s]],
                                      rows_v.at[s], sem).wait()

        def transpose_group(g, half):
            h = lax.shift_right_logical(g, 1)
            qoffs = []
            for cb in range(_CPG):
                c0 = idx_col(g, cb)
                for lg in range(n_lg):
                    iv = idx_v[h, pl.ds(c0 + lg * 16, 16)]
                    qoffs.append(lax.shift_left(
                        lax.bitwise_and(iv, per_row - 1), 5))

            @plsc.parallel_loop(0, emb_dim, unroll=2)
            def _(f):
                fr = lax.shift_right_logical(f, 3)
                fs = lax.bitwise_and(f, 7)
                for cb in range(_CPG):
                    s = half * _CPG + cb
                    for lg in range(n_lg):
                        vals = plsc.load_gather(
                            rows_v.at[s],
                            [item_vecs[lg], qoffs[cb * n_lg + lg] + f])
                        c = cb * _CHUNK + lg * 16
                        slab_v[half, fr, c // 128, fs,
                               pl.ds(c % 128, 16)] = vals

        def wb_copy(g, half, sem):
            h = lax.shift_right_logical(g, 1)
            bt0 = pl.multiple_of(
                wid * (cols // 128) + lax.bitwise_and(g, _GPH - 1) * btpg,
                btpg)
            return pltpu.make_async_copy(
                slab_v.at[half],
                out_hbm.at[h, :, pl.ds(bt0, btpg)], sem)

        fire_group(0, 0, gsem0)

        @pl.loop(0, n_groups, step=2)
        def _(g0):
            for hh in (0, 1):
                g = g0 + hh
                @pl.when(g >= 2)
                def _():
                    wb_copy(g - 2, hh, wsems[hh]).wait()

                @pl.when(g + 1 < n_groups)
                def _():
                    fire_group(g + 1, 1 - hh, gsems[1 - hh])

                drain_group(hh, gsems[hh])
                transpose_group(g, hh)
                wb = wb_copy(g, hh, wsems[hh])
                wb.start()

        wb_copy(n_groups - 2, 0, wsem0).wait()
        wb_copy(n_groups - 1, 1, wsem1).wait()

    return gather_kernel


def kernel(item_ids, table):
    batch, hist = item_ids.shape
    n_vocab, emb_dim = table.shape
    assert batch % (_NW * _CHUNK * _CPG * _GPH) == 0 and hist % 2 == 0
    assert (n_vocab * emb_dim) % _ROW == 0 and _ROW % emb_dim == 0
    table_view = table.reshape(n_vocab * emb_dim // _ROW, _ROW)
    out = _make_gather(hist, batch, emb_dim)(item_ids.T, table_view)
    return out.transpose(2, 4, 0, 1, 3).reshape(batch, hist, emb_dim)

# --- scband reference (transcript-rebuilt; emitter-appended) ---
"""Pipeline reference for scband-keras-model-base-71906342469706 (READ-ONLY COPY).

The authoritative reference and input builder live on the scoring server;
editing this copy changes nothing except your own understanding.
"""

import jax, jax.numpy as jnp
import numpy as np

N_MID = 1000000
EMBED_DIM = 32
BATCH = 16384
HIST_LEN = 50

def setup_inputs(seed: int = 0) -> dict:
    key = jax.random.key(seed)
    k1, k2 = jax.random.split(key)
    item_ids = jax.random.randint(k1, (BATCH, HIST_LEN), 0, N_MID, dtype=jnp.int64 if jax.config.jax_enable_x64 else jnp.int32)
    # Embedding table initialized uniform(-0.05, 0.05) matching Keras RandomUniform initializer
    table = jax.random.uniform(k2, (N_MID, EMBED_DIM), dtype=jnp.float32, minval=-0.05, maxval=0.05)
    return {"item_ids": item_ids, "table": table}

def reference(item_ids, table):
    # Faithful translation of KerasModelBase.embed_items: embedding lookup
    return jnp.take(table, item_ids, axis=0)

if __name__ == "__main__":
    import jax
    _d = setup_inputs()
    print(jax.jit(kernel)(*tuple(_d.values())))

</pallas_src>

<mosaic_0001>
#map = affine_map<(d0, d1) -> (0, 0)>
#map1 = affine_map<(d0, d1) -> (0, 0, 0, 0, 0)>
module attributes {stable_mosaic.version = 14 : i64} {
  func.func @gather_kernel(%arg0: i32, %arg1: i32, %arg2: memref<50x16384xi32, #tpu.memory_space<hbm>>, %arg3: memref<250000x128xf32, #tpu.memory_space<hbm>>, %arg4: memref<50x4x128x8x128xf32, #tpu.memory_space<hbm>>, %arg5: memref<50x512xi32, #tpu.memory_space<vmem>>, %arg6: memref<8x64x128xf32, #tpu.memory_space<vmem>>, %arg7: memref<8x64xi32, #tpu.memory_space<vmem>>, %arg8: memref<2x4x2x8x128xf32, #tpu.memory_space<vmem>>, %arg9: memref<!tpu.dma_semaphore, #tpu.memory_space<semaphore_mem>>, %arg10: memref<!tpu.dma_semaphore, #tpu.memory_space<semaphore_mem>>, %arg11: memref<!tpu.dma_semaphore, #tpu.memory_space<semaphore_mem>>, %arg12: memref<!tpu.dma_semaphore, #tpu.memory_space<semaphore_mem>>) attributes {dimension_semantics = [#tpu.dimension_semantics<core_parallel>, #tpu.dimension_semantics<subcore_parallel>], iteration_bounds = array<i64: 2, 16>, scalar_prefetch = 0 : i64, scratch_operands = 8 : i64, tpu.core_type = #tpu.core_type<sc_vector_subcore>, window_params = [{transform_indices = #map}, {transform_indices = #map}, {transform_indices = #map1}]} {
    %mul3A = arith.constant 2 : i32
    %mul3A_0 = arith.muli %arg1, %mul3A : i32
    %add3A = arith.addi %mul3A_0, %arg0 : i32
    %mul3A_1 = arith.constant 512 : i32
    %mul3A_2 = arith.muli %add3A, %mul3A_1 : i32
    %multiple_of3A = tpu.assume_multiple %mul3A_2, 512 : i32
    "tpu.region"() ({
      %run_scoped3A = tpu.sem_alloc : memref<!tpu.dma_semaphore, #tpu.memory_space<semaphore_mem>>
      %dma_start3A_366 = arith.constant 0 : i32
      %dma_start3A_367 = tpu.memref_slice %arg2[%dma_start3A_366, %multiple_of3A] : memref<50x16384xi32, #tpu.memory_space<hbm>> -> memref<50x512xi32, #tpu.memory_space<hbm>>
      %dma_start3A_368 = arith.constant 0 : i32
      %dma_start3A_369 = tpu.memref_slice %arg2[%dma_start3A_368, %multiple_of3A] : memref<50x16384xi32, #tpu.memory_space<hbm>> -> memref<50x512xi32, #tpu.memory_space<hbm>>
      tpu.enqueue_dma source(%dma_start3A_369 : memref<50x512xi32, #tpu.memory_space<hbm>>) target(%arg5 : memref<50x512xi32, #tpu.memory_space<vmem>>) target_semaphore(%run_scoped3A : memref<!tpu.dma_semaphore, #tpu.memory_space<semaphore_mem>>)
      %dma_wait3A_370 = arith.constant 0 : i32
      %dma_wait3A_371 = tpu.memref_slice %arg2[%dma_wait3A_370, %multiple_of3A] : memref<50x16384xi32, #tpu.memory_space<hbm>> -> memref<50x512xi32, #tpu.memory_space<hbm>>
      %dma_wait3A_372 = arith.constant 0 : i32
      %dma_wait3A_373 = tpu.memref_slice %arg2[%dma_wait3A_372, %multiple_of3A] : memref<50x16384xi32, #tpu.memory_space<hbm>> -> memref<50x512xi32, #tpu.memory_space<hbm>>
      tpu.wait_dma2 semaphore(%run_scoped3A : memref<!tpu.dma_semaphore, #tpu.memory_space<semaphore_mem>>) src(%dma_wait3A_373 : memref<50x512xi32, #tpu.memory_space<hbm>>) dst(%arg5 : memref<50x512xi32, #tpu.memory_space<vmem>>)
      tpu.yield
    }) : () -> ()
    %iota3A = tpu.iota {dimensions = array<i32: 0>} : vector<16xi32>
    %add3A_3 = arith.constant 0 : i32
    %add3A_4 = vector.broadcast %add3A_3 : i32 to vector<16xi32>
    %add3A_5 = arith.addi %iota3A, %add3A_4 : vector<16xi32>
    %add3A_6 = arith.constant 16 : i32
    %add3A_7 = vector.broadcast %add3A_6 : i32 to vector<16xi32>
    %add3A_8 = arith.addi %iota3A, %add3A_7 : vector<16xi32>
    %add3A_9 = arith.constant 32 : i32
    %add3A_10 = vector.broadcast %add3A_9 : i32 to vector<16xi32>
    %add3A_11 = arith.addi %iota3A, %add3A_10 : vector<16xi32>
    %add3A_12 = arith.constant 48 : i32
    %add3A_13 = vector.broadcast %add3A_12 : i32 to vector<16xi32>
    %add3A_14 = arith.addi %iota3A, %add3A_13 : vector<16xi32>
    %add3A_15 = arith.constant 64 : i32
    %add3A_16 = vector.broadcast %add3A_15 : i32 to vector<16xi32>
    %add3A_17 = arith.addi %iota3A, %add3A_16 : vector<16xi32>
    %add3A_18 = arith.constant 80 : i32
    %add3A_19 = vector.broadcast %add3A_18 : i32 to vector<16xi32>
    %add3A_20 = arith.addi %iota3A, %add3A_19 : vector<16xi32>
    %add3A_21 = arith.constant 96 : i32
    %add3A_22 = vector.broadcast %add3A_21 : i32 to vector<16xi32>
    %add3A_23 = arith.addi %iota3A, %add3A_22 : vector<16xi32>
    %add3A_24 = arith.constant 112 : i32
    %add3A_25 = vector.broadcast %add3A_24 : i32 to vector<16xi32>
    %add3A_26 = arith.addi %iota3A, %add3A_25 : vector<16xi32>
    %shift_right_logical3A = arith.constant 0 : i32
    %shift_right_logical3A_27 = arith.constant 1 : i32
    %shift_right_logical3A_28 = arith.shrui %shift_right_logical3A, %shift_right_logical3A_27 : i32
    %and3A = arith.constant 0 : i32
    %and3A_29 = arith.constant 1 : i32
    %and3A_30 = arith.andi %and3A, %and3A_29 : i32
    %mul3A_31 = arith.constant 256 : i32
    %mul3A_32 = arith.muli %and3A_30, %mul3A_31 : i32
    %add3A_33 = arith.constant 0 : i32
    %add3A_34 = arith.addi %mul3A_32, %add3A_33 : i32
    %add3A_35 = arith.constant 0 : i32
    %add3A_36 = arith.addi %add3A_34, %add3A_35 : i32
    %get3A = arith.index_cast %shift_right_logical3A_28 : i32 to index
    %get3A_37 = arith.index_cast %add3A_36 : i32 to index
    %get3A_38 = tpu.vector_load %arg5[%get3A, %get3A_37] {strides = array<i32>} : memref<50x512xi32, #tpu.memory_space<vmem>>, vector<16xi32>,
    %shift_right_logical3A_39 = arith.constant 2 : i32
    %shift_right_logical3A_40 = vector.broadcast %shift_right_logical3A_39 : i32 to vector<16xi32>
    %shift_right_logical3A_41 = arith.shrui %get3A_38, %shift_right_logical3A_40 : vector<16xi32>
    %swap3A = arith.constant 0 : i32
    %swap3A_42 = arith.index_cast %swap3A : i32 to index
    %swap3A_43 = arith.constant 0 : index
    %swap3A_44 = tpu.vector_load %arg7[%swap3A_42, %swap3A_43] {strides = array<i32>} : memref<8x64xi32, #tpu.memory_space<vmem>>, vector<16xi32>,
    tpu.vector_store %arg7[%swap3A_42, %swap3A_43], %shift_right_logical3A_41 {strides = array<i32>} : memref<8x64xi32, #tpu.memory_space<vmem>>, vector<16xi32>,
    %add3A_45 = arith.constant 16 : i32
    %add3A_46 = arith.addi %add3A_34, %add3A_45 : i32
    %get3A_47 = arith.index_cast %shift_right_logical3A_28 : i32 to index
    %get3A_48 = arith.index_cast %add3A_46 : i32 to index
    %get3A_49 = tpu.vector_load %arg5[%get3A_47, %get3A_48] {strides = array<i32>} : memref<50x512xi32, #tpu.memory_space<vmem>>, vector<16xi32>,
    %shift_right_logical3A_50 = arith.constant 2 : i32
    %shift_right_logical3A_51 = vector.broadcast %shift_right_logical3A_50 : i32 to vector<16xi32>
    %shift_right_logical3A_52 = arith.shrui %get3A_49, %shift_right_logical3A_51 : vector<16xi32>
    %swap3A_53 = arith.constant 0 : i32
    %swap3A_54 = arith.index_cast %swap3A_53 : i32 to index
    %swap3A_55 = arith.constant 16 : index
    %swap3A_56 = tpu.vector_load %arg7[%swap3A_54, %swap3A_55] {strides = array<i32>} : memref<8x64xi32, #tpu.memory_space<vmem>>, vector<16xi32>,
    tpu.vector_store %arg7[%swap3A_54, %swap3A_55], %shift_right_logical3A_52 {strides = array<i32>} : memref<8x64xi32, #tpu.memory_space<vmem>>, vector<16xi32>,
    %add3A_57 = arith.constant 32 : i32
    %add3A_58 = arith.addi %add3A_34, %add3A_57 : i32
    %get3A_59 = arith.index_cast %shift_right_logical3A_28 : i32 to index
    %get3A_60 = arith.index_cast %add3A_58 : i32 to index
    %get3A_61 = tpu.vector_load %arg5[%get3A_59, %get3A_60] {strides = array<i32>} : memref<50x512xi32, #tpu.memory_space<vmem>>, vector<16xi32>,
    %shift_right_logical3A_62 = arith.constant 2 : i32
    %shift_right_logical3A_63 = vector.broadcast %shift_right_logical3A_62 : i32 to vector<16xi32>
    %shift_right_logical3A_64 = arith.shrui %get3A_61, %shift_right_logical3A_63 : vector<16xi32>
    %swap3A_65 = arith.constant 0 : i32
    %swap3A_66 = arith.index_cast %swap3A_65 : i32 to index
    %swap3A_67 = arith.constant 32 : index
    %swap3A_68 = tpu.vector_load %arg7[%swap3A_66, %swap3A_67] {strides = array<i32>} : memref<8x64xi32, #tpu.memory_space<vmem>>, vector<16xi32>,
    tpu.vector_store %arg7[%swap3A_66, %swap3A_67], %shift_right_logical3A_64 {strides = array<i32>} : memref<8x64xi32, #tpu.memory_space<vmem>>, vector<16xi32>,
    %add3A_69 = arith.constant 48 : i32
    %add3A_70 = arith.addi %add3A_34, %add3A_69 : i32
    %get3A_71 = arith.index_cast %shift_right_logical3A_28 : i32 to index
    %get3A_72 = arith.index_cast %add3A_70 : i32 to index
    %get3A_73 = tpu.vector_load %arg5[%get3A_71, %get3A_72] {strides = array<i32>} : memref<50x512xi32, #tpu.memory_space<vmem>>, vector<16xi32>,
    %shift_right_logical3A_74 = arith.constant 2 : i32
    %shift_right_logical3A_75 = vector.broadcast %shift_right_logical3A_74 : i32 to vector<16xi32>
    %shift_right_logical3A_76 = arith.shrui %get3A_73, %shift_right_logical3A_75 : vector<16xi32>
    %swap3A_77 = arith.constant 0 : i32
    %swap3A_78 = arith.index_cast %swap3A_77 : i32 to index
    %swap3A_79 = arith.constant 48 : index
    %swap3A_80 = tpu.vector_load %arg7[%swap3A_78, %swap3A_79] {strides = array<i32>} : memref<8x64xi32, #tpu.memory_space<vmem>>, vector<16xi32>,
    tpu.vector_store %arg7[%swap3A_78, %swap3A_79], %shift_right_logical3A_76 {strides = array<i32>} : memref<8x64xi32, #tpu.memory_space<vmem>>, vector<16xi32>,
    %dma_start3A = arith.constant 0 : i32
    %dma_start3A_81 = arith.constant 0 : i32
    %dma_start3A_82 = arith.constant 0 : i32
    %dma_start3A_83 = arith.constant 0 : i32
    %dma_start3A_84 = tpu.memref_slice %arg6[%dma_start3A_81, %dma_start3A_82, %dma_start3A_83] : memref<8x64x128xf32, #tpu.memory_space<vmem>> -> memref<1x64x128xf32, #tpu.memory_space<vmem>>
    %dma_start3A_85 = tpu.memref_squeeze %dma_start3A_84 : memref<1x64x128xf32, #tpu.memory_space<vmem>> -> memref<64x128xf32, #tpu.memory_space<vmem>>
    %dma_start3A_86 = arith.constant 0 : i32
    %dma_start3A_87 = tpu.memref_slice %arg7[%dma_start3A, %dma_start3A_86] : memref<8x64xi32, #tpu.memory_space<vmem>> -> memref<1x64xi32, #tpu.memory_space<vmem>>
    %dma_start3A_88 = tpu.memref_squeeze %dma_start3A_87 : memref<1x64xi32, #tpu.memory_space<vmem>> -> memref<64xi32, #tpu.memory_space<vmem>>
    %dma_start3A_89 = arith.constant 0 : i32
    %dma_start3A_90 = arith.constant 0 : i32
    %dma_start3A_91 = tpu.memref_slice %arg3[%dma_start3A_89, %dma_start3A_90] : memref<250000x128xf32, #tpu.memory_space<hbm>> -> memref<250000x128xf32, #tpu.memory_space<hbm>>
    tpu.enqueue_indirect_dma source(%dma_start3A_91 : memref<250000x128xf32, #tpu.memory_space<hbm>>) target(%dma_start3A_85 : memref<64x128xf32, #tpu.memory_space<vmem>>) offsets(%dma_start3A_88 : memref<64xi32, #tpu.memory_space<vmem>>) semaphore(%arg9 : memref<!tpu.dma_semaphore, #tpu.memory_space<semaphore_mem>>)
    %and3A_92 = arith.constant 0 : i32
    %and3A_93 = arith.constant 1 : i32
    %and3A_94 = arith.andi %and3A_92, %and3A_93 : i32
    %mul3A_95 = arith.constant 256 : i32
    %mul3A_96 = arith.muli %and3A_94, %mul3A_95 : i32
    %add3A_97 = arith.constant 64 : i32
    %add3A_98 = arith.addi %mul3A_96, %add3A_97 : i32
    %add3A_99 = arith.constant 0 : i32
    %add3A_100 = arith.addi %add3A_98, %add3A_99 : i32
    %get3A_101 = arith.index_cast %shift_right_logical3A_28 : i32 to index
    %get3A_102 = arith.index_cast %add3A_100 : i32 to index
    %get3A_103 = tpu.vector_load %arg5[%get3A_101, %get3A_102] {strides = array<i32>} : memref<50x512xi32, #tpu.memory_space<vmem>>, vector<16xi32>,
    %shift_right_logical3A_104 = arith.constant 2 : i32
    %shift_right_logical3A_105 = vector.broadcast %shift_right_logical3A_104 : i32 to vector<16xi32>
    %shift_right_logical3A_106 = arith.shrui %get3A_103, %shift_right_logical3A_105 : vector<16xi32>
    %swap3A_107 = arith.constant 1 : i32
    %swap3A_108 = arith.index_cast %swap3A_107 : i32 to index
    %swap3A_109 = arith.constant 0 : index
    %swap3A_110 = tpu.vector_load %arg7[%swap3A_108, %swap3A_109] {strides = array<i32>} : memref<8x64xi32, #tpu.memory_space<vmem>>, vector<16xi32>,
    tpu.vector_store %arg7[%swap3A_108, %swap3A_109], %shift_right_logical3A_106 {strides = array<i32>} : memref<8x64xi32, #tpu.memory_space<vmem>>, vector<16xi32>,
    %add3A_111 = arith.constant 16 : i32
    %add3A_112 = arith.addi %add3A_98, %add3A_111 : i32
    %get3A_113 = arith.index_cast %shift_right_logical3A_28 : i32 to index
    %get3A_114 = arith.index_cast %add3A_112 : i32 to index
    %get3A_115 = tpu.vector_load %arg5[%get3A_113, %get3A_114] {strides = array<i32>} : memref<50x512xi32, #tpu.memory_space<vmem>>, vector<16xi32>,
    %shift_right_logical3A_116 = arith.constant 2 : i32
    %shift_right_logical3A_117 = vector.broadcast %shift_right_logical3A_116 : i32 to vector<16xi32>
    %shift_right_logical3A_118 = arith.shrui %get3A_115, %shift_right_logical3A_117 : vector<16xi32>
    %swap3A_119 = arith.constant 1 : i32
    %swap3A_120 = arith.index_cast %swap3A_119 : i32 to index
    %swap3A_121 = arith.constant 16 : index
    %swap3A_122 = tpu.vector_load %arg7[%swap3A_120, %swap3A_121] {strides = array<i32>} : memref<8x64xi32, #tpu.memory_space<vmem>>, vector<16xi32>,
    tpu.vector_store %arg7[%swap3A_120, %swap3A_121], %shift_right_logical3A_118 {strides = array<i32>} : memref<8x64xi32, #tpu.memory_space<vmem>>, vector<16xi32>,
    %add3A_123 = arith.constant 32 : i32
    %add3A_124 = arith.addi %add3A_98, %add3A_123 : i32
    %get3A_125 = arith.index_cast %shift_right_logical3A_28 : i32 to index
    %get3A_126 = arith.index_cast %add3A_124 : i32 to index
    %get3A_127 = tpu.vector_load %arg5[%get3A_125, %get3A_126] {strides = array<i32>} : memref<50x512xi32, #tpu.memory_space<vmem>>, vector<16xi32>,
    %shift_right_logical3A_128 = arith.constant 2 : i32
    %shift_right_logical3A_129 = vector.broadcast %shift_right_logical3A_128 : i32 to vector<16xi32>
    %shift_right_logical3A_130 = arith.shrui %get3A_127, %shift_right_logical3A_129 : vector<16xi32>
    %swap3A_131 = arith.constant 1 : i32
    %swap3A_132 = arith.index_cast %swap3A_131 : i32 to index
    %swap3A_133 = arith.constant 32 : index
    %swap3A_134 = tpu.vector_load %arg7[%swap3A_132, %swap3A_133] {strides = array<i32>} : memref<8x64xi32, #tpu.memory_space<vmem>>, vector<16xi32>,
    tpu.vector_store %arg7[%swap3A_132, %swap3A_133], %shift_right_logical3A_130 {strides = array<i32>} : memref<8x64xi32, #tpu.memory_space<vmem>>, vector<16xi32>,
    %add3A_135 = arith.constant 48 : i32
    %add3A_136 = arith.addi %add3A_98, %add3A_135 : i32
    %get3A_137 = arith.index_cast %shift_right_logical3A_28 : i32 to index
    %get3A_138 = arith.index_cast %add3A_136 : i32 to index
    %get3A_139 = tpu.vector_load %arg5[%get3A_137, %get3A_138] {strides = array<i32>} : memref<50x512xi32, #tpu.memory_space<vmem>>, vector<16xi32>,
    %shift_right_logical3A_140 = arith.constant 2 : i32
    %shift_right_logical3A_141 = vector.broadcast %shift_right_logical3A_140 : i32 to vector<16xi32>
    %shift_right_logical3A_142 = arith.shrui %get3A_139, %shift_right_logical3A_141 : vector<16xi32>
    %swap3A_143 = arith.constant 1 : i32
    %swap3A_144 = arith.index_cast %swap3A_143 : i32 to index
    %swap3A_145 = arith.constant 48 : index
    %swap3A_146 = tpu.vector_load %arg7[%swap3A_144, %swap3A_145] {strides = array<i32>} : memref<8x64xi32, #tpu.memory_space<vmem>>, vector<16xi32>,
    tpu.vector_store %arg7[%swap3A_144, %swap3A_145], %shift_right_logical3A_142 {strides = array<i32>} : memref<8x64xi32, #tpu.memory_space<vmem>>, vector<16xi32>,
    %dma_start3A_147 = arith.constant 1 : i32
    %dma_start3A_148 = arith.constant 1 : i32
    %dma_start3A_149 = arith.constant 0 : i32
    %dma_start3A_150 = arith.constant 0 : i32
    %dma_start3A_151 = tpu.memref_slice %arg6[%dma_start3A_148, %dma_start3A_149, %dma_start3A_150] : memref<8x64x128xf32, #tpu.memory_space<vmem>> -> memref<1x64x128xf32, #tpu.memory_space<vmem>>
    %dma_start3A_152 = tpu.memref_squeeze %dma_start3A_151 : memref<1x64x128xf32, #tpu.memory_space<vmem>> -> memref<64x128xf32, #tpu.memory_space<vmem>>
    %dma_start3A_153 = arith.constant 0 : i32
    %dma_start3A_154 = tpu.memref_slice %arg7[%dma_start3A_147, %dma_start3A_153] : memref<8x64xi32, #tpu.memory_space<vmem>> -> memref<1x64xi32, #tpu.memory_space<vmem>>
    %dma_start3A_155 = tpu.memref_squeeze %dma_start3A_154 : memref<1x64xi32, #tpu.memory_space<vmem>> -> memref<64xi32, #tpu.memory_space<vmem>>
    %dma_start3A_156 = arith.constant 0 : i32
    %dma_start3A_157 = arith.constant 0 : i32
    %dma_start3A_158 = tpu.memref_slice %arg3[%dma_start3A_156, %dma_start3A_157] : memref<250000x128xf32, #tpu.memory_space<hbm>> -> memref<250000x128xf32, #tpu.memory_space<hbm>>
    tpu.enqueue_indirect_dma source(%dma_start3A_158 : memref<250000x128xf32, #tpu.memory_space<hbm>>) target(%dma_start3A_152 : memref<64x128xf32, #tpu.memory_space<vmem>>) offsets(%dma_start3A_155 : memref<64xi32, #tpu.memory_space<vmem>>) semaphore(%arg9 : memref<!tpu.dma_semaphore, #tpu.memory_space<semaphore_mem>>)
    %and3A_159 = arith.constant 0 : i32
    %and3A_160 = arith.constant 1 : i32
    %and3A_161 = arith.andi %and3A_159, %and3A_160 : i32
    %mul3A_162 = arith.constant 256 : i32
    %mul3A_163 = arith.muli %and3A_161, %mul3A_162 : i32
    %add3A_164 = arith.constant 128 : i32
    %add3A_165 = arith.addi %mul3A_163, %add3A_164 : i32
    %add3A_166 = arith.constant 0 : i32
    %add3A_167 = arith.addi %add3A_165, %add3A_166 : i32
    %get3A_168 = arith.index_cast %shift_right_logical3A_28 : i32 to index
    %get3A_169 = arith.index_cast %add3A_167 : i32 to index
    %get3A_170 = tpu.vector_load %arg5[%get3A_168, %get3A_169] {strides = array<i32>} : memref<50x512xi32, #tpu.memory_space<vmem>>, vector<16xi32>,
    %shift_right_logical3A_171 = arith.constant 2 : i32
    %shift_right_logical3A_172 = vector.broadcast %shift_right_logical3A_171 : i32 to vector<16xi32>
    %shift_right_logical3A_173 = arith.shrui %get3A_170, %shift_right_logical3A_172 : vector<16xi32>
    %swap3A_174 = arith.constant 2 : i32
    %swap3A_175 = arith.index_cast %swap3A_174 : i32 to index
    %swap3A_176 = arith.constant 0 : index
    %swap3A_177 = tpu.vector_load %arg7[%swap3A_175, %swap3A_176] {strides = array<i32>} : memref<8x64xi32, #tpu.memory_space<vmem>>, vector<16xi32>,
    tpu.vector_store %arg7[%swap3A_175, %swap3A_176], %shift_right_logical3A_173 {strides = array<i32>} : memref<8x64xi32, #tpu.memory_space<vmem>>, vector<16xi32>,
    %add3A_178 = arith.constant 16 : i32
    %add3A_179 = arith.addi %add3A_165, %add3A_178 : i32
    %get3A_180 = arith.index_cast %shift_right_logical3A_28 : i32 to index
    %get3A_181 = arith.index_cast %add3A_179 : i32 to index
    %get3A_182 = tpu.vector_load %arg5[%get3A_180, %get3A_181] {strides = array<i32>} : memref<50x512xi32, #tpu.memory_space<vmem>>, vector<16xi32>,
    %shift_right_logical3A_183 = arith.constant 2 : i32
    %shift_right_logical3A_184 = vector.broadcast %shift_right_logical3A_183 : i32 to vector<16xi32>
    %shift_right_logical3A_185 = arith.shrui %get3A_182, %shift_right_logical3A_184 : vector<16xi32>
    %swap3A_186 = arith.constant 2 : i32
    %swap3A_187 = arith.index_cast %swap3A_186 : i32 to index
    %swap3A_188 = arith.constant 16 : index
    %swap3A_189 = tpu.vector_load %arg7[%swap3A_187, %swap3A_188] {strides = array<i32>} : memref<8x64xi32, #tpu.memory_space<vmem>>, vector<16xi32>,
    tpu.vector_store %arg7[%swap3A_187, %swap3A_188], %shift_right_logical3A_185 {strides = array<i32>} : memref<8x64xi32, #tpu.memory_space<vmem>>, vector<16xi32>,
    %add3A_190 = arith.constant 32 : i32
    %add3A_191 = arith.addi %add3A_165, %add3A_190 : i32
    %get3A_192 = arith.index_cast %shift_right_logical3A_28 : i32 to index
    %get3A_193 = arith.index_cast %add3A_191 : i32 to index
    %get3A_194 = tpu.vector_load %arg5[%get3A_192, %get3A_193] {strides = array<i32>} : memref<50x512xi32, #tpu.memory_space<vmem>>, vector<16xi32>,
    %shift_right_logical3A_195 = arith.constant 2 : i32
    %shift_right_logical3A_196 = vector.broadcast %shift_right_logical3A_195 : i32 to vector<16xi32>
    %shift_right_logical3A_197 = arith.shrui %get3A_194, %shift_right_logical3A_196 : vector<16xi32>
    %swap3A_198 = arith.constant 2 : i32
    %swap3A_199 = arith.index_cast %swap3A_198 : i32 to index
    %swap3A_200 = arith.constant 32 : index
    %swap3A_201 = tpu.vector_load %arg7[%swap3A_199, %swap3A_200] {strides = array<i32>} : memref<8x64xi32, #tpu.memory_space<vmem>>, vector<16xi32>,
    tpu.vector_store %arg7[%swap3A_199, %swap3A_200], %shift_right_logical3A_197 {strides = array<i32>} : memref<8x64xi32, #tpu.memory_space<vmem>>, vector<16xi32>,
    %add3A_202 = arith.constant 48 : i32
    %add3A_203 = arith.addi %add3A_165, %add3A_202 : i32
    %get3A_204 = arith.index_cast %shift_right_logical3A_28 : i32 to index
    %get3A_205 = arith.index_cast %add3A_203 : i32 to index
    %get3A_206 = tpu.vector_load %arg5[%get3A_204, %get3A_205] {strides = array<i32>} : memref<50x512xi32, #tpu.memory_space<vmem>>, vector<16xi32>,
    %shift_right_logical3A_207 = arith.constant 2 : i32
    %shift_right_logical3A_208 = vector.broadcast %shift_right_logical3A_207 : i32 to vector<16xi32>
    %shift_right_logical3A_209 = arith.shrui %get3A_206, %shift_right_logical3A_208 : vector<16xi32>
    %swap3A_210 = arith.constant 2 : i32
    %swap3A_211 = arith.index_cast %swap3A_210 : i32 to index
    %swap3A_212 = arith.constant 48 : index
    %swap3A_213 = tpu.vector_load %arg7[%swap3A_211, %swap3A_212] {strides = array<i32>} : memref<8x64xi32, #tpu.memory_space<vmem>>, vector<16xi32>,
    tpu.vector_store %arg7[%swap3A_211, %swap3A_212], %shift_right_logical3A_209 {strides = array<i32>} : memref<8x64xi32, #tpu.memory_space<vmem>>, vector<16xi32>,
    %dma_start3A_214 = arith.constant 2 : i32
    %dma_start3A_215 = arith.constant 2 : i32
    %dma_start3A_216 = arith.constant 0 : i32
    %dma_start3A_217 = arith.constant 0 : i32
    %dma_start3A_218 = tpu.memref_slice %arg6[%dma_start3A_215, %dma_start3A_216, %dma_start3A_217] : memref<8x64x128xf32, #tpu.memory_space<vmem>> -> memref<1x64x128xf32, #tpu.memory_space<vmem>>
    %dma_start3A_219 = tpu.memref_squeeze %dma_start3A_218 : memref<1x64x128xf32, #tpu.memory_space<vmem>> -> memref<64x128xf32, #tpu.memory_space<vmem>>
    %dma_start3A_220 = arith.constant 0 : i32
    %dma_start3A_221 = tpu.memref_slice %arg7[%dma_start3A_214, %dma_start3A_220] : memref<8x64xi32, #tpu.memory_space<vmem>> -> memref<1x64xi32, #tpu.memory_space<vmem>>
    %dma_start3A_222 = tpu.memref_squeeze %dma_start3A_221 : memref<1x64xi32, #tpu.memory_space<vmem>> -> memref<64xi32, #tpu.memory_space<vmem>>
    %dma_start3A_223 = arith.constant 0 : i32
    %dma_start3A_224 = arith.constant 0 : i32
    %dma_start3A_225 = tpu.memref_slice %arg3[%dma_start3A_223, %dma_start3A_224] : memref<250000x128xf32, #tpu.memory_space<hbm>> -> memref<250000x128xf32, #tpu.memory_space<hbm>>
    tpu.enqueue_indirect_dma source(%dma_start3A_225 : memref<250000x128xf32, #tpu.memory_space<hbm>>) target(%dma_start3A_219 : memref<64x128xf32, #tpu.memory_space<vmem>>) offsets(%dma_start3A_222 : memref<64xi32, #tpu.memory_space<vmem>>) semaphore(%arg9 : memref<!tpu.dma_semaphore, #tpu.memory_space<semaphore_mem>>)
    %and3A_226 = arith.constant 0 : i32
    %and3A_227 = arith.constant 1 : i32
    %and3A_228 = arith.andi %and3A_226, %and3A_227 : i32
    %mul3A_229 = arith.constant 256 : i32
    %mul3A_230 = arith.muli %and3A_228, %mul3A_229 : i32
    %add3A_231 = arith.constant 192 : i32
    %add3A_232 = arith.addi %mul3A_230, %add3A_231 : i32
    %add3A_233 = arith.constant 0 : i32
    %add3A_234 = arith.addi %add3A_232, %add3A_233 : i32
    %get3A_235 = arith.index_cast %shift_right_logical3A_28 : i32 to index
    %get3A_236 = arith.index_cast %add3A_234 : i32 to index
    %get3A_237 = tpu.vector_load %arg5[%get3A_235, %get3A_236] {strides = array<i32>} : memref<50x512xi32, #tpu.memory_space<vmem>>, vector<16xi32>,
    %shift_right_logical3A_238 = arith.constant 2 : i32
    %shift_right_logical3A_239 = vector.broadcast %shift_right_logical3A_238 : i32 to vector<16xi32>
    %shift_right_logical3A_240 = arith.shrui %get3A_237, %shift_right_logical3A_239 : vector<16xi32>
    %swap3A_241 = arith.constant 3 : i32
    %swap3A_242 = arith.index_cast %swap3A_241 : i32 to index
    %swap3A_243 = arith.constant 0 : index
    %swap3A_244 = tpu.vector_load %arg7[%swap3A_242, %swap3A_243] {strides = array<i32>} : memref<8x64xi32, #tpu.memory_space<vmem>>, vector<16xi32>,
    tpu.vector_store %arg7[%swap3A_242, %swap3A_243], %shift_right_logical3A_240 {strides = array<i32>} : memref<8x64xi32, #tpu.memory_space<vmem>>, vector<16xi32>,
    %add3A_245 = arith.constant 16 : i32
    %add3A_246 = arith.addi %add3A_232, %add3A_245 : i32
    %get3A_247 = arith.index_cast %shift_right_logical3A_28 : i32 to index
    %get3A_248 = arith.index_cast %add3A_246 : i32 to index
    %get3A_249 = tpu.vector_load %arg5[%get3A_247, %get3A_248] {strides = array<i32>} : memref<50x512xi32, #tpu.memory_space<vmem>>, vector<16xi32>,
    %shift_right_logical3A_250 = arith.constant 2 : i32
    %shift_right_logical3A_251 = vector.broadcast %shift_right_logical3A_250 : i32 to vector<16xi32>
    %shift_right_logical3A_252 = arith.shrui %get3A_249, %shift_right_logical3A_251 : vector<16xi32>
    %swap3A_253 = arith.constant 3 : i32
    %swap3A_254 = arith.index_cast %swap3A_253 : i32 to index
    %swap3A_255 = arith.constant 16 : index
    %swap3A_256 = tpu.vector_load %arg7[%swap3A_254, %swap3A_255] {strides = array<i32>} : memref<8x64xi32, #tpu.memory_space<vmem>>, vector<16xi32>,
    tpu.vector_store %arg7[%swap3A_254, %swap3A_255], %shift_right_logical3A_252 {strides = array<i32>} : memref<8x64xi32, #tpu.memory_space<vmem>>, vector<16xi32>,
    %add3A_257 = arith.constant 32 : i32
    %add3A_258 = arith.addi %add3A_232, %add3A_257 : i32
    %get3A_259 = arith.index_cast %shift_right_logical3A_28 : i32 to index
    %get3A_260 = arith.index_cast %add3A_258 : i32 to index
    %get3A_261 = tpu.vector_load %arg5[%get3A_259, %get3A_260] {strides = array<i32>} : memref<50x512xi32, #tpu.memory_space<vmem>>, vector<16xi32>,
    %shift_right_logical3A_262 = arith.constant 2 : i32
    %shift_right_logical3A_263 = vector.broadcast %shift_right_logical3A_262 : i32 to vector<16xi32>
    %shift_right_logical3A_264 = arith.shrui %get3A_261, %shift_right_logical3A_263 : vector<16xi32>
    %swap3A_265 = arith.constant 3 : i32
    %swap3A_266 = arith.index_cast %swap3A_265 : i32 to index
    %swap3A_267 = arith.constant 32 : index
    %swap3A_268 = tpu.vector_load %arg7[%swap3A_266, %swap3A_267] {strides = array<i32>} : memref<8x64xi32, #tpu.memory_space<vmem>>, vector<16xi32>,
    tpu.vector_store %arg7[%swap3A_266, %swap3A_267], %shift_right_logical3A_264 {strides = array<i32>} : memref<8x64xi32, #tpu.memory_space<vmem>>, vector<16xi32>,
    %add3A_269 = arith.constant 48 : i32
    %add3A_270 = arith.addi %add3A_232, %add3A_269 : i32
    %get3A_271 = arith.index_cast %shift_right_logical3A_28 : i32 to index
    %get3A_272 = arith.index_cast %add3A_270 : i32 to index
    %get3A_273 = tpu.vector_load %arg5[%get3A_271, %get3A_272] {strides = array<i32>} : memref<50x512xi32, #tpu.memory_space<vmem>>, vector<16xi32>,
    %shift_right_logical3A_274 = arith.constant 2 : i32
    %shift_right_logical3A_275 = vector.broadcast %shift_right_logical3A_274 : i32 to vector<16xi32>
    %shift_right_logical3A_276 = arith.shrui %get3A_273, %shift_right_logical3A_275 : vector<16xi32>
    %swap3A_277 = arith.constant 3 : i32
    %swap3A_278 = arith.index_cast %swap3A_277 : i32 to index
    %swap3A_279 = arith.constant 48 : index
    %swap3A_280 = tpu.vector_load %arg7[%swap3A_278, %swap3A_279] {strides = array<i32>} : memref<8x64xi32, #tpu.memory_space<vmem>>, vector<16xi32>,
    tpu.vector_store %arg7[%swap3A_278, %swap3A_279], %shift_right_logical3A_276 {strides = array<i32>} : memref<8x64xi32, #tpu.memory_space<vmem>>, vector<16xi32>,
    %dma_start3A_281 = arith.constant 3 : i32
    %dma_start3A_282 = arith.constant 3 : i32
    %dma_start3A_283 = arith.constant 0 : i32
    %dma_start3A_284 = arith.constant 0 : i32
    %dma_start3A_285 = tpu.memref_slice %arg6[%dma_start3A_282, %dma_start3A_283, %dma_start3A_284] : memref<8x64x128xf32, #tpu.memory_space<vmem>> -> memref<1x64x128xf32, #tpu.memory_space<vmem>>
    %dma_start3A_286 = tpu.memref_squeeze %dma_start3A_285 : memref<1x64x128xf32, #tpu.memory_space<vmem>> -> memref<64x128xf32, #tpu.memory_space<vmem>>
    %dma_start3A_287 = arith.constant 0 : i32
    %dma_start3A_288 = tpu.memref_slice %arg7[%dma_start3A_281, %dma_start3A_287] : memref<8x64xi32, #tpu.memory_space<vmem>> -> memref<1x64xi32, #tpu.memory_space<vmem>>
    %dma_start3A_289 = tpu.memref_squeeze %dma_start3A_288 : memref<1x64xi32, #tpu.memory_space<vmem>> -> memref<64xi32, #tpu.memory_space<vmem>>
    %dma_start3A_290 = arith.constant 0 : i32
    %dma_start3A_291 = arith.constant 0 : i32
    %dma_start3A_292 = tpu.memref_slice %arg3[%dma_start3A_290, %dma_start3A_291] : memref<250000x128xf32, #tpu.memory_space<hbm>> -> memref<250000x128xf32, #tpu.memory_space<hbm>>
    tpu.enqueue_indirect_dma source(%dma_start3A_292 : memref<250000x128xf32, #tpu.memory_space<hbm>>) target(%dma_start3A_286 : memref<64x128xf32, #tpu.memory_space<vmem>>) offsets(%dma_start3A_289 : memref<64xi32, #tpu.memory_space<vmem>>) semaphore(%arg9 : memref<!tpu.dma_semaphore, #tpu.memory_space<semaphore_mem>>)
    %scan3A = arith.constant 0 : i32
    %scan3A_293 = arith.constant 50 : i32
    %scan3A_294 = arith.addi %scan3A, %scan3A_293 : i32
    %scan3A_295 = arith.constant 1 : i32
    scf.for %scan3A_366 = %scan3A to %scan3A_294 step %scan3A_295  : i32 {
      %mul3A_367 = arith.constant 2 : i32
      %mul3A_368 = arith.muli %scan3A_366, %mul3A_367 : i32
      %add3A_369 = arith.constant 0 : i32
      %add3A_370 = arith.addi %add3A_369, %mul3A_368 : i32
      %add3A_371 = arith.constant 0 : i32
      %add3A_372 = arith.addi %add3A_370, %add3A_371 : i32
      %ge3A = arith.constant 2 : i32
      %ge3A_373 = arith.cmpi sge, %add3A_372, %ge3A : i32
      %convert_element_type3A = arith.extui %ge3A_373 : i1 to i32
      %cond3A = arith.constant 0 : i32
      %cond3A_374 = arith.cmpi ne, %convert_element_type3A, %cond3A : i32
      scf.if %cond3A_374 {
        %sub3A = arith.constant 2 : i32
        %sub3A_965 = arith.subi %add3A_372, %sub3A : i32
        %shift_right_logical3A_966 = arith.constant 1 : i32
        %shift_right_logical3A_967 = arith.shrui %sub3A_965, %shift_right_logical3A_966 : i32
        %mul3A_968 = arith.constant 4 : i32
        %mul3A_969 = arith.muli %add3A, %mul3A_968 : i32
        %and3A_970 = arith.constant 1 : i32
        %and3A_971 = arith.andi %sub3A_965, %and3A_970 : i32
        %mul3A_972 = arith.constant 2 : i32
        %mul3A_973 = arith.muli %and3A_971, %mul3A_972 : i32
        %add3A_974 = arith.addi %mul3A_969, %mul3A_973 : i32
        %multiple_of3A_975 = tpu.assume_multiple %add3A_974, 2 : i32
        %dma_wait3A_976 = arith.constant 0 : i32
        %dma_wait3A_977 = arith.constant 0 : i32
        %dma_wait3A_978 = arith.constant 0 : i32
        %dma_wait3A_979 = arith.constant 0 : i32
        %dma_wait3A_980 = arith.constant 0 : i32
        %dma_wait3A_981 = tpu.memref_slice %arg8[%dma_wait3A_976, %dma_wait3A_977, %dma_wait3A_978, %dma_wait3A_979, %dma_wait3A_980] : memref<2x4x2x8x128xf32, #tpu.memory_space<vmem>> -> memref<1x4x2x8x128xf32, #tpu.memory_space<vmem>>
        %dma_wait3A_982 = tpu.memref_squeeze %dma_wait3A_981 : memref<1x4x2x8x128xf32, #tpu.memory_space<vmem>> -> memref<4x2x8x128xf32, #tpu.memory_space<vmem>>
        %dma_wait3A_983 = arith.constant 0 : i32
        %dma_wait3A_984 = arith.constant 0 : i32
        %dma_wait3A_985 = arith.constant 0 : i32
        %dma_wait3A_986 = tpu.memref_slice %arg4[%shift_right_logical3A_967, %dma_wait3A_983, %multiple_of3A_975, %dma_wait3A_984, %dma_wait3A_985] : memref<50x4x128x8x128xf32, #tpu.memory_space<hbm>> -> memref<1x4x2x8x128xf32, #tpu.memory_space<hbm>>
        %dma_wait3A_987 = tpu.memref_squeeze %dma_wait3A_986 : memref<1x4x2x8x128xf32, #tpu.memory_space<hbm>> -> memref<4x2x8x128xf32, #tpu.memory_space<hbm>>
        %dma_wait3A_988 = arith.constant 0 : i32
        %dma_wait3A_989 = arith.constant 0 : i32
        %dma_wait3A_990 = arith.constant 0 : i32
        %dma_wait3A_991 = tpu.memref_slice %arg4[%shift_right_logical3A_967, %dma_wait3A_988, %multiple_of3A_975, %dma_wait3A_989, %dma_wait3A_990] : memref<50x4x128x8x128xf32, #tpu.memory_space<hbm>> -> memref<1x4x2x8x128xf32, #tpu.memory_space<hbm>>
        %dma_wait3A_992 = tpu.memref_squeeze %dma_wait3A_991 : memref<1x4x2x8x128xf32, #tpu.memory_space<hbm>> -> memref<4x2x8x128xf32, #tpu.memory_space<hbm>>
        %dma_wait3A_993 = arith.constant 0 : i32
        %dma_wait3A_994 = arith.constant 0 : i32
        %dma_wait3A_995 = arith.constant 0 : i32
        %dma_wait3A_996 = arith.constant 0 : i32
        %dma_wait3A_997 = tpu.memref_slice %arg8[%dma_wait3A_976, %dma_wait3A_993, %dma_wait3A_994, %dma_wait3A_995, %dma_wait3A_996] : memref<2x4x2x8x128xf32, #tpu.memory_space<vmem>> -> memref<1x4x2x8x128xf32, #tpu.memory_space<vmem>>
        %dma_wait3A_998 = tpu.memref_squeeze %dma_wait3A_997 : memref<1x4x2x8x128xf32, #tpu.memory_space<vmem>> -> memref<4x2x8x128xf32, #tpu.memory_space<vmem>>
        tpu.wait_dma2 semaphore(%arg11 : memref<!tpu.dma_semaphore, #tpu.memory_space<semaphore_mem>>) src(%dma_wait3A_998 : memref<4x2x8x128xf32, #tpu.memory_space<vmem>>) dst(%dma_wait3A_992 : memref<4x2x8x128xf32, #tpu.memory_space<hbm>>)
      } else {
      }
      %add3A_375 = arith.constant 1 : i32
      %add3A_376 = arith.addi %add3A_372, %add3A_375 : i32
      %lt3A = arith.constant 100 : i32
      %lt3A_377 = arith.cmpi slt, %add3A_376, %lt3A : i32
      %convert_element_type3A_378 = arith.extui %lt3A_377 : i1 to i32
      %cond3A_379 = arith.constant 0 : i32
      %cond3A_380 = arith.cmpi ne, %convert_element_type3A_378, %cond3A_379 : i32
      scf.if %cond3A_380 {
        %add3A_965 = arith.constant 1 : i32
        %add3A_966 = arith.addi %add3A_372, %add3A_965 : i32
        %shift_right_logical3A_967 = arith.constant 1 : i32
        %shift_right_logical3A_968 = arith.shrui %add3A_966, %shift_right_logical3A_967 : i32
        %and3A_969 = arith.constant 1 : i32
        %and3A_970 = arith.andi %add3A_966, %and3A_969 : i32
        %mul3A_971 = arith.constant 256 : i32
        %mul3A_972 = arith.muli %and3A_970, %mul3A_971 : i32
        %add3A_973 = arith.constant 0 : i32
        %add3A_974 = arith.addi %mul3A_972, %add3A_973 : i32
        %add3A_975 = arith.constant 0 : i32
        %add3A_976 = arith.addi %add3A_974, %add3A_975 : i32
        %get3A_977 = arith.index_cast %shift_right_logical3A_968 : i32 to index
        %get3A_978 = arith.index_cast %add3A_976 : i32 to index
        %get3A_979 = tpu.vector_load %arg5[%get3A_977, %get3A_978] {strides = array<i32>} : memref<50x512xi32, #tpu.memory_space<vmem>>, vector<16xi32>,
        %shift_right_logical3A_980 = arith.constant 2 : i32
        %shift_right_logical3A_981 = vector.broadcast %shift_right_logical3A_980 : i32 to vector<16xi32>
        %shift_right_logical3A_982 = arith.shrui %get3A_979, %shift_right_logical3A_981 : vector<16xi32>
        %swap3A_983 = arith.constant 4 : i32
        %swap3A_984 = arith.index_cast %swap3A_983 : i32 to index
        %swap3A_985 = arith.constant 0 : index
        %swap3A_986 = tpu.vector_load %arg7[%swap3A_984, %swap3A_985] {strides = array<i32>} : memref<8x64xi32, #tpu.memory_space<vmem>>, vector<16xi32>,
        tpu.vector_store %arg7[%swap3A_984, %swap3A_985], %shift_right_logical3A_982 {strides = array<i32>} : memref<8x64xi32, #tpu.memory_space<vmem>>, vector<16xi32>,
        %add3A_987 = arith.constant 16 : i32
        %add3A_988 = arith.addi %add3A_974, %add3A_987 : i32
        %get3A_989 = arith.index_cast %shift_right_logical3A_968 : i32 to index
        %get3A_990 = arith.index_cast %add3A_988 : i32 to index
        %get3A_991 = tpu.vector_load %arg5[%get3A_989, %get3A_990] {strides = array<i32>} : memref<50x512xi32, #tpu.memory_space<vmem>>, vector<16xi32>,
        %shift_right_logical3A_992 = arith.constant 2 : i32
        %shift_right_logical3A_993 = vector.broadcast %shift_right_logical3A_992 : i32 to vector<16xi32>
        %shift_right_logical3A_994 = arith.shrui %get3A_991, %shift_right_logical3A_993 : vector<16xi32>
        %swap3A_995 = arith.constant 4 : i32
        %swap3A_996 = arith.index_cast %swap3A_995 : i32 to index
        %swap3A_997 = arith.constant 16 : index
        %swap3A_998 = tpu.vector_load %arg7[%swap3A_996, %swap3A_997] {strides = array<i32>} : memref<8x64xi32, #tpu.memory_space<vmem>>, vector<16xi32>,
        tpu.vector_store %arg7[%swap3A_996, %swap3A_997], %shift_right_logical3A_994 {strides = array<i32>} : memref<8x64xi32, #tpu.memory_space<vmem>>, vector<16xi32>,
        %add3A_999 = arith.constant 32 : i32
        %add3A_1000 = arith.addi %add3A_974, %add3A_999 : i32
        %get3A_1001 = arith.index_cast %shift_right_logical3A_968 : i32 to index
        %get3A_1002 = arith.index_cast %add3A_1000 : i32 to index
        %get3A_1003 = tpu.vector_load %arg5[%get3A_1001, %get3A_1002] {strides = array<i32>} : memref<50x512xi32, #tpu.memory_space<vmem>>, vector<16xi32>,
        %shift_right_logical3A_1004 = arith.constant 2 : i32
        %shift_right_logical3A_1005 = vector.broadcast %shift_right_logical3A_1004 : i32 to vector<16xi32>
        %shift_right_logical3A_1006 = arith.shrui %get3A_1003, %shift_right_logical3A_1005 : vector<16xi32>
        %swap3A_1007 = arith.constant 4 : i32
        %swap3A_1008 = arith.index_cast %swap3A_1007 : i32 to index
        %swap3A_1009 = arith.constant 32 : index
        %swap3A_1010 = tpu.vector_load %arg7[%swap3A_1008, %swap3A_1009] {strides = array<i32>} : memref<8x64xi32, #tpu.memory_space<vmem>>, vector<16xi32>,
        tpu.vector_store %arg7[%swap3A_1008, %swap3A_1009], %shift_right_logical3A_1006 {strides = array<i32>} : memref<8x64xi32, #tpu.memory_space<vmem>>, vector<16xi32>,
        %add3A_1011 = arith.constant 48 : i32
        %add3A_1012 = arith.addi %add3A_974, %add3A_1011 : i32
        %get3A_1013 = arith.index_cast %shift_right_logical3A_968 : i32 to index
        %get3A_1014 = arith.index_cast %add3A_1012 : i32 to index
        %get3A_1015 = tpu.vector_load %arg5[%get3A_1013, %get3A_1014] {strides = array<i32>} : memref<50x512xi32, #tpu.memory_space<vmem>>, vector<16xi32>,
        %shift_right_logical3A_1016 = arith.constant 2 : i32
        %shift_right_logical3A_1017 = vector.broadcast %shift_right_logical3A_1016 : i32 to vector<16xi32>
        %shift_right_logical3A_1018 = arith.shrui %get3A_1015, %shift_right_logical3A_1017 : vector<16xi32>
        %swap3A_1019 = arith.constant 4 : i32
        %swap3A_1020 = arith.index_cast %swap3A_1019 : i32 to index
        %swap3A_1021 = arith.constant 48 : index
        %swap3A_1022 = tpu.vector_load %arg7[%swap3A_1020, %swap3A_1021] {strides = array<i32>} : memref<8x64xi32, #tpu.memory_space<vmem>>, vector<16xi32>,
        tpu.vector_store %arg7[%swap3A_1020, %swap3A_1021], %shift_right_logical3A_1018 {strides = array<i32>} : memref<8x64xi32, #tpu.memory_space<vmem>>, vector<16xi32>,
        %dma_start3A_1023 = arith.constant 4 : i32
        %dma_start3A_1024 = arith.constant 4 : i32
        %dma_start3A_1025 = arith.constant 0 : i32
        %dma_start3A_1026 = arith.constant 0 : i32
        %dma_start3A_1027 = tpu.memref_slice %arg6[%dma_start3A_1024, %dma_start3A_1025, %dma_start3A_1026] : memref<8x64x128xf32, #tpu.memory_space<vmem>> -> memref<1x64x128xf32, #tpu.memory_space<vmem>>
        %dma_start3A_1028 = tpu.memref_squeeze %dma_start3A_1027 : memref<1x64x128xf32, #tpu.memory_space<vmem>> -> memref<64x128xf32, #tpu.memory_space<vmem>>
        %dma_start3A_1029 = arith.constant 0 : i32
        %dma_start3A_1030 = tpu.memref_slice %arg7[%dma_start3A_1023, %dma_start3A_1029] : memref<8x64xi32, #tpu.memory_space<vmem>> -> memref<1x64xi32, #tpu.memory_space<vmem>>
        %dma_start3A_1031 = tpu.memref_squeeze %dma_start3A_1030 : memref<1x64xi32, #tpu.memory_space<vmem>> -> memref<64xi32, #tpu.memory_space<vmem>>
        %dma_start3A_1032 = arith.constant 0 : i32
        %dma_start3A_1033 = arith.constant 0 : i32
        %dma_start3A_1034 = tpu.memref_slice %arg3[%dma_start3A_1032, %dma_start3A_1033] : memref<250000x128xf32, #tpu.memory_space<hbm>> -> memref<250000x128xf32, #tpu.memory_space<hbm>>
        tpu.enqueue_indirect_dma source(%dma_start3A_1034 : memref<250000x128xf32, #tpu.memory_space<hbm>>) target(%dma_start3A_1028 : memref<64x128xf32, #tpu.memory_space<vmem>>) offsets(%dma_start3A_1031 : memref<64xi32, #tpu.memory_space<vmem>>) semaphore(%arg10 : memref<!tpu.dma_semaphore, #tpu.memory_space<semaphore_mem>>)
        %and3A_1035 = arith.constant 1 : i32
        %and3A_1036 = arith.andi %add3A_966, %and3A_1035 : i32
        %mul3A_1037 = arith.constant 256 : i32
        %mul3A_1038 = arith.muli %and3A_1036, %mul3A_1037 : i32
        %add3A_1039 = arith.constant 64 : i32
        %add3A_1040 = arith.addi %mul3A_1038, %add3A_1039 : i32
        %add3A_1041 = arith.constant 0 : i32
        %add3A_1042 = arith.addi %add3A_1040, %add3A_1041 : i32
        %get3A_1043 = arith.index_cast %shift_right_logical3A_968 : i32 to index
        %get3A_1044 = arith.index_cast %add3A_1042 : i32 to index
        %get3A_1045 = tpu.vector_load %arg5[%get3A_1043, %get3A_1044] {strides = array<i32>} : memref<50x512xi32, #tpu.memory_space<vmem>>, vector<16xi32>,
        %shift_right_logical3A_1046 = arith.constant 2 : i32
        %shift_right_logical3A_1047 = vector.broadcast %shift_right_logical3A_1046 : i32 to vector<16xi32>
        %shift_right_logical3A_1048 = arith.shrui %get3A_1045, %shift_right_logical3A_1047 : vector<16xi32>
        %swap3A_1049 = arith.constant 5 : i32
        %swap3A_1050 = arith.index_cast %swap3A_1049 : i32 to index
        %swap3A_1051 = arith.constant 0 : index
        %swap3A_1052 = tpu.vector_load %arg7[%swap3A_1050, %swap3A_1051] {strides = array<i32>} : memref<8x64xi32, #tpu.memory_space<vmem>>, vector<16xi32>,
        tpu.vector_store %arg7[%swap3A_1050, %swap3A_1051], %shift_right_logical3A_1048 {strides = array<i32>} : memref<8x64xi32, #tpu.memory_space<vmem>>, vector<16xi32>,
        %add3A_1053 = arith.constant 16 : i32
        %add3A_1054 = arith.addi %add3A_1040, %add3A_1053 : i32
        %get3A_1055 = arith.index_cast %shift_right_logical3A_968 : i32 to index
        %get3A_1056 = arith.index_cast %add3A_1054 : i32 to index
        %get3A_1057 = tpu.vector_load %arg5[%get3A_1055, %get3A_1056] {strides = array<i32>} : memref<50x512xi32, #tpu.memory_space<vmem>>, vector<16xi32>,
        %shift_right_logical3A_1058 = arith.constant 2 : i32
        %shift_right_logical3A_1059 = vector.broadcast %shift_right_logical3A_1058 : i32 to vector<16xi32>
        %shift_right_logical3A_1060 = arith.shrui %get3A_1057, %shift_right_logical3A_1059 : vector<16xi32>
        %swap3A_1061 = arith.constant 5 : i32
        %swap3A_1062 = arith.index_cast %swap3A_1061 : i32 to index
        %swap3A_1063 = arith.constant 16 : index
        %swap3A_1064 = tpu.vector_load %arg7[%swap3A_1062, %swap3A_1063] {strides = array<i32>} : memref<8x64xi32, #tpu.memory_space<vmem>>, vector<16xi32>,
        tpu.vector_store %arg7[%swap3A_1062, %swap3A_1063], %shift_right_logical3A_1060 {strides = array<i32>} : memref<8x64xi32, #tpu.memory_space<vmem>>, vector<16xi32>,
        %add3A_1065 = arith.constant 32 : i32
        %add3A_1066 = arith.addi %add3A_1040, %add3A_1065 : i32
        %get3A_1067 = arith.index_cast %shift_right_logical3A_968 : i32 to index
        %get3A_1068 = arith.index_cast %add3A_1066 : i32 to index
        %get3A_1069 = tpu.vector_load %arg5[%get3A_1067, %get3A_1068] {strides = array<i32>} : memref<50x512xi32, #tpu.memory_space<vmem>>, vector<16xi32>,
        %shift_right_logical3A_1070 = arith.constant 2 : i32
        %shift_right_logical3A_1071 = vector.broadcast %shift_right_logical3A_1070 : i32 to vector<16xi32>
        %shift_right_logical3A_1072 = arith.shrui %get3A_1069, %shift_right_logical3A_1071 : vector<16xi32>
        %swap3A_1073 = arith.constant 5 : i32
        %swap3A_1074 = arith.index_cast %swap3A_1073 : i32 to index
        %swap3A_1075 = arith.constant 32 : index
        %swap3A_1076 = tpu.vector_load %arg7[%swap3A_1074, %swap3A_1075] {strides = array<i32>} : memref<8x64xi32, #tpu.memory_space<vmem>>, vector<16xi32>,
        tpu.vector_store %arg7[%swap3A_1074, %swap3A_1075], %shift_right_logical3A_1072 {strides = array<i32>} : memref<8x64xi32, #tpu.memory_space<vmem>>, vector<16xi32>,
        %add3A_1077 = arith.constant 48 : i32
        %add3A_1078 = arith.addi %add3A_1040, %add3A_1077 : i32
        %get3A_1079 = arith.index_cast %shift_right_logical3A_968 : i32 to index
        %get3A_1080 = arith.index_cast %add3A_1078 : i32 to index
        %get3A_1081 = tpu.vector_load %arg5[%get3A_1079, %get3A_1080] {strides = array<i32>} : memref<50x512xi32, #tpu.memory_space<vmem>>, vector<16xi32>,
        %shift_right_logical3A_1082 = arith.constant 2 : i32
        %shift_right_logical3A_1083 = vector.broadcast %shift_right_logical3A_1082 : i32 to vector<16xi32>
        %shift_right_logical3A_1084 = arith.shrui %get3A_1081, %shift_right_logical3A_1083 : vector<16xi32>
        %swap3A_1085 = arith.constant 5 : i32
        %swap3A_1086 = arith.index_cast %swap3A_1085 : i32 to index
        %swap3A_1087 = arith.constant 48 : index
        %swap3A_1088 = tpu.vector_load %arg7[%swap3A_1086, %swap3A_1087] {strides = array<i32>} : memref<8x64xi32, #tpu.memory_space<vmem>>, vector<16xi32>,
        tpu.vector_store %arg7[%swap3A_1086, %swap3A_1087], %shift_right_logical3A_1084 {strides = array<i32>} : memref<8x64xi32, #tpu.memory_space<vmem>>, vector<16xi32>,
        %dma_start3A_1089 = arith.constant 5 : i32
        %dma_start3A_1090 = arith.constant 5 : i32
        %dma_start3A_1091 = arith.constant 0 : i32
        %dma_start3A_1092 = arith.constant 0 : i32
        %dma_start3A_1093 = tpu.memref_slice %arg6[%dma_start3A_1090, %dma_start3A_1091, %dma_start3A_1092] : memref<8x64x128xf32, #tpu.memory_space<vmem>> -> memref<1x64x128xf32, #tpu.memory_space<vmem>>
        %dma_start3A_1094 = tpu.memref_squeeze %dma_start3A_1093 : memref<1x64x128xf32, #tpu.memory_space<vmem>> -> memref<64x128xf32, #tpu.memory_space<vmem>>
        %dma_start3A_1095 = arith.constant 0 : i32
        %dma_start3A_1096 = tpu.memref_slice %arg7[%dma_start3A_1089, %dma_start3A_1095] : memref<8x64xi32, #tpu.memory_space<vmem>> -> memref<1x64xi32, #tpu.memory_space<vmem>>
        %dma_start3A_1097 = tpu.memref_squeeze %dma_start3A_1096 : memref<1x64xi32, #tpu.memory_space<vmem>> -> memref<64xi32, #tpu.memory_space<vmem>>
        %dma_start3A_1098 = arith.constant 0 : i32
        %dma_start3A_1099 = arith.constant 0 : i32
        %dma_start3A_1100 = tpu.memref_slice %arg3[%dma_start3A_1098, %dma_start3A_1099] : memref<250000x128xf32, #tpu.memory_space<hbm>> -> memref<250000x128xf32, #tpu.memory_space<hbm>>
        tpu.enqueue_indirect_dma source(%dma_start3A_1100 : memref<250000x128xf32, #tpu.memory_space<hbm>>) target(%dma_start3A_1094 : memref<64x128xf32, #tpu.memory_space<vmem>>) offsets(%dma_start3A_1097 : memref<64xi32, #tpu.memory_space<vmem>>) semaphore(%arg10 : memref<!tpu.dma_semaphore, #tpu.memory_space<semaphore_mem>>)
        %and3A_1101 = arith.constant 1 : i32
        %and3A_1102 = arith.andi %add3A_966, %and3A_1101 : i32
        %mul3A_1103 = arith.constant 256 : i32
        %mul3A_1104 = arith.muli %and3A_1102, %mul3A_1103 : i32
        %add3A_1105 = arith.constant 128 : i32
        %add3A_1106 = arith.addi %mul3A_1104, %add3A_1105 : i32
        %add3A_1107 = arith.constant 0 : i32
        %add3A_1108 = arith.addi %add3A_1106, %add3A_1107 : i32
        %get3A_1109 = arith.index_cast %shift_right_logical3A_968 : i32 to index
        %get3A_1110 = arith.index_cast %add3A_1108 : i32 to index
        %get3A_1111 = tpu.vector_load %arg5[%get3A_1109, %get3A_1110] {strides = array<i32>} : memref<50x512xi32, #tpu.memory_space<vmem>>, vector<16xi32>,
        %shift_right_logical3A_1112 = arith.constant 2 : i32
        %shift_right_logical3A_1113 = vector.broadcast %shift_right_logical3A_1112 : i32 to vector<16xi32>
        %shift_right_logical3A_1114 = arith.shrui %get3A_1111, %shift_right_logical3A_1113 : vector<16xi32>
        %swap3A_1115 = arith.constant 6 : i32
        %swap3A_1116 = arith.index_cast %swap3A_1115 : i32 to index
        %swap3A_1117 = arith.constant 0 : index
        %swap3A_1118 = tpu.vector_load %arg7[%swap3A_1116, %swap3A_1117] {strides = array<i32>} : memref<8x64xi32, #tpu.memory_space<vmem>>, vector<16xi32>,
        tpu.vector_store %arg7[%swap3A_1116, %swap3A_1117], %shift_right_logical3A_1114 {strides = array<i32>} : memref<8x64xi32, #tpu.memory_space<vmem>>, vector<16xi32>,
        %add3A_1119 = arith.constant 16 : i32
        %add3A_1120 = arith.addi %add3A_1106, %add3A_1119 : i32
        %get3A_1121 = arith.index_cast %shift_right_logical3A_968 : i32 to index
        %get3A_1122 = arith.index_cast %add3A_1120 : i32 to index
        %get3A_1123 = tpu.vector_load %arg5[%get3A_1121, %get3A_1122] {strides = array<i32>} : memref<50x512xi32, #tpu.memory_space<vmem>>, vector<16xi32>,
        %shift_right_logical3A_1124 = arith.constant 2 : i32
        %shift_right_logical3A_1125 = vector.broadcast %shift_right_logical3A_1124 : i32 to vector<16xi32>
        %shift_right_logical3A_1126 = arith.shrui %get3A_1123, %shift_right_logical3A_1125 : vector<16xi32>
        %swap3A_1127 = arith.constant 6 : i32
        %swap3A_1128 = arith.index_cast %swap3A_1127 : i32 to index
        %swap3A_1129 = arith.constant 16 : index
        %swap3A_1130 = tpu.vector_load %arg7[%swap3A_1128, %swap3A_1129] {strides = array<i32>} : memref<8x64xi32, #tpu.memory_space<vmem>>, vector<16xi32>,
        tpu.vector_store %arg7[%swap3A_1128, %swap3A_1129], %shift_right_logical3A_1126 {strides = array<i32>} : memref<8x64xi32, #tpu.memory_space<vmem>>, vector<16xi32>,
        %add3A_1131 = arith.constant 32 : i32
        %add3A_1132 = arith.addi %add3A_1106, %add3A_1131 : i32
        %get3A_1133 = arith.index_cast %shift_right_logical3A_968 : i32 to index
        %get3A_1134 = arith.index_cast %add3A_1132 : i32 to index
        %get3A_1135 = tpu.vector_load %arg5[%get3A_1133, %get3A_1134] {strides = array<i32>} : memref<50x512xi32, #tpu.memory_space<vmem>>, vector<16xi32>,
        %shift_right_logical3A_1136 = arith.constant 2 : i32
        %shift_right_logical3A_1137 = vector.broadcast %shift_right_logical3A_1136 : i32 to vector<16xi32>
        %shift_right_logical3A_1138 = arith.shrui %get3A_1135, %shift_right_logical3A_1137 : vector<16xi32>
        %swap3A_1139 = arith.constant 6 : i32
        %swap3A_1140 = arith.index_cast %swap3A_1139 : i32 to index
        %swap3A_1141 = arith.constant 32 : index
        %swap3A_1142 = tpu.vector_load %arg7[%swap3A_1140, %swap3A_1141] {strides = array<i32>} : memref<8x64xi32, #tpu.memory_space<vmem>>, vector<16xi32>,
        tpu.vector_store %arg7[%swap3A_1140, %swap3A_1141], %shift_right_logical3A_1138 {strides = array<i32>} : memref<8x64xi32, #tpu.memory_space<vmem>>, vector<16xi32>,
        %add3A_1143 = arith.constant 48 : i32
        %add3A_1144 = arith.addi %add3A_1106, %add3A_1143 : i32
        %get3A_1145 = arith.index_cast %shift_right_logical3A_968 : i32 to index
        %get3A_1146 = arith.index_cast %add3A_1144 : i32 to index
        %get3A_1147 = tpu.vector_load %arg5[%get3A_1145, %get3A_1146] {strides = array<i32>} : memref<50x512xi32, #tpu.memory_space<vmem>>, vector<16xi32>,
        %shift_right_logical3A_1148 = arith.constant 2 : i32
        %shift_right_logical3A_1149 = vector.broadcast %shift_right_logical3A_1148 : i32 to vector<16xi32>
        %shift_right_logical3A_1150 = arith.shrui %get3A_1147, %shift_right_logical3A_1149 : vector<16xi32>
        %swap3A_1151 = arith.constant 6 : i32
        %swap3A_1152 = arith.index_cast %swap3A_1151 : i32 to index
        %swap3A_1153 = arith.constant 48 : index
        %swap3A_1154 = tpu.vector_load %arg7[%swap3A_1152, %swap3A_1153] {strides = array<i32>} : memref<8x64xi32, #tpu.memory_space<vmem>>, vector<16xi32>,
        tpu.vector_store %arg7[%swap3A_1152, %swap3A_1153], %shift_right_logical3A_1150 {strides = array<i32>} : memref<8x64xi32, #tpu.memory_space<vmem>>, vector<16xi32>,
        %dma_start3A_1155 = arith.constant 6 : i32
        %dma_start3A_1156 = arith.constant 6 : i32
        %dma_start3A_1157 = arith.constant 0 : i32
        %dma_start3A_1158 = arith.constant 0 : i32
        %dma_start3A_1159 = tpu.memref_slice %arg6[%dma_start3A_1156, %dma_start3A_1157, %dma_start3A_1158] : memref<8x64x128xf32, #tpu.memory_space<vmem>> -> memref<1x64x128xf32, #tpu.memory_space<vmem>>
        %dma_start3A_1160 = tpu.memref_squeeze %dma_start3A_1159 : memref<1x64x128xf32, #tpu.memory_space<vmem>> -> memref<64x128xf32, #tpu.memory_space<vmem>>
        %dma_start3A_1161 = arith.constant 0 : i32
        %dma_start3A_1162 = tpu.memref_slice %arg7[%dma_start3A_1155, %dma_start3A_1161] : memref<8x64xi32, #tpu.memory_space<vmem>> -> memref<1x64xi32, #tpu.memory_space<vmem>>
        %dma_start3A_1163 = tpu.memref_squeeze %dma_start3A_1162 : memref<1x64xi32, #tpu.memory_space<vmem>> -> memref<64xi32, #tpu.memory_space<vmem>>
        %dma_start3A_1164 = arith.constant 0 : i32
        %dma_start3A_1165 = arith.constant 0 : i32
        %dma_start3A_1166 = tpu.memref_slice %arg3[%dma_start3A_1164, %dma_start3A_1165] : memref<250000x128xf32, #tpu.memory_space<hbm>> -> memref<250000x128xf32, #tpu.memory_space<hbm>>
        tpu.enqueue_indirect_dma source(%dma_start3A_1166 : memref<250000x128xf32, #tpu.memory_space<hbm>>) target(%dma_start3A_1160 : memref<64x128xf32, #tpu.memory_space<vmem>>) offsets(%dma_start3A_1163 : memref<64xi32, #tpu.memory_space<vmem>>) semaphore(%arg10 : memref<!tpu.dma_semaphore, #tpu.memory_space<semaphore_mem>>)
        %and3A_1167 = arith.constant 1 : i32
        %and3A_1168 = arith.andi %add3A_966, %and3A_1167 : i32
        %mul3A_1169 = arith.constant 256 : i32
        %mul3A_1170 = arith.muli %and3A_1168, %mul3A_1169 : i32
        %add3A_1171 = arith.constant 192 : i32
        %add3A_1172 = arith.addi %mul3A_1170, %add3A_1171 : i32
        %add3A_1173 = arith.constant 0 : i32
        %add3A_1174 = arith.addi %add3A_1172, %add3A_1173 : i32
        %get3A_1175 = arith.index_cast %shift_right_logical3A_968 : i32 to index
        %get3A_1176 = arith.index_cast %add3A_1174 : i32 to index
        %get3A_1177 = tpu.vector_load %arg5[%get3A_1175, %get3A_1176] {strides = array<i32>} : memref<50x512xi32, #tpu.memory_space<vmem>>, vector<16xi32>,
        %shift_right_logical3A_1178 = arith.constant 2 : i32
        %shift_right_logical3A_1179 = vector.broadcast %shift_right_logical3A_1178 : i32 to vector<16xi32>
        %shift_right_logical3A_1180 = arith.shrui %get3A_1177, %shift_right_logical3A_1179 : vector<16xi32>
        %swap3A_1181 = arith.constant 7 : i32
        %swap3A_1182 = arith.index_cast %swap3A_1181 : i32 to index
        %swap3A_1183 = arith.constant 0 : index
        %swap3A_1184 = tpu.vector_load %arg7[%swap3A_1182, %swap3A_1183] {strides = array<i32>} : memref<8x64xi32, #tpu.memory_space<vmem>>, vector<16xi32>,
        tpu.vector_store %arg7[%swap3A_1182, %swap3A_1183], %shift_right_logical3A_1180 {strides = array<i32>} : memref<8x64xi32, #tpu.memory_space<vmem>>, vector<16xi32>,
        %add3A_1185 = arith.constant 16 : i32
        %add3A_1186 = arith.addi %add3A_1172, %add3A_1185 : i32
        %get3A_1187 = arith.index_cast %shift_right_logical3A_968 : i32 to index
        %get3A_1188 = arith.index_cast %add3A_1186 : i32 to index
        %get3A_1189 = tpu.vector_load %arg5[%get3A_1187, %get3A_1188] {strides = array<i32>} : memref<50x512xi32, #tpu.memory_space<vmem>>, vector<16xi32>,
        %shift_right_logical3A_1190 = arith.constant 2 : i32
        %shift_right_logical3A_1191 = vector.broadcast %shift_right_logical3A_1190 : i32 to vector<16xi32>
        %shift_right_logical3A_1192 = arith.shrui %get3A_1189, %shift_right_logical3A_1191 : vector<16xi32>
        %swap3A_1193 = arith.constant 7 : i32
        %swap3A_1194 = arith.index_cast %swap3A_1193 : i32 to index
        %swap3A_1195 = arith.constant 16 : index
        %swap3A_1196 = tpu.vector_load %arg7[%swap3A_1194, %swap3A_1195] {strides = array<i32>} : memref<8x64xi32, #tpu.memory_space<vmem>>, vector<16xi32>,
        tpu.vector_store %arg7[%swap3A_1194, %swap3A_1195], %shift_right_logical3A_1192 {strides = array<i32>} : memref<8x64xi32, #tpu.memory_space<vmem>>, vector<16xi32>,
        %add3A_1197 = arith.constant 32 : i32
        %add3A_1198 = arith.addi %add3A_1172, %add3A_1197 : i32
        %get3A_1199 = arith.index_cast %shift_right_logical3A_968 : i32 to index
        %get3A_1200 = arith.index_cast %add3A_1198 : i32 to index
        %get3A_1201 = tpu.vector_load %arg5[%get3A_1199, %get3A_1200] {strides = array<i32>} : memref<50x512xi32, #tpu.memory_space<vmem>>, vector<16xi32>,
        %shift_right_logical3A_1202 = arith.constant 2 : i32
        %shift_right_logical3A_1203 = vector.broadcast %shift_right_logical3A_1202 : i32 to vector<16xi32>
        %shift_right_logical3A_1204 = arith.shrui %get3A_1201, %shift_right_logical3A_1203 : vector<16xi32>
        %swap3A_1205 = arith.constant 7 : i32
        %swap3A_1206 = arith.index_cast %swap3A_1205 : i32 to index
        %swap3A_1207 = arith.constant 32 : index
        %swap3A_1208 = tpu.vector_load %arg7[%swap3A_1206, %swap3A_1207] {strides = array<i32>} : memref<8x64xi32, #tpu.memory_space<vmem>>, vector<16xi32>,
        tpu.vector_store %arg7[%swap3A_1206, %swap3A_1207], %shift_right_logical3A_1204 {strides = array<i32>} : memref<8x64xi32, #tpu.memory_space<vmem>>, vector<16xi32>,
        %add3A_1209 = arith.constant 48 : i32
        %add3A_1210 = arith.addi %add3A_1172, %add3A_1209 : i32
        %get3A_1211 = arith.index_cast %shift_right_logical3A_968 : i32 to index
        %get3A_1212 = arith.index_cast %add3A_1210 : i32 to index
        %get3A_1213 = tpu.vector_load %arg5[%get3A_1211, %get3A_1212] {strides = array<i32>} : memref<50x512xi32, #tpu.memory_space<vmem>>, vector<16xi32>,
        %shift_right_logical3A_1214 = arith.constant 2 : i32
        %shift_right_logical3A_1215 = vector.broadcast %shift_right_logical3A_1214 : i32 to vector<16xi32>
        %shift_right_logical3A_1216 = arith.shrui %get3A_1213, %shift_right_logical3A_1215 : vector<16xi32>
        %swap3A_1217 = arith.constant 7 : i32
        %swap3A_1218 = arith.index_cast %swap3A_1217 : i32 to index
        %swap3A_1219 = arith.constant 48 : index
        %swap3A_1220 = tpu.vector_load %arg7[%swap3A_1218, %swap3A_1219] {strides = array<i32>} : memref<8x64xi32, #tpu.memory_space<vmem>>, vector<16xi32>,
        tpu.vector_store %arg7[%swap3A_1218, %swap3A_1219], %shift_right_logical3A_1216 {strides = array<i32>} : memref<8x64xi32, #tpu.memory_space<vmem>>, vector<16xi32>,
        %dma_start3A_1221 = arith.constant 7 : i32
        %dma_start3A_1222 = arith.constant 7 : i32
        %dma_start3A_1223 = arith.constant 0 : i32
        %dma_start3A_1224 = arith.constant 0 : i32
        %dma_start3A_1225 = tpu.memref_slice %arg6[%dma_start3A_1222, %dma_start3A_1223, %dma_start3A_1224] : memref<8x64x128xf32, #tpu.memory_space<vmem>> -> memref<1x64x128xf32, #tpu.memory_space<vmem>>
        %dma_start3A_1226 = tpu.memref_squeeze %dma_start3A_1225 : memref<1x64x128xf32, #tpu.memory_space<vmem>> -> memref<64x128xf32, #tpu.memory_space<vmem>>
        %dma_start3A_1227 = arith.constant 0 : i32
        %dma_start3A_1228 = tpu.memref_slice %arg7[%dma_start3A_1221, %dma_start3A_1227] : memref<8x64xi32, #tpu.memory_space<vmem>> -> memref<1x64xi32, #tpu.memory_space<vmem>>
        %dma_start3A_1229 = tpu.memref_squeeze %dma_start3A_1228 : memref<1x64xi32, #tpu.memory_space<vmem>> -> memref<64xi32, #tpu.memory_space<vmem>>
        %dma_start3A_1230 = arith.constant 0 : i32
        %dma_start3A_1231 = arith.constant 0 : i32
        %dma_start3A_1232 = tpu.memref_slice %arg3[%dma_start3A_1230, %dma_start3A_1231] : memref<250000x128xf32, #tpu.memory_space<hbm>> -> memref<250000x128xf32, #tpu.memory_space<hbm>>
        tpu.enqueue_indirect_dma source(%dma_start3A_1232 : memref<250000x128xf32, #tpu.memory_space<hbm>>) target(%dma_start3A_1226 : memref<64x128xf32, #tpu.memory_space<vmem>>) offsets(%dma_start3A_1229 : memref<64xi32, #tpu.memory_space<vmem>>) semaphore(%arg10 : memref<!tpu.dma_semaphore, #tpu.memory_space<semaphore_mem>>)
      } else {
      }
      %dma_wait3A_381 = arith.constant 0 : i32
      %dma_wait3A_382 = arith.constant 0 : i32
      %dma_wait3A_383 = arith.constant 0 : i32
      %dma_wait3A_384 = arith.constant 0 : i32
      %dma_wait3A_385 = tpu.memref_slice %arg6[%dma_wait3A_382, %dma_wait3A_383, %dma_wait3A_384] : memref<8x64x128xf32, #tpu.memory_space<vmem>> -> memref<1x64x128xf32, #tpu.memory_space<vmem>>
      %dma_wait3A_386 = tpu.memref_squeeze %dma_wait3A_385 : memref<1x64x128xf32, #tpu.memory_space<vmem>> -> memref<64x128xf32, #tpu.memory_space<vmem>>
      %dma_wait3A_387 = arith.constant 0 : i32
      %dma_wait3A_388 = tpu.memref_slice %arg7[%dma_wait3A_381, %dma_wait3A_387] : memref<8x64xi32, #tpu.memory_space<vmem>> -> memref<1x64xi32, #tpu.memory_space<vmem>>
      %dma_wait3A_389 = tpu.memref_squeeze %dma_wait3A_388 : memref<1x64xi32, #tpu.memory_space<vmem>> -> memref<64xi32, #tpu.memory_space<vmem>>
      %dma_wait3A_390 = arith.constant 0 : i32
      %dma_wait3A_391 = arith.constant 0 : i32
      %dma_wait3A_392 = tpu.memref_slice %arg3[%dma_wait3A_390, %dma_wait3A_391] : memref<250000x128xf32, #tpu.memory_space<hbm>> -> memref<250000x128xf32, #tpu.memory_space<hbm>>
      tpu.wait_indirect_dma semaphore(%arg9 : memref<!tpu.dma_semaphore, #tpu.memory_space<semaphore_mem>>) src(%dma_wait3A_392 : memref<250000x128xf32, #tpu.memory_space<hbm>>) dst(%dma_wait3A_386 : memref<64x128xf32, #tpu.memory_space<vmem>>)
      %dma_wait3A_393 = arith.constant 1 : i32
      %dma_wait3A_394 = arith.constant 1 : i32
      %dma_wait3A_395 = arith.constant 0 : i32
      %dma_wait3A_396 = arith.constant 0 : i32
      %dma_wait3A_397 = tpu.memref_slice %arg6[%dma_wait3A_394, %dma_wait3A_395, %dma_wait3A_396] : memref<8x64x128xf32, #tpu.memory_space<vmem>> -> memref<1x64x128xf32, #tpu.memory_space<vmem>>
      %dma_wait3A_398 = tpu.memref_squeeze %dma_wait3A_397 : memref<1x64x128xf32, #tpu.memory_space<vmem>> -> memref<64x128xf32, #tpu.memory_space<vmem>>
      %dma_wait3A_399 = arith.constant 0 : i32
      %dma_wait3A_400 = tpu.memref_slice %arg7[%dma_wait3A_393, %dma_wait3A_399] : memref<8x64xi32, #tpu.memory_space<vmem>> -> memref<1x64xi32, #tpu.memory_space<vmem>>
      %dma_wait3A_401 = tpu.memref_squeeze %dma_wait3A_400 : memref<1x64xi32, #tpu.memory_space<vmem>> -> memref<64xi32, #tpu.memory_space<vmem>>
      %dma_wait3A_402 = arith.constant 0 : i32
      %dma_wait3A_403 = arith.constant 0 : i32
      %dma_wait3A_404 = tpu.memref_slice %arg3[%dma_wait3A_402, %dma_wait3A_403] : memref<250000x128xf32, #tpu.memory_space<hbm>> -> memref<250000x128xf32, #tpu.memory_space<hbm>>
      tpu.wait_indirect_dma semaphore(%arg9 : memref<!tpu.dma_semaphore, #tpu.memory_space<semaphore_mem>>) src(%dma_wait3A_404 : memref<250000x128xf32, #tpu.memory_space<hbm>>) dst(%dma_wait3A_398 : memref<64x128xf32, #tpu.memory_space<vmem>>)
      %dma_wait3A_405 = arith.constant 2 : i32
      %dma_wait3A_406 = arith.constant 2 : i32
      %dma_wait3A_407 = arith.constant 0 : i32
      %dma_wait3A_408 = arith.constant 0 : i32
      %dma_wait3A_409 = tpu.memref_slice %arg6[%dma_wait3A_406, %dma_wait3A_407, %dma_wait3A_408] : memref<8x64x128xf32, #tpu.memory_space<vmem>> -> memref<1x64x128xf32, #tpu.memory_space<vmem>>
      %dma_wait3A_410 = tpu.memref_squeeze %dma_wait3A_409 : memref<1x64x128xf32, #tpu.memory_space<vmem>> -> memref<64x128xf32, #tpu.memory_space<vmem>>
      %dma_wait3A_411 = arith.constant 0 : i32
      %dma_wait3A_412 = tpu.memref_slice %arg7[%dma_wait3A_405, %dma_wait3A_411] : memref<8x64xi32, #tpu.memory_space<vmem>> -> memref<1x64xi32, #tpu.memory_space<vmem>>
      %dma_wait3A_413 = tpu.memref_squeeze %dma_wait3A_412 : memref<1x64xi32, #tpu.memory_space<vmem>> -> memref<64xi32, #tpu.memory_space<vmem>>
      %dma_wait3A_414 = arith.constant 0 : i32
      %dma_wait3A_415 = arith.constant 0 : i32
      %dma_wait3A_416 = tpu.memref_slice %arg3[%dma_wait3A_414, %dma_wait3A_415] : memref<250000x128xf32, #tpu.memory_space<hbm>> -> memref<250000x128xf32, #tpu.memory_space<hbm>>
      tpu.wait_indirect_dma semaphore(%arg9 : memref<!tpu.dma_semaphore, #tpu.memory_space<semaphore_mem>>) src(%dma_wait3A_416 : memref<250000x128xf32, #tpu.memory_space<hbm>>) dst(%dma_wait3A_410 : memref<64x128xf32, #tpu.memory_space<vmem>>)
      %dma_wait3A_417 = arith.constant 3 : i32
      %dma_wait3A_418 = arith.constant 3 : i32
      %dma_wait3A_419 = arith.constant 0 : i32
      %dma_wait3A_420 = arith.constant 0 : i32
      %dma_wait3A_421 = tpu.memref_slice %arg6[%dma_wait3A_418, %dma_wait3A_419, %dma_wait3A_420] : memref<8x64x128xf32, #tpu.memory_space<vmem>> -> memref<1x64x128xf32, #tpu.memory_space<vmem>>
      %dma_wait3A_422 = tpu.memref_squeeze %dma_wait3A_421 : memref<1x64x128xf32, #tpu.memory_space<vmem>> -> memref<64x128xf32, #tpu.memory_space<vmem>>
      %dma_wait3A_423 = arith.constant 0 : i32
      %dma_wait3A_424 = tpu.memref_slice %arg7[%dma_wait3A_417, %dma_wait3A_423] : memref<8x64xi32, #tpu.memory_space<vmem>> -> memref<1x64xi32, #tpu.memory_space<vmem>>
      %dma_wait3A_425 = tpu.memref_squeeze %dma_wait3A_424 : memref<1x64xi32, #tpu.memory_space<vmem>> -> memref<64xi32, #tpu.memory_space<vmem>>
      %dma_wait3A_426 = arith.constant 0 : i32
      %dma_wait3A_427 = arith.constant 0 : i32
      %dma_wait3A_428 = tpu.memref_slice %arg3[%dma_wait3A_426, %dma_wait3A_427] : memref<250000x128xf32, #tpu.memory_space<hbm>> -> memref<250000x128xf32, #tpu.memory_space<hbm>>
      tpu.wait_indirect_dma semaphore(%arg9 : memref<!tpu.dma_semaphore, #tpu.memory_space<semaphore_mem>>) src(%dma_wait3A_428 : memref<250000x128xf32, #tpu.memory_space<hbm>>) dst(%dma_wait3A_422 : memref<64x128xf32, #tpu.memory_space<vmem>>)
      %shift_right_logical3A_429 = arith.constant 1 : i32
      %shift_right_logical3A_430 = arith.shrui %add3A_372, %shift_right_logical3A_429 : i32
      %and3A_431 = arith.constant 1 : i32
      %and3A_432 = arith.andi %add3A_372, %and3A_431 : i32
      %mul3A_433 = arith.constant 256 : i32
      %mul3A_434 = arith.muli %and3A_432, %mul3A_433 : i32
      %add3A_435 = arith.constant 0 : i32
      %add3A_436 = arith.addi %mul3A_434, %add3A_435 : i32
      %add3A_437 = arith.constant 0 : i32
      %add3A_438 = arith.addi %add3A_436, %add3A_437 : i32
      %get3A_439 = arith.index_cast %shift_right_logical3A_430 : i32 to index
      %get3A_440 = arith.index_cast %add3A_438 : i32 to index
      %get3A_441 = tpu.vector_load %arg5[%get3A_439, %get3A_440] {strides = array<i32>} : memref<50x512xi32, #tpu.memory_space<vmem>>, vector<16xi32>,
      %and3A_442 = arith.constant 3 : i32
      %and3A_443 = vector.broadcast %and3A_442 : i32 to vector<16xi32>
      %and3A_444 = arith.andi %get3A_441, %and3A_443 : vector<16xi32>
      %shift_left3A = arith.constant 5 : i32
      %shift_left3A_445 = vector.broadcast %shift_left3A : i32 to vector<16xi32>
      %shift_left3A_446 = arith.shli %and3A_444, %shift_left3A_445 : vector<16xi32>
      %add3A_447 = arith.constant 16 : i32
      %add3A_448 = arith.addi %add3A_436, %add3A_447 : i32
      %get3A_449 = arith.index_cast %shift_right_logical3A_430 : i32 to index
      %get3A_450 = arith.index_cast %add3A_448 : i32 to index
      %get3A_451 = tpu.vector_load %arg5[%get3A_449, %get3A_450] {strides = array<i32>} : memref<50x512xi32, #tpu.memory_space<vmem>>, vector<16xi32>,
      %and3A_452 = arith.constant 3 : i32
      %and3A_453 = vector.broadcast %and3A_452 : i32 to vector<16xi32>
      %and3A_454 = arith.andi %get3A_451, %and3A_453 : vector<16xi32>
      %shift_left3A_455 = arith.constant 5 : i32
      %shift_left3A_456 = vector.broadcast %shift_left3A_455 : i32 to vector<16xi32>
      %shift_left3A_457 = arith.shli %and3A_454, %shift_left3A_456 : vector<16xi32>
      %add3A_458 = arith.constant 32 : i32
      %add3A_459 = arith.addi %add3A_436, %add3A_458 : i32
      %get3A_460 = arith.index_cast %shift_right_logical3A_430 : i32 to index
      %get3A_461 = arith.index_cast %add3A_459 : i32 to index
      %get3A_462 = tpu.vector_load %arg5[%get3A_460, %get3A_461] {strides = array<i32>} : memref<50x512xi32, #tpu.memory_space<vmem>>, vector<16xi32>,
      %and3A_463 = arith.constant 3 : i32
      %and3A_464 = vector.broadcast %and3A_463 : i32 to vector<16xi32>
      %and3A_465 = arith.andi %get3A_462, %and3A_464 : vector<16xi32>
      %shift_left3A_466 = arith.constant 5 : i32
      %shift_left3A_467 = vector.broadcast %shift_left3A_466 : i32 to vector<16xi32>
      %shift_left3A_468 = arith.shli %and3A_465, %shift_left3A_467 : vector<16xi32>
      %add3A_469 = arith.constant 48 : i32
      %add3A_470 = arith.addi %add3A_436, %add3A_469 : i32
      %get3A_471 = arith.index_cast %shift_right_logical3A_430 : i32 to index
      %get3A_472 = arith.index_cast %add3A_470 : i32 to index
      %get3A_473 = tpu.vector_load %arg5[%get3A_471, %get3A_472] {strides = array<i32>} : memref<50x512xi32, #tpu.memory_space<vmem>>, vector<16xi32>,
      %and3A_474 = arith.constant 3 : i32
      %and3A_475 = vector.broadcast %and3A_474 : i32 to vector<16xi32>
      %and3A_476 = arith.andi %get3A_473, %and3A_475 : vector<16xi32>
      %shift_left3A_477 = arith.constant 5 : i32
      %shift_left3A_478 = vector.broadcast %shift_left3A_477 : i32 to vector<16xi32>
      %shift_left3A_479 = arith.shli %and3A_476, %shift_left3A_478 : vector<16xi32>
      %and3A_480 = arith.constant 1 : i32
      %and3A_481 = arith.andi %add3A_372, %and3A_480 : i32
      %mul3A_482 = arith.constant 256 : i32
      %mul3A_483 = arith.muli %and3A_481, %mul3A_482 : i32
      %add3A_484 = arith.constant 64 : i32
      %add3A_485 = arith.addi %mul3A_483, %add3A_484 : i32
      %add3A_486 = arith.constant 0 : i32
      %add3A_487 = arith.addi %add3A_485, %add3A_486 : i32
      %get3A_488 = arith.index_cast %shift_right_logical3A_430 : i32 to index
      %get3A_489 = arith.index_cast %add3A_487 : i32 to index
      %get3A_490 = tpu.vector_load %arg5[%get3A_488, %get3A_489] {strides = array<i32>} : memref<50x512xi32, #tpu.memory_space<vmem>>, vector<16xi32>,
      %and3A_491 = arith.constant 3 : i32
      %and3A_492 = vector.broadcast %and3A_491 : i32 to vector<16xi32>
      %and3A_493 = arith.andi %get3A_490, %and3A_492 : vector<16xi32>
      %shift_left3A_494 = arith.constant 5 : i32
      %shift_left3A_495 = vector.broadcast %shift_left3A_494 : i32 to vector<16xi32>
      %shift_left3A_496 = arith.shli %and3A_493, %shift_left3A_495 : vector<16xi32>
      %add3A_497 = arith.constant 16 : i32
      %add3A_498 = arith.addi %add3A_485, %add3A_497 : i32
      %get3A_499 = arith.index_cast %shift_right_logical3A_430 : i32 to index
      %get3A_500 = arith.index_cast %add3A_498 : i32 to index
      %get3A_501 = tpu.vector_load %arg5[%get3A_499, %get3A_500] {strides = array<i32>} : memref<50x512xi32, #tpu.memory_space<vmem>>, vector<16xi32>,
      %and3A_502 = arith.constant 3 : i32
      %and3A_503 = vector.broadcast %and3A_502 : i32 to vector<16xi32>
      %and3A_504 = arith.andi %get3A_501, %and3A_503 : vector<16xi32>
      %shift_left3A_505 = arith.constant 5 : i32
      %shift_left3A_506 = vector.broadcast %shift_left3A_505 : i32 to vector<16xi32>
      %shift_left3A_507 = arith.shli %and3A_504, %shift_left3A_506 : vector<16xi32>
      %add3A_508 = arith.constant 32 : i32
      %add3A_509 = arith.addi %add3A_485, %add3A_508 : i32
      %get3A_510 = arith.index_cast %shift_right_logical3A_430 : i32 to index
      %get3A_511 = arith.index_cast %add3A_509 : i32 to index
      %get3A_512 = tpu.vector_load %arg5[%get3A_510, %get3A_511] {strides = array<i32>} : memref<50x512xi32, #tpu.memory_space<vmem>>, vector<16xi32>,
      %and3A_513 = arith.constant 3 : i32
      %and3A_514 = vector.broadcast %and3A_513 : i32 to vector<16xi32>
      %and3A_515 = arith.andi %get3A_512, %and3A_514 : vector<16xi32>
      %shift_left3A_516 = arith.constant 5 : i32
      %shift_left3A_517 = vector.broadcast %shift_left3A_516 : i32 to vector<16xi32>
      %shift_left3A_518 = arith.shli %and3A_515, %shift_left3A_517 : vector<16xi32>
      %add3A_519 = arith.constant 48 : i32
      %add3A_520 = arith.addi %add3A_485, %add3A_519 : i32
      %get3A_521 = arith.index_cast %shift_right_logical3A_430 : i32 to index
      %get3A_522 = arith.index_cast %add3A_520 : i32 to index
      %get3A_523 = tpu.vector_load %arg5[%get3A_521, %get3A_522] {strides = array<i32>} : memref<50x512xi32, #tpu.memory_space<vmem>>, vector<16xi32>,
      %and3A_524 = arith.constant 3 : i32
      %and3A_525 = vector.broadcast %and3A_524 : i32 to vector<16xi32>
      %and3A_526 = arith.andi %get3A_523, %and3A_525 : vector<16xi32>
      %shift_left3A_527 = arith.constant 5 : i32
      %shift_left3A_528 = vector.broadcast %shift_left3A_527 : i32 to vector<16xi32>
      %shift_left3A_529 = arith.shli %and3A_526, %shift_left3A_528 : vector<16xi32>
      %and3A_530 = arith.constant 1 : i32
      %and3A_531 = arith.andi %add3A_372, %and3A_530 : i32
      %mul3A_532 = arith.constant 256 : i32
      %mul3A_533 = arith.muli %and3A_531, %mul3A_532 : i32
      %add3A_534 = arith.constant 128 : i32
      %add3A_535 = arith.addi %mul3A_533, %add3A_534 : i32
      %add3A_536 = arith.constant 0 : i32
      %add3A_537 = arith.addi %add3A_535, %add3A_536 : i32
      %get3A_538 = arith.index_cast %shift_right_logical3A_430 : i32 to index
      %get3A_539 = arith.index_cast %add3A_537 : i32 to index
      %get3A_540 = tpu.vector_load %arg5[%get3A_538, %get3A_539] {strides = array<i32>} : memref<50x512xi32, #tpu.memory_space<vmem>>, vector<16xi32>,
      %and3A_541 = arith.constant 3 : i32
      %and3A_542 = vector.broadcast %and3A_541 : i32 to vector<16xi32>
      %and3A_543 = arith.andi %get3A_540, %and3A_542 : vector<16xi32>
      %shift_left3A_544 = arith.constant 5 : i32
      %shift_left3A_545 = vector.broadcast %shift_left3A_544 : i32 to vector<16xi32>
      %shift_left3A_546 = arith.shli %and3A_543, %shift_left3A_545 : vector<16xi32>
      %add3A_547 = arith.constant 16 : i32
      %add3A_548 = arith.addi %add3A_535, %add3A_547 : i32
      %get3A_549 = arith.index_cast %shift_right_logical3A_430 : i32 to index
      %get3A_550 = arith.index_cast %add3A_548 : i32 to index
      %get3A_551 = tpu.vector_load %arg5[%get3A_549, %get3A_550] {strides = array<i32>} : memref<50x512xi32, #tpu.memory_space<vmem>>, vector<16xi32>,
      %and3A_552 = arith.constant 3 : i32
      %and3A_553 = vector.broadcast %and3A_552 : i32 to vector<16xi32>
      %and3A_554 = arith.andi %get3A_551, %and3A_553 : vector<16xi32>
      %shift_left3A_555 = arith.constant 5 : i32
      %shift_left3A_556 = vector.broadcast %shift_left3A_555 : i32 to vector<16xi32>
      %shift_left3A_557 = arith.shli %and3A_554, %shift_left3A_556 : vector<16xi32>
      %add3A_558 = arith.constant 32 : i32
      %add3A_559 = arith.addi %add3A_535, %add3A_558 : i32
      %get3A_560 = arith.index_cast %shift_right_logical3A_430 : i32 to index
      %get3A_561 = arith.index_cast %add3A_559 : i32 to index
      %get3A_562 = tpu.vector_load %arg5[%get3A_560, %get3A_561] {strides = array<i32>} : memref<50x512xi32, #tpu.memory_space<vmem>>, vector<16xi32>,
      %and3A_563 = arith.constant 3 : i32
      %and3A_564 = vector.broadcast %and3A_563 : i32 to vector<16xi32>
      %and3A_565 = arith.andi %get3A_562, %and3A_564 : vector<16xi32>
      %shift_left3A_566 = arith.constant 5 : i32
      %shift_left3A_567 = vector.broadcast %shift_left3A_566 : i32 to vector<16xi32>
      %shift_left3A_568 = arith.shli %and3A_565, %shift_left3A_567 : vector<16xi32>
      %add3A_569 = arith.constant 48 : i32
      %add3A_570 = arith.addi %add3A_535, %add3A_569 : i32
      %get3A_571 = arith.index_cast %shift_right_logical3A_430 : i32 to index
      %get3A_572 = arith.index_cast %add3A_570 : i32 to index
      %get3A_573 = tpu.vector_load %arg5[%get3A_571, %get3A_572] {strides = array<i32>} : memref<50x512xi32, #tpu.memory_space<vmem>>, vector<16xi32>,
      %and3A_574 = arith.constant 3 : i32
      %and3A_575 = vector.broadcast %and3A_574 : i32 to vector<16xi32>
      %and3A_576 = arith.andi %get3A_573, %and3A_575 : vector<16xi32>
      %shift_left3A_577 = arith.constant 5 : i32
      %shift_left3A_578 = vector.broadcast %shift_left3A_577 : i32 to vector<16xi32>
      %shift_left3A_579 = arith.shli %and3A_576, %shift_left3A_578 : vector<16xi32>
      %and3A_580 = arith.constant 1 : i32
      %and3A_581 = arith.andi %add3A_372, %and3A_580 : i32
      %mul3A_582 = arith.constant 256 : i32
      %mul3A_583 = arith.muli %and3A_581, %mul3A_582 : i32
      %add3A_584 = arith.constant 192 : i32
      %add3A_585 = arith.addi %mul3A_583, %add3A_584 : i32
      %add3A_586 = arith.constant 0 : i32
      %add3A_587 = arith.addi %add3A_585, %add3A_586 : i32
      %get3A_588 = arith.index_cast %shift_right_logical3A_430 : i32 to index
      %get3A_589 = arith.index_cast %add3A_587 : i32 to index
      %get3A_590 = tpu.vector_load %arg5[%get3A_588, %get3A_589] {strides = array<i32>} : memref<50x512xi32, #tpu.memory_space<vmem>>, vector<16xi32>,
      %and3A_591 = arith.constant 3 : i32
      %and3A_592 = vector.broadcast %and3A_591 : i32 to vector<16xi32>
      %and3A_593 = arith.andi %get3A_590, %and3A_592 : vector<16xi32>
      %shift_left3A_594 = arith.constant 5 : i32
      %shift_left3A_595 = vector.broadcast %shift_left3A_594 : i32 to vector<16xi32>
      %shift_left3A_596 = arith.shli %and3A_593, %shift_left3A_595 : vector<16xi32>
      %add3A_597 = arith.constant 16 : i32
      %add3A_598 = arith.addi %add3A_585, %add3A_597 : i32
      %get3A_599 = arith.index_cast %shift_right_logical3A_430 : i32 to index
      %get3A_600 = arith.index_cast %add3A_598 : i32 to index
      %get3A_601 = tpu.vector_load %arg5[%get3A_599, %get3A_600] {strides = array<i32>} : memref<50x512xi32, #tpu.memory_space<vmem>>, vector<16xi32>,
      %and3A_602 = arith.constant 3 : i32
      %and3A_603 = vector.broadcast %and3A_602 : i32 to vector<16xi32>
      %and3A_604 = arith.andi %get3A_601, %and3A_603 : vector<16xi32>
      %shift_left3A_605 = arith.constant 5 : i32
      %shift_left3A_606 = vector.broadcast %shift_left3A_605 : i32 to vector<16xi32>
      %shift_left3A_607 = arith.shli %and3A_604, %shift_left3A_606 : vector<16xi32>
      %add3A_608 = arith.constant 32 : i32
      %add3A_609 = arith.addi %add3A_585, %add3A_608 : i32
      %get3A_610 = arith.index_cast %shift_right_logical3A_430 : i32 to index
      %get3A_611 = arith.index_cast %add3A_609 : i32 to index
      %get3A_612 = tpu.vector_load %arg5[%get3A_610, %get3A_611] {strides = array<i32>} : memref<50x512xi32, #tpu.memory_space<vmem>>, vector<16xi32>,
      %and3A_613 = arith.constant 3 : i32
      %and3A_614 = vector.broadcast %and3A_613 : i32 to vector<16xi32>
      %and3A_615 = arith.andi %get3A_612, %and3A_614 : vector<16xi32>
      %shift_left3A_616 = arith.constant 5 : i32
      %shift_left3A_617 = vector.broadcast %shift_left3A_616 : i32 to vector<16xi32>
      %shift_left3A_618 = arith.shli %and3A_615, %shift_left3A_617 : vector<16xi32>
      %add3A_619 = arith.constant 48 : i32
      %add3A_620 = arith.addi %add3A_585, %add3A_619 : i32
      %get3A_621 = arith.index_cast %shift_right_logical3A_430 : i32 to index
      %get3A_622 = arith.index_cast %add3A_620 : i32 to index
      %get3A_623 = tpu.vector_load %arg5[%get3A_621, %get3A_622] {strides = array<i32>} : memref<50x512xi32, #tpu.memory_space<vmem>>, vector<16xi32>,
      %and3A_624 = arith.constant 3 : i32
      %and3A_625 = vector.broadcast %and3A_624 : i32 to vector<16xi32>
      %and3A_626 = arith.andi %get3A_623, %and3A_625 : vector<16xi32>
      %shift_left3A_627 = arith.constant 5 : i32
      %shift_left3A_628 = vector.broadcast %shift_left3A_627 : i32 to vector<16xi32>
      %shift_left3A_629 = arith.shli %and3A_626, %shift_left3A_628 : vector<16xi32>
      %parallel_loop3A = arith.constant 0 : i32
      %parallel_loop3A_630 = arith.constant 32 : i32
      %parallel_loop3A_631 = arith.constant 1 : i32
      scf.for %parallel_loop3A_965 = %parallel_loop3A to %parallel_loop3A_630 step %parallel_loop3A_631  : i32 {
        %parallel_loop3A_966 = arith.constant 3 : i32
        %parallel_loop3A_967 = arith.shrui %parallel_loop3A_965, %parallel_loop3A_966 : i32
        %parallel_loop3A_968 = arith.constant 7 : i32
        %parallel_loop3A_969 = arith.andi %parallel_loop3A_965, %parallel_loop3A_968 : i32
        %parallel_loop3A_970 = vector.broadcast %parallel_loop3A_965 : i32 to vector<16xi32>
        %parallel_loop3A_971 = arith.addi %shift_left3A_446, %parallel_loop3A_970 : vector<16xi32>
        %parallel_loop3A_972 = arith.constant 0 : i32
        %parallel_loop3A_973 = arith.constant 0 : i32
        %parallel_loop3A_974 = arith.constant 0 : i32
        %parallel_loop3A_975 = tpu.memref_slice %arg6[%parallel_loop3A_972, %parallel_loop3A_973, %parallel_loop3A_974] : memref<8x64x128xf32, #tpu.memory_space<vmem>> -> memref<1x64x128xf32, #tpu.memory_space<vmem>>
        %parallel_loop3A_976 = tpu.memref_squeeze %parallel_loop3A_975 : memref<1x64x128xf32, #tpu.memory_space<vmem>> -> memref<64x128xf32, #tpu.memory_space<vmem>>
        %parallel_loop3A_977 = tpu.vector_load_idx %parallel_loop3A_976[%add3A_5, %parallel_loop3A_971] : memref<64x128xf32, #tpu.memory_space<vmem>>[vector<16xi32>, vector<16xi32>], vector<16xf32>,
        %parallel_loop3A_978 = arith.constant 0 : i32
        %parallel_loop3A_979 = arith.constant 0 : i32
        %parallel_loop3A_980 = arith.index_cast %parallel_loop3A_978 : i32 to index
        %parallel_loop3A_981 = arith.index_cast %parallel_loop3A_967 : i32 to index
        %parallel_loop3A_982 = arith.index_cast %parallel_loop3A_979 : i32 to index
        %parallel_loop3A_983 = arith.index_cast %parallel_loop3A_969 : i32 to index
        %parallel_loop3A_984 = arith.constant 0 : index
        %parallel_loop3A_985 = tpu.vector_load %arg8[%parallel_loop3A_980, %parallel_loop3A_981, %parallel_loop3A_982, %parallel_loop3A_983, %parallel_loop3A_984] {strides = array<i32>} : memref<2x4x2x8x128xf32, #tpu.memory_space<vmem>>, vector<16xf32>,
        tpu.vector_store %arg8[%parallel_loop3A_980, %parallel_loop3A_981, %parallel_loop3A_982, %parallel_loop3A_983, %parallel_loop3A_984], %parallel_loop3A_977 {strides = array<i32>} : memref<2x4x2x8x128xf32, #tpu.memory_space<vmem>>, vector<16xf32>,
        %parallel_loop3A_986 = vector.broadcast %parallel_loop3A_965 : i32 to vector<16xi32>
        %parallel_loop3A_987 = arith.addi %shift_left3A_457, %parallel_loop3A_986 : vector<16xi32>
        %parallel_loop3A_988 = arith.constant 0 : i32
        %parallel_loop3A_989 = arith.constant 0 : i32
        %parallel_loop3A_990 = arith.constant 0 : i32
        %parallel_loop3A_991 = tpu.memref_slice %arg6[%parallel_loop3A_988, %parallel_loop3A_989, %parallel_loop3A_990] : memref<8x64x128xf32, #tpu.memory_space<vmem>> -> memref<1x64x128xf32, #tpu.memory_space<vmem>>
        %parallel_loop3A_992 = tpu.memref_squeeze %parallel_loop3A_991 : memref<1x64x128xf32, #tpu.memory_space<vmem>> -> memref<64x128xf32, #tpu.memory_space<vmem>>
        %parallel_loop3A_993 = tpu.vector_load_idx %parallel_loop3A_992[%add3A_8, %parallel_loop3A_987] : memref<64x128xf32, #tpu.memory_space<vmem>>[vector<16xi32>, vector<16xi32>], vector<16xf32>,
        %parallel_loop3A_994 = arith.constant 0 : i32
        %parallel_loop3A_995 = arith.constant 0 : i32
        %parallel_loop3A_996 = arith.index_cast %parallel_loop3A_994 : i32 to index
        %parallel_loop3A_997 = arith.index_cast %parallel_loop3A_967 : i32 to index
        %parallel_loop3A_998 = arith.index_cast %parallel_loop3A_995 : i32 to index
        %parallel_loop3A_999 = arith.index_cast %parallel_loop3A_969 : i32 to index
        %parallel_loop3A_1000 = arith.constant 16 : index
        %parallel_loop3A_1001 = tpu.vector_load %arg8[%parallel_loop3A_996, %parallel_loop3A_997, %parallel_loop3A_998, %parallel_loop3A_999, %parallel_loop3A_1000] {strides = array<i32>} : memref<2x4x2x8x128xf32, #tpu.memory_space<vmem>>, vector<16xf32>,
        tpu.vector_store %arg8[%parallel_loop3A_996, %parallel_loop3A_997, %parallel_loop3A_998, %parallel_loop3A_999, %parallel_loop3A_1000], %parallel_loop3A_993 {strides = array<i32>} : memref<2x4x2x8x128xf32, #tpu.memory_space<vmem>>, vector<16xf32>,
        %parallel_loop3A_1002 = vector.broadcast %parallel_loop3A_965 : i32 to vector<16xi32>
        %parallel_loop3A_1003 = arith.addi %shift_left3A_468, %parallel_loop3A_1002 : vector<16xi32>
        %parallel_loop3A_1004 = arith.constant 0 : i32
        %parallel_loop3A_1005 = arith.constant 0 : i32
        %parallel_loop3A_1006 = arith.constant 0 : i32
        %parallel_loop3A_1007 = tpu.memref_slice %arg6[%parallel_loop3A_1004, %parallel_loop3A_1005, %parallel_loop3A_1006] : memref<8x64x128xf32, #tpu.memory_space<vmem>> -> memref<1x64x128xf32, #tpu.memory_space<vmem>>
        %parallel_loop3A_1008 = tpu.memref_squeeze %parallel_loop3A_1007 : memref<1x64x128xf32, #tpu.memory_space<vmem>> -> memref<64x128xf32, #tpu.memory_space<vmem>>
        %parallel_loop3A_1009 = tpu.vector_load_idx %parallel_loop3A_1008[%add3A_11, %parallel_loop3A_1003] : memref<64x128xf32, #tpu.memory_space<vmem>>[vector<16xi32>, vector<16xi32>], vector<16xf32>,
        %parallel_loop3A_1010 = arith.constant 0 : i32
        %parallel_loop3A_1011 = arith.constant 0 : i32
        %parallel_loop3A_1012 = arith.index_cast %parallel_loop3A_1010 : i32 to index
        %parallel_loop3A_1013 = arith.index_cast %parallel_loop3A_967 : i32 to index
        %parallel_loop3A_1014 = arith.index_cast %parallel_loop3A_1011 : i32 to index
        %parallel_loop3A_1015 = arith.index_cast %parallel_loop3A_969 : i32 to index
        %parallel_loop3A_1016 = arith.constant 32 : index
        %parallel_loop3A_1017 = tpu.vector_load %arg8[%parallel_loop3A_1012, %parallel_loop3A_1013, %parallel_loop3A_1014, %parallel_loop3A_1015, %parallel_loop3A_1016] {strides = array<i32>} : memref<2x4x2x8x128xf32, #tpu.memory_space<vmem>>, vector<16xf32>,
        tpu.vector_store %arg8[%parallel_loop3A_1012, %parallel_loop3A_1013, %parallel_loop3A_1014, %parallel_loop3A_1015, %parallel_loop3A_1016], %parallel_loop3A_1009 {strides = array<i32>} : memref<2x4x2x8x128xf32, #tpu.memory_space<vmem>>, vector<16xf32>,
        %parallel_loop3A_1018 = vector.broadcast %parallel_loop3A_965 : i32 to vector<16xi32>
        %parallel_loop3A_1019 = arith.addi %shift_left3A_479, %parallel_loop3A_1018 : vector<16xi32>
        %parallel_loop3A_1020 = arith.constant 0 : i32
        %parallel_loop3A_1021 = arith.constant 0 : i32
        %parallel_loop3A_1022 = arith.constant 0 : i32
        %parallel_loop3A_1023 = tpu.memref_slice %arg6[%parallel_loop3A_1020, %parallel_loop3A_1021, %parallel_loop3A_1022] : memref<8x64x128xf32, #tpu.memory_space<vmem>> -> memref<1x64x128xf32, #tpu.memory_space<vmem>>
        %parallel_loop3A_1024 = tpu.memref_squeeze %parallel_loop3A_1023 : memref<1x64x128xf32, #tpu.memory_space<vmem>> -> memref<64x128xf32, #tpu.memory_space<vmem>>
        %parallel_loop3A_1025 = tpu.vector_load_idx %parallel_loop3A_1024[%add3A_14, %parallel_loop3A_1019] : memref<64x128xf32, #tpu.memory_space<vmem>>[vector<16xi32>, vector<16xi32>], vector<16xf32>,
        %parallel_loop3A_1026 = arith.constant 0 : i32
        %parallel_loop3A_1027 = arith.constant 0 : i32
        %parallel_loop3A_1028 = arith.index_cast %parallel_loop3A_1026 : i32 to index
        %parallel_loop3A_1029 = arith.index_cast %parallel_loop3A_967 : i32 to index
        %parallel_loop3A_1030 = arith.index_cast %parallel_loop3A_1027 : i32 to index
        %parallel_loop3A_1031 = arith.index_cast %parallel_loop3A_969 : i32 to index
        %parallel_loop3A_1032 = arith.constant 48 : index
        %parallel_loop3A_1033 = tpu.vector_load %arg8[%parallel_loop3A_1028, %parallel_loop3A_1029, %parallel_loop3A_1030, %parallel_loop3A_1031, %parallel_loop3A_1032] {strides = array<i32>} : memref<2x4x2x8x128xf32, #tpu.memory_space<vmem>>, vector<16xf32>,
        tpu.vector_store %arg8[%parallel_loop3A_1028, %parallel_loop3A_1029, %parallel_loop3A_1030, %parallel_loop3A_1031, %parallel_loop3A_1032], %parallel_loop3A_1025 {strides = array<i32>} : memref<2x4x2x8x128xf32, #tpu.memory_space<vmem>>, vector<16xf32>,
        %parallel_loop3A_1034 = vector.broadcast %parallel_loop3A_965 : i32 to vector<16xi32>
        %parallel_loop3A_1035 = arith.addi %shift_left3A_496, %parallel_loop3A_1034 : vector<16xi32>
        %parallel_loop3A_1036 = arith.constant 1 : i32
        %parallel_loop3A_1037 = arith.constant 0 : i32
        %parallel_loop3A_1038 = arith.constant 0 : i32
        %parallel_loop3A_1039 = tpu.memref_slice %arg6[%parallel_loop3A_1036, %parallel_loop3A_1037, %parallel_loop3A_1038] : memref<8x64x128xf32, #tpu.memory_space<vmem>> -> memref<1x64x128xf32, #tpu.memory_space<vmem>>
        %parallel_loop3A_1040 = tpu.memref_squeeze %parallel_loop3A_1039 : memref<1x64x128xf32, #tpu.memory_space<vmem>> -> memref<64x128xf32, #tpu.memory_space<vmem>>
        %parallel_loop3A_1041 = tpu.vector_load_idx %parallel_loop3A_1040[%add3A_5, %parallel_loop3A_1035] : memref<64x128xf32, #tpu.memory_space<vmem>>[vector<16xi32>, vector<16xi32>], vector<16xf32>,
        %parallel_loop3A_1042 = arith.constant 0 : i32
        %parallel_loop3A_1043 = arith.constant 0 : i32
        %parallel_loop3A_1044 = arith.index_cast %parallel_loop3A_1042 : i32 to index
        %parallel_loop3A_1045 = arith.index_cast %parallel_loop3A_967 : i32 to index
        %parallel_loop3A_1046 = arith.index_cast %parallel_loop3A_1043 : i32 to index
        %parallel_loop3A_1047 = arith.index_cast %parallel_loop3A_969 : i32 to index
        %parallel_loop3A_1048 = arith.constant 64 : index
        %parallel_loop3A_1049 = tpu.vector_load %arg8[%parallel_loop3A_1044, %parallel_loop3A_1045, %parallel_loop3A_1046, %parallel_loop3A_1047, %parallel_loop3A_1048] {strides = array<i32>} : memref<2x4x2x8x128xf32, #tpu.memory_space<vmem>>, vector<16xf32>,
        tpu.vector_store %arg8[%parallel_loop3A_1044, %parallel_loop3A_1045, %parallel_loop3A_1046, %parallel_loop3A_1047, %parallel_loop3A_1048], %parallel_loop3A_1041 {strides = array<i32>} : memref<2x4x2x8x128xf32, #tpu.memory_space<vmem>>, vector<16xf32>,
        %parallel_loop3A_1050 = vector.broadcast %parallel_loop3A_965 : i32 to vector<16xi32>
        %parallel_loop3A_1051 = arith.addi %shift_left3A_507, %parallel_loop3A_1050 : vector<16xi32>
        %parallel_loop3A_1052 = arith.constant 1 : i32
        %parallel_loop3A_1053 = arith.constant 0 : i32
        %parallel_loop3A_1054 = arith.constant 0 : i32
        %parallel_loop3A_1055 = tpu.memref_slice %arg6[%parallel_loop3A_1052, %parallel_loop3A_1053, %parallel_loop3A_1054] : memref<8x64x128xf32, #tpu.memory_space<vmem>> -> memref<1x64x128xf32, #tpu.memory_space<vmem>>
        %parallel_loop3A_1056 = tpu.memref_squeeze %parallel_loop3A_1055 : memref<1x64x128xf32, #tpu.memory_space<vmem>> -> memref<64x128xf32, #tpu.memory_space<vmem>>
        %parallel_loop3A_1057 = tpu.vector_load_idx %parallel_loop3A_1056[%add3A_8, %parallel_loop3A_1051] : memref<64x128xf32, #tpu.memory_space<vmem>>[vector<16xi32>, vector<16xi32>], vector<16xf32>,
        %parallel_loop3A_1058 = arith.constant 0 : i32
        %parallel_loop3A_1059 = arith.constant 0 : i32
        %parallel_loop3A_1060 = arith.index_cast %parallel_loop3A_1058 : i32 to index
        %parallel_loop3A_1061 = arith.index_cast %parallel_loop3A_967 : i32 to index
        %parallel_loop3A_1062 = arith.index_cast %parallel_loop3A_1059 : i32 to index
        %parallel_loop3A_1063 = arith.index_cast %parallel_loop3A_969 : i32 to index
        %parallel_loop3A_1064 = arith.constant 80 : index
        %parallel_loop3A_1065 = tpu.vector_load %arg8[%parallel_loop3A_1060, %parallel_loop3A_1061, %parallel_loop3A_1062, %parallel_loop3A_1063, %parallel_loop3A_1064] {strides = array<i32>} : memref<2x4x2x8x128xf32, #tpu.memory_space<vmem>>, vector<16xf32>,
        tpu.vector_store %arg8[%parallel_loop3A_1060, %parallel_loop3A_1061, %parallel_loop3A_1062, %parallel_loop3A_1063, %parallel_loop3A_1064], %parallel_loop3A_1057 {strides = array<i32>} : memref<2x4x2x8x128xf32, #tpu.memory_space<vmem>>, vector<16xf32>,
        %parallel_loop3A_1066 = vector.broadcast %parallel_loop3A_965 : i32 to vector<16xi32>
        %parallel_loop3A_1067 = arith.addi %shift_left3A_518, %parallel_loop3A_1066 : vector<16xi32>
        %parallel_loop3A_1068 = arith.constant 1 : i32
        %parallel_loop3A_1069 = arith.constant 0 : i32
        %parallel_loop3A_1070 = arith.constant 0 : i32
        %parallel_loop3A_1071 = tpu.memref_slice %arg6[%parallel_loop3A_1068, %parallel_loop3A_1069, %parallel_loop3A_1070] : memref<8x64x128xf32, #tpu.memory_space<vmem>> -> memref<1x64x128xf32, #tpu.memory_space<vmem>>
        %parallel_loop3A_1072 = tpu.memref_squeeze %parallel_loop3A_1071 : memref<1x64x128xf32, #tpu.memory_space<vmem>> -> memref<64x128xf32, #tpu.memory_space<vmem>>
        %parallel_loop3A_1073 = tpu.vector_load_idx %parallel_loop3A_1072[%add3A_11, %parallel_loop3A_1067] : memref<64x128xf32, #tpu.memory_space<vmem>>[vector<16xi32>, vector<16xi32>], vector<16xf32>,
        %parallel_loop3A_1074 = arith.constant 0 : i32
        %parallel_loop3A_1075 = arith.constant 0 : i32
        %parallel_loop3A_1076 = arith.index_cast %parallel_loop3A_1074 : i32 to index
        %parallel_loop3A_1077 = arith.index_cast %parallel_loop3A_967 : i32 to index
        %parallel_loop3A_1078 = arith.index_cast %parallel_loop3A_1075 : i32 to index
        %parallel_loop3A_1079 = arith.index_cast %parallel_loop3A_969 : i32 to index
        %parallel_loop3A_1080 = arith.constant 96 : index
        %parallel_loop3A_1081 = tpu.vector_load %arg8[%parallel_loop3A_1076, %parallel_loop3A_1077, %parallel_loop3A_1078, %parallel_loop3A_1079, %parallel_loop3A_1080] {strides = array<i32>} : memref<2x4x2x8x128xf32, #tpu.memory_space<vmem>>, vector<16xf32>,
        tpu.vector_store %arg8[%parallel_loop3A_1076, %parallel_loop3A_1077, %parallel_loop3A_1078, %parallel_loop3A_1079, %parallel_loop3A_1080], %parallel_loop3A_1073 {strides = array<i32>} : memref<2x4x2x8x128xf32, #tpu.memory_space<vmem>>, vector<16xf32>,
        %parallel_loop3A_1082 = vector.broadcast %parallel_loop3A_965 : i32 to vector<16xi32>
        %parallel_loop3A_1083 = arith.addi %shift_left3A_529, %parallel_loop3A_1082 : vector<16xi32>
        %parallel_loop3A_1084 = arith.constant 1 : i32
        %parallel_loop3A_1085 = arith.constant 0 : i32
        %parallel_loop3A_1086 = arith.constant 0 : i32
        %parallel_loop3A_1087 = tpu.memref_slice %arg6[%parallel_loop3A_1084, %parallel_loop3A_1085, %parallel_loop3A_1086] : memref<8x64x128xf32, #tpu.memory_space<vmem>> -> memref<1x64x128xf32, #tpu.memory_space<vmem>>
        %parallel_loop3A_1088 = tpu.memref_squeeze %parallel_loop3A_1087 : memref<1x64x128xf32, #tpu.memory_space<vmem>> -> memref<64x128xf32, #tpu.memory_space<vmem>>
        %parallel_loop3A_1089 = tpu.vector_load_idx %parallel_loop3A_1088[%add3A_14, %parallel_loop3A_1083] : memref<64x128xf32, #tpu.memory_space<vmem>>[vector<16xi32>, vector<16xi32>], vector<16xf32>,
        %parallel_loop3A_1090 = arith.constant 0 : i32
        %parallel_loop3A_1091 = arith.constant 0 : i32
        %parallel_loop3A_1092 = arith.index_cast %parallel_loop3A_1090 : i32 to index
        %parallel_loop3A_1093 = arith.index_cast %parallel_loop3A_967 : i32 to index
        %parallel_loop3A_1094 = arith.index_cast %parallel_loop3A_1091 : i32 to index
        %parallel_loop3A_1095 = arith.index_cast %parallel_loop3A_969 : i32 to index
        %parallel_loop3A_1096 = arith.constant 112 : index
        %parallel_loop3A_1097 = tpu.vector_load %arg8[%parallel_loop3A_1092, %parallel_loop3A_1093, %parallel_loop3A_1094, %parallel_loop3A_1095, %parallel_loop3A_1096] {strides = array<i32>} : memref<2x4x2x8x128xf32, #tpu.memory_space<vmem>>, vector<16xf32>,
        tpu.vector_store %arg8[%parallel_loop3A_1092, %parallel_loop3A_1093, %parallel_loop3A_1094, %parallel_loop3A_1095, %parallel_loop3A_1096], %parallel_loop3A_1089 {strides = array<i32>} : memref<2x4x2x8x128xf32, #tpu.memory_space<vmem>>, vector<16xf32>,
        %parallel_loop3A_1098 = vector.broadcast %parallel_loop3A_965 : i32 to vector<16xi32>
        %parallel_loop3A_1099 = arith.addi %shift_left3A_546, %parallel_loop3A_1098 : vector<16xi32>
        %parallel_loop3A_1100 = arith.constant 2 : i32
        %parallel_loop3A_1101 = arith.constant 0 : i32
        %parallel_loop3A_1102 = arith.constant 0 : i32
        %parallel_loop3A_1103 = tpu.memref_slice %arg6[%parallel_loop3A_1100, %parallel_loop3A_1101, %parallel_loop3A_1102] : memref<8x64x128xf32, #tpu.memory_space<vmem>> -> memref<1x64x128xf32, #tpu.memory_space<vmem>>
        %parallel_loop3A_1104 = tpu.memref_squeeze %parallel_loop3A_1103 : memref<1x64x128xf32, #tpu.memory_space<vmem>> -> memref<64x128xf32, #tpu.memory_space<vmem>>
        %parallel_loop3A_1105 = tpu.vector_load_idx %parallel_loop3A_1104[%add3A_5, %parallel_loop3A_1099] : memref<64x128xf32, #tpu.memory_space<vmem>>[vector<16xi32>, vector<16xi32>], vector<16xf32>,
        %parallel_loop3A_1106 = arith.constant 0 : i32
        %parallel_loop3A_1107 = arith.constant 1 : i32
        %parallel_loop3A_1108 = arith.index_cast %parallel_loop3A_1106 : i32 to index
        %parallel_loop3A_1109 = arith.index_cast %parallel_loop3A_967 : i32 to index
        %parallel_loop3A_1110 = arith.index_cast %parallel_loop3A_1107 : i32 to index
        %parallel_loop3A_1111 = arith.index_cast %parallel_loop3A_969 : i32 to index
        %parallel_loop3A_1112 = arith.constant 0 : index
        %parallel_loop3A_1113 = tpu.vector_load %arg8[%parallel_loop3A_1108, %parallel_loop3A_1109, %parallel_loop3A_1110, %parallel_loop3A_1111, %parallel_loop3A_1112] {strides = array<i32>} : memref<2x4x2x8x128xf32, #tpu.memory_space<vmem>>, vector<16xf32>,
        tpu.vector_store %arg8[%parallel_loop3A_1108, %parallel_loop3A_1109, %parallel_loop3A_1110, %parallel_loop3A_1111, %parallel_loop3A_1112], %parallel_loop3A_1105 {strides = array<i32>} : memref<2x4x2x8x128xf32, #tpu.memory_space<vmem>>, vector<16xf32>,
        %parallel_loop3A_1114 = vector.broadcast %parallel_loop3A_965 : i32 to vector<16xi32>
        %parallel_loop3A_1115 = arith.addi %shift_left3A_557, %parallel_loop3A_1114 : vector<16xi32>
        %parallel_loop3A_1116 = arith.constant 2 : i32
        %parallel_loop3A_1117 = arith.constant 0 : i32
        %parallel_loop3A_1118 = arith.constant 0 : i32
        %parallel_loop3A_1119 = tpu.memref_slice %arg6[%parallel_loop3A_1116, %parallel_loop3A_1117, %parallel_loop3A_1118] : memref<8x64x128xf32, #tpu.memory_space<vmem>> -> memref<1x64x128xf32, #tpu.memory_space<vmem>>
        %parallel_loop3A_1120 = tpu.memref_squeeze %parallel_loop3A_1119 : memref<1x64x128xf32, #tpu.memory_space<vmem>> -> memref<64x128xf32, #tpu.memory_space<vmem>>
        %parallel_loop3A_1121 = tpu.vector_load_idx %parallel_loop3A_1120[%add3A_8, %parallel_loop3A_1115] : memref<64x128xf32, #tpu.memory_space<vmem>>[vector<16xi32>, vector<16xi32>], vector<16xf32>,
        %parallel_loop3A_1122 = arith.constant 0 : i32
        %parallel_loop3A_1123 = arith.constant 1 : i32
        %parallel_loop3A_1124 = arith.index_cast %parallel_loop3A_1122 : i32 to index
        %parallel_loop3A_1125 = arith.index_cast %parallel_loop3A_967 : i32 to index
        %parallel_loop3A_1126 = arith.index_cast %parallel_loop3A_1123 : i32 to index
        %parallel_loop3A_1127 = arith.index_cast %parallel_loop3A_969 : i32 to index
        %parallel_loop3A_1128 = arith.constant 16 : index
        %parallel_loop3A_1129 = tpu.vector_load %arg8[%parallel_loop3A_1124, %parallel_loop3A_1125, %parallel_loop3A_1126, %parallel_loop3A_1127, %parallel_loop3A_1128] {strides = array<i32>} : memref<2x4x2x8x128xf32, #tpu.memory_space<vmem>>, vector<16xf32>,
        tpu.vector_store %arg8[%parallel_loop3A_1124, %parallel_loop3A_1125, %parallel_loop3A_1126, %parallel_loop3A_1127, %parallel_loop3A_1128], %parallel_loop3A_1121 {strides = array<i32>} : memref<2x4x2x8x128xf32, #tpu.memory_space<vmem>>, vector<16xf32>,
        %parallel_loop3A_1130 = vector.broadcast %parallel_loop3A_965 : i32 to vector<16xi32>
        %parallel_loop3A_1131 = arith.addi %shift_left3A_568, %parallel_loop3A_1130 : vector<16xi32>
        %parallel_loop3A_1132 = arith.constant 2 : i32
        %parallel_loop3A_1133 = arith.constant 0 : i32
        %parallel_loop3A_1134 = arith.constant 0 : i32
        %parallel_loop3A_1135 = tpu.memref_slice %arg6[%parallel_loop3A_1132, %parallel_loop3A_1133, %parallel_loop3A_1134] : memref<8x64x128xf32, #tpu.memory_space<vmem>> -> memref<1x64x128xf32, #tpu.memory_space<vmem>>
        %parallel_loop3A_1136 = tpu.memref_squeeze %parallel_loop3A_1135 : memref<1x64x128xf32, #tpu.memory_space<vmem>> -> memref<64x128xf32, #tpu.memory_space<vmem>>
        %parallel_loop3A_1137 = tpu.vector_load_idx %parallel_loop3A_1136[%add3A_11, %parallel_loop3A_1131] : memref<64x128xf32, #tpu.memory_space<vmem>>[vector<16xi32>, vector<16xi32>], vector<16xf32>,
        %parallel_loop3A_1138 = arith.constant 0 : i32
        %parallel_loop3A_1139 = arith.constant 1 : i32
        %parallel_loop3A_1140 = arith.index_cast %parallel_loop3A_1138 : i32 to index
        %parallel_loop3A_1141 = arith.index_cast %parallel_loop3A_967 : i32 to index
        %parallel_loop3A_1142 = arith.index_cast %parallel_loop3A_1139 : i32 to index
        %parallel_loop3A_1143 = arith.index_cast %parallel_loop3A_969 : i32 to index
        %parallel_loop3A_1144 = arith.constant 32 : index
        %parallel_loop3A_1145 = tpu.vector_load %arg8[%parallel_loop3A_1140, %parallel_loop3A_1141, %parallel_loop3A_1142, %parallel_loop3A_1143, %parallel_loop3A_1144] {strides = array<i32>} : memref<2x4x2x8x128xf32, #tpu.memory_space<vmem>>, vector<16xf32>,
        tpu.vector_store %arg8[%parallel_loop3A_1140, %parallel_loop3A_1141, %parallel_loop3A_1142, %parallel_loop3A_1143, %parallel_loop3A_1144], %parallel_loop3A_1137 {strides = array<i32>} : memref<2x4x2x8x128xf32, #tpu.memory_space<vmem>>, vector<16xf32>,
        %parallel_loop3A_1146 = vector.broadcast %parallel_loop3A_965 : i32 to vector<16xi32>
        %parallel_loop3A_1147 = arith.addi %shift_left3A_579, %parallel_loop3A_1146 : vector<16xi32>
        %parallel_loop3A_1148 = arith.constant 2 : i32
        %parallel_loop3A_1149 = arith.constant 0 : i32
        %parallel_loop3A_1150 = arith.constant 0 : i32
        %parallel_loop3A_1151 = tpu.memref_slice %arg6[%parallel_loop3A_1148, %parallel_loop3A_1149, %parallel_loop3A_1150] : memref<8x64x128xf32, #tpu.memory_space<vmem>> -> memref<1x64x128xf32, #tpu.memory_space<vmem>>
        %parallel_loop3A_1152 = tpu.memref_squeeze %parallel_loop3A_1151 : memref<1x64x128xf32, #tpu.memory_space<vmem>> -> memref<64x128xf32, #tpu.memory_space<vmem>>
        %parallel_loop3A_1153 = tpu.vector_load_idx %parallel_loop3A_1152[%add3A_14, %parallel_loop3A_1147] : memref<64x128xf32, #tpu.memory_space<vmem>>[vector<16xi32>, vector<16xi32>], vector<16xf32>,
        %parallel_loop3A_1154 = arith.constant 0 : i32
        %parallel_loop3A_1155 = arith.constant 1 : i32
        %parallel_loop3A_1156 = arith.index_cast %parallel_loop3A_1154 : i32 to index
        %parallel_loop3A_1157 = arith.index_cast %parallel_loop3A_967 : i32 to index
        %parallel_loop3A_1158 = arith.index_cast %parallel_loop3A_1155 : i32 to index
        %parallel_loop3A_1159 = arith.index_cast %parallel_loop3A_969 : i32 to index
        %parallel_loop3A_1160 = arith.constant 48 : index
        %parallel_loop3A_1161 = tpu.vector_load %arg8[%parallel_loop3A_1156, %parallel_loop3A_1157, %parallel_loop3A_1158, %parallel_loop3A_1159, %parallel_loop3A_1160] {strides = array<i32>} : memref<2x4x2x8x128xf32, #tpu.memory_space<vmem>>, vector<16xf32>,
        tpu.vector_store %arg8[%parallel_loop3A_1156, %parallel_loop3A_1157, %parallel_loop3A_1158, %parallel_loop3A_1159, %parallel_loop3A_1160], %parallel_loop3A_1153 {strides = array<i32>} : memref<2x4x2x8x128xf32, #tpu.memory_space<vmem>>, vector<16xf32>,
        %parallel_loop3A_1162 = vector.broadcast %parallel_loop3A_965 : i32 to vector<16xi32>
        %parallel_loop3A_1163 = arith.addi %shift_left3A_596, %parallel_loop3A_1162 : vector<16xi32>
        %parallel_loop3A_1164 = arith.constant 3 : i32
        %parallel_loop3A_1165 = arith.constant 0 : i32
        %parallel_loop3A_1166 = arith.constant 0 : i32
        %parallel_loop3A_1167 = tpu.memref_slice %arg6[%parallel_loop3A_1164, %parallel_loop3A_1165, %parallel_loop3A_1166] : memref<8x64x128xf32, #tpu.memory_space<vmem>> -> memref<1x64x128xf32, #tpu.memory_space<vmem>>
        %parallel_loop3A_1168 = tpu.memref_squeeze %parallel_loop3A_1167 : memref<1x64x128xf32, #tpu.memory_space<vmem>> -> memref<64x128xf32, #tpu.memory_space<vmem>>
        %parallel_loop3A_1169 = tpu.vector_load_idx %parallel_loop3A_1168[%add3A_5, %parallel_loop3A_1163] : memref<64x128xf32, #tpu.memory_space<vmem>>[vector<16xi32>, vector<16xi32>], vector<16xf32>,
        %parallel_loop3A_1170 = arith.constant 0 : i32
        %parallel_loop3A_1171 = arith.constant 1 : i32
        %parallel_loop3A_1172 = arith.index_cast %parallel_loop3A_1170 : i32 to index
        %parallel_loop3A_1173 = arith.index_cast %parallel_loop3A_967 : i32 to index
        %parallel_loop3A_1174 = arith.index_cast %parallel_loop3A_1171 : i32 to index
        %parallel_loop3A_1175 = arith.index_cast %parallel_loop3A_969 : i32 to index
        %parallel_loop3A_1176 = arith.constant 64 : index
        %parallel_loop3A_1177 = tpu.vector_load %arg8[%parallel_loop3A_1172, %parallel_loop3A_1173, %parallel_loop3A_1174, %parallel_loop3A_1175, %parallel_loop3A_1176] {strides = array<i32>} : memref<2x4x2x8x128xf32, #tpu.memory_space<vmem>>, vector<16xf32>,
        tpu.vector_store %arg8[%parallel_loop3A_1172, %parallel_loop3A_1173, %parallel_loop3A_1174, %parallel_loop3A_1175, %parallel_loop3A_1176], %parallel_loop3A_1169 {strides = array<i32>} : memref<2x4x2x8x128xf32, #tpu.memory_space<vmem>>, vector<16xf32>,
        %parallel_loop3A_1178 = vector.broadcast %parallel_loop3A_965 : i32 to vector<16xi32>
        %parallel_loop3A_1179 = arith.addi %shift_left3A_607, %parallel_loop3A_1178 : vector<16xi32>
        %parallel_loop3A_1180 = arith.constant 3 : i32
        %parallel_loop3A_1181 = arith.constant 0 : i32
        %parallel_loop3A_1182 = arith.constant 0 : i32
        %parallel_loop3A_1183 = tpu.memref_slice %arg6[%parallel_loop3A_1180, %parallel_loop3A_1181, %parallel_loop3A_1182] : memref<8x64x128xf32, #tpu.memory_space<vmem>> -> memref<1x64x128xf32, #tpu.memory_space<vmem>>
        %parallel_loop3A_1184 = tpu.memref_squeeze %parallel_loop3A_1183 : memref<1x64x128xf32, #tpu.memory_space<vmem>> -> memref<64x128xf32, #tpu.memory_space<vmem>>
        %parallel_loop3A_1185 = tpu.vector_load_idx %parallel_loop3A_1184[%add3A_8, %parallel_loop3A_1179] : memref<64x128xf32, #tpu.memory_space<vmem>>[vector<16xi32>, vector<16xi32>], vector<16xf32>,
        %parallel_loop3A_1186 = arith.constant 0 : i32
        %parallel_loop3A_1187 = arith.constant 1 : i32
        %parallel_loop3A_1188 = arith.index_cast %parallel_loop3A_1186 : i32 to index
        %parallel_loop3A_1189 = arith.index_cast %parallel_loop3A_967 : i32 to index
        %parallel_loop3A_1190 = arith.index_cast %parallel_loop3A_1187 : i32 to index
        %parallel_loop3A_1191 = arith.index_cast %parallel_loop3A_969 : i32 to index
        %parallel_loop3A_1192 = arith.constant 80 : index
        %parallel_loop3A_1193 = tpu.vector_load %arg8[%parallel_loop3A_1188, %parallel_loop3A_1189, %parallel_loop3A_1190, %parallel_loop3A_1191, %parallel_loop3A_1192] {strides = array<i32>} : memref<2x4x2x8x128xf32, #tpu.memory_space<vmem>>, vector<16xf32>,
        tpu.vector_store %arg8[%parallel_loop3A_1188, %parallel_loop3A_1189, %parallel_loop3A_1190, %parallel_loop3A_1191, %parallel_loop3A_1192], %parallel_loop3A_1185 {strides = array<i32>} : memref<2x4x2x8x128xf32, #tpu.memory_space<vmem>>, vector<16xf32>,
        %parallel_loop3A_1194 = vector.broadcast %parallel_loop3A_965 : i32 to vector<16xi32>
        %parallel_loop3A_1195 = arith.addi %shift_left3A_618, %parallel_loop3A_1194 : vector<16xi32>
        %parallel_loop3A_1196 = arith.constant 3 : i32
        %parallel_loop3A_1197 = arith.constant 0 : i32
        %parallel_loop3A_1198 = arith.constant 0 : i32
        %parallel_loop3A_1199 = tpu.memref_slice %arg6[%parallel_loop3A_1196, %parallel_loop3A_1197, %parallel_loop3A_1198] : memref<8x64x128xf32, #tpu.memory_space<vmem>> -> memref<1x64x128xf32, #tpu.memory_space<vmem>>
        %parallel_loop3A_1200 = tpu.memref_squeeze %parallel_loop3A_1199 : memref<1x64x128xf32, #tpu.memory_space<vmem>> -> memref<64x128xf32, #tpu.memory_space<vmem>>
        %parallel_loop3A_1201 = tpu.vector_load_idx %parallel_loop3A_1200[%add3A_11, %parallel_loop3A_1195] : memref<64x128xf32, #tpu.memory_space<vmem>>[vector<16xi32>, vector<16xi32>], vector<16xf32>,
        %parallel_loop3A_1202 = arith.constant 0 : i32
        %parallel_loop3A_1203 = arith.constant 1 : i32
        %parallel_loop3A_1204 = arith.index_cast %parallel_loop3A_1202 : i32 to index
        %parallel_loop3A_1205 = arith.index_cast %parallel_loop3A_967 : i32 to index
        %parallel_loop3A_1206 = arith.index_cast %parallel_loop3A_1203 : i32 to index
        %parallel_loop3A_1207 = arith.index_cast %parallel_loop3A_969 : i32 to index
        %parallel_loop3A_1208 = arith.constant 96 : index
        %parallel_loop3A_1209 = tpu.vector_load %arg8[%parallel_loop3A_1204, %parallel_loop3A_1205, %parallel_loop3A_1206, %parallel_loop3A_1207, %parallel_loop3A_1208] {strides = array<i32>} : memref<2x4x2x8x128xf32, #tpu.memory_space<vmem>>, vector<16xf32>,
        tpu.vector_store %arg8[%parallel_loop3A_1204, %parallel_loop3A_1205, %parallel_loop3A_1206, %parallel_loop3A_1207, %parallel_loop3A_1208], %parallel_loop3A_1201 {strides = array<i32>} : memref<2x4x2x8x128xf32, #tpu.memory_space<vmem>>, vector<16xf32>,
        %parallel_loop3A_1210 = vector.broadcast %parallel_loop3A_965 : i32 to vector<16xi32>
        %parallel_loop3A_1211 = arith.addi %shift_left3A_629, %parallel_loop3A_1210 : vector<16xi32>
        %parallel_loop3A_1212 = arith.constant 3 : i32
        %parallel_loop3A_1213 = arith.constant 0 : i32
        %parallel_loop3A_1214 = arith.constant 0 : i32
        %parallel_loop3A_1215 = tpu.memref_slice %arg6[%parallel_loop3A_1212, %parallel_loop3A_1213, %parallel_loop3A_1214] : memref<8x64x128xf32, #tpu.memory_space<vmem>> -> memref<1x64x128xf32, #tpu.memory_space<vmem>>
        %parallel_loop3A_1216 = tpu.memref_squeeze %parallel_loop3A_1215 : memref<1x64x128xf32, #tpu.memory_space<vmem>> -> memref<64x128xf32, #tpu.memory_space<vmem>>
        %parallel_loop3A_1217 = tpu.vector_load_idx %parallel_loop3A_1216[%add3A_14, %parallel_loop3A_1211] : memref<64x128xf32, #tpu.memory_space<vmem>>[vector<16xi32>, vector<16xi32>], vector<16xf32>,
        %parallel_loop3A_1218 = arith.constant 0 : i32
        %parallel_loop3A_1219 = arith.constant 1 : i32
        %parallel_loop3A_1220 = arith.index_cast %parallel_loop3A_1218 : i32 to index
        %parallel_loop3A_1221 = arith.index_cast %parallel_loop3A_967 : i32 to index
        %parallel_loop3A_1222 = arith.index_cast %parallel_loop3A_1219 : i32 to index
        %parallel_loop3A_1223 = arith.index_cast %parallel_loop3A_969 : i32 to index
        %parallel_loop3A_1224 = arith.constant 112 : index
        %parallel_loop3A_1225 = tpu.vector_load %arg8[%parallel_loop3A_1220, %parallel_loop3A_1221, %parallel_loop3A_1222, %parallel_loop3A_1223, %parallel_loop3A_1224] {strides = array<i32>} : memref<2x4x2x8x128xf32, #tpu.memory_space<vmem>>, vector<16xf32>,
        tpu.vector_store %arg8[%parallel_loop3A_1220, %parallel_loop3A_1221, %parallel_loop3A_1222, %parallel_loop3A_1223, %parallel_loop3A_1224], %parallel_loop3A_1217 {strides = array<i32>} : memref<2x4x2x8x128xf32, #tpu.memory_space<vmem>>, vector<16xf32>,
      } {sc.loop_unroll_factor = 2 : i64, sc.parallel_access}
      %shift_right_logical3A_632 = arith.constant 1 : i32
      %shift_right_logical3A_633 = arith.shrui %add3A_372, %shift_right_logical3A_632 : i32
      %mul3A_634 = arith.constant 4 : i32
      %mul3A_635 = arith.muli %add3A, %mul3A_634 : i32
      %and3A_636 = arith.constant 1 : i32
      %and3A_637 = arith.andi %add3A_372, %and3A_636 : i32
      %mul3A_638 = arith.constant 2 : i32
      %mul3A_639 = arith.muli %and3A_637, %mul3A_638 : i32
      %add3A_640 = arith.addi %mul3A_635, %mul3A_639 : i32
      %multiple_of3A_641 = tpu.assume_multiple %add3A_640, 2 : i32
      %dma_start3A_642 = arith.constant 0 : i32
      %dma_start3A_643 = arith.constant 0 : i32
      %dma_start3A_644 = arith.constant 0 : i32
      %dma_start3A_645 = arith.constant 0 : i32
      %dma_start3A_646 = arith.constant 0 : i32
      %dma_start3A_647 = tpu.memref_slice %arg8[%dma_start3A_642, %dma_start3A_643, %dma_start3A_644, %dma_start3A_645, %dma_start3A_646] : memref<2x4x2x8x128xf32, #tpu.memory_space<vmem>> -> memref<1x4x2x8x128xf32, #tpu.memory_space<vmem>>
      %dma_start3A_648 = tpu.memref_squeeze %dma_start3A_647 : memref<1x4x2x8x128xf32, #tpu.memory_space<vmem>> -> memref<4x2x8x128xf32, #tpu.memory_space<vmem>>
      %dma_start3A_649 = arith.constant 0 : i32
      %dma_start3A_650 = arith.constant 0 : i32
      %dma_start3A_651 = arith.constant 0 : i32
      %dma_start3A_652 = tpu.memref_slice %arg4[%shift_right_logical3A_633, %dma_start3A_649, %multiple_of3A_641, %dma_start3A_650, %dma_start3A_651] : memref<50x4x128x8x128xf32, #tpu.memory_space<hbm>> -> memref<1x4x2x8x128xf32, #tpu.memory_space<hbm>>
      %dma_start3A_653 = tpu.memref_squeeze %dma_start3A_652 : memref<1x4x2x8x128xf32, #tpu.memory_space<hbm>> -> memref<4x2x8x128xf32, #tpu.memory_space<hbm>>
      %dma_start3A_654 = arith.constant 0 : i32
      %dma_start3A_655 = arith.constant 0 : i32
      %dma_start3A_656 = arith.constant 0 : i32
      %dma_start3A_657 = tpu.memref_slice %arg4[%shift_right_logical3A_633, %dma_start3A_654, %multiple_of3A_641, %dma_start3A_655, %dma_start3A_656] : memref<50x4x128x8x128xf32, #tpu.memory_space<hbm>> -> memref<1x4x2x8x128xf32, #tpu.memory_space<hbm>>
      %dma_start3A_658 = tpu.memref_squeeze %dma_start3A_657 : memref<1x4x2x8x128xf32, #tpu.memory_space<hbm>> -> memref<4x2x8x128xf32, #tpu.memory_space<hbm>>
      %dma_start3A_659 = arith.constant 0 : i32
      %dma_start3A_660 = arith.constant 0 : i32
      %dma_start3A_661 = arith.constant 0 : i32
      %dma_start3A_662 = arith.constant 0 : i32
      %dma_start3A_663 = tpu.memref_slice %arg8[%dma_start3A_642, %dma_start3A_659, %dma_start3A_660, %dma_start3A_661, %dma_start3A_662] : memref<2x4x2x8x128xf32, #tpu.memory_space<vmem>> -> memref<1x4x2x8x128xf32, #tpu.memory_space<vmem>>
      %dma_start3A_664 = tpu.memref_squeeze %dma_start3A_663 : memref<1x4x2x8x128xf32, #tpu.memory_space<vmem>> -> memref<4x2x8x128xf32, #tpu.memory_space<vmem>>
      tpu.enqueue_dma source(%dma_start3A_664 : memref<4x2x8x128xf32, #tpu.memory_space<vmem>>) target(%dma_start3A_658 : memref<4x2x8x128xf32, #tpu.memory_space<hbm>>) target_semaphore(%arg11 : memref<!tpu.dma_semaphore, #tpu.memory_space<semaphore_mem>>)
      %add3A_665 = arith.constant 1 : i32
      %add3A_666 = arith.addi %add3A_370, %add3A_665 : i32
      %ge3A_667 = arith.constant 2 : i32
      %ge3A_668 = arith.cmpi sge, %add3A_666, %ge3A_667 : i32
      %convert_element_type3A_669 = arith.extui %ge3A_668 : i1 to i32
      %cond3A_670 = arith.constant 0 : i32
      %cond3A_671 = arith.cmpi ne, %convert_element_type3A_669, %cond3A_670 : i32
      scf.if %cond3A_671 {
        %sub3A = arith.constant 2 : i32
        %sub3A_965 = arith.subi %add3A_666, %sub3A : i32
        %shift_right_logical3A_966 = arith.constant 1 : i32
        %shift_right_logical3A_967 = arith.shrui %sub3A_965, %shift_right_logical3A_966 : i32
        %mul3A_968 = arith.constant 4 : i32
        %mul3A_969 = arith.muli %add3A, %mul3A_968 : i32
        %and3A_970 = arith.constant 1 : i32
        %and3A_971 = arith.andi %sub3A_965, %and3A_970 : i32
        %mul3A_972 = arith.constant 2 : i32
        %mul3A_973 = arith.muli %and3A_971, %mul3A_972 : i32
        %add3A_974 = arith.addi %mul3A_969, %mul3A_973 : i32
        %multiple_of3A_975 = tpu.assume_multiple %add3A_974, 2 : i32
        %dma_wait3A_976 = arith.constant 1 : i32
        %dma_wait3A_977 = arith.constant 0 : i32
        %dma_wait3A_978 = arith.constant 0 : i32
        %dma_wait3A_979 = arith.constant 0 : i32
        %dma_wait3A_980 = arith.constant 0 : i32
        %dma_wait3A_981 = tpu.memref_slice %arg8[%dma_wait3A_976, %dma_wait3A_977, %dma_wait3A_978, %dma_wait3A_979, %dma_wait3A_980] : memref<2x4x2x8x128xf32, #tpu.memory_space<vmem>> -> memref<1x4x2x8x128xf32, #tpu.memory_space<vmem>>
        %dma_wait3A_982 = tpu.memref_squeeze %dma_wait3A_981 : memref<1x4x2x8x128xf32, #tpu.memory_space<vmem>> -> memref<4x2x8x128xf32, #tpu.memory_space<vmem>>
        %dma_wait3A_983 = arith.constant 0 : i32
        %dma_wait3A_984 = arith.constant 0 : i32
        %dma_wait3A_985 = arith.constant 0 : i32
        %dma_wait3A_986 = tpu.memref_slice %arg4[%shift_right_logical3A_967, %dma_wait3A_983, %multiple_of3A_975, %dma_wait3A_984, %dma_wait3A_985] : memref<50x4x128x8x128xf32, #tpu.memory_space<hbm>> -> memref<1x4x2x8x128xf32, #tpu.memory_space<hbm>>
        %dma_wait3A_987 = tpu.memref_squeeze %dma_wait3A_986 : memref<1x4x2x8x128xf32, #tpu.memory_space<hbm>> -> memref<4x2x8x128xf32, #tpu.memory_space<hbm>>
        %dma_wait3A_988 = arith.constant 0 : i32
        %dma_wait3A_989 = arith.constant 0 : i32
        %dma_wait3A_990 = arith.constant 0 : i32
        %dma_wait3A_991 = tpu.memref_slice %arg4[%shift_right_logical3A_967, %dma_wait3A_988, %multiple_of3A_975, %dma_wait3A_989, %dma_wait3A_990] : memref<50x4x128x8x128xf32, #tpu.memory_space<hbm>> -> memref<1x4x2x8x128xf32, #tpu.memory_space<hbm>>
        %dma_wait3A_992 = tpu.memref_squeeze %dma_wait3A_991 : memref<1x4x2x8x128xf32, #tpu.memory_space<hbm>> -> memref<4x2x8x128xf32, #tpu.memory_space<hbm>>
        %dma_wait3A_993 = arith.constant 0 : i32
        %dma_wait3A_994 = arith.constant 0 : i32
        %dma_wait3A_995 = arith.constant 0 : i32
        %dma_wait3A_996 = arith.constant 0 : i32
        %dma_wait3A_997 = tpu.memref_slice %arg8[%dma_wait3A_976, %dma_wait3A_993, %dma_wait3A_994, %dma_wait3A_995, %dma_wait3A_996] : memref<2x4x2x8x128xf32, #tpu.memory_space<vmem>> -> memref<1x4x2x8x128xf32, #tpu.memory_space<vmem>>
        %dma_wait3A_998 = tpu.memref_squeeze %dma_wait3A_997 : memref<1x4x2x8x128xf32, #tpu.memory_space<vmem>> -> memref<4x2x8x128xf32, #tpu.memory_space<vmem>>
        tpu.wait_dma2 semaphore(%arg12 : memref<!tpu.dma_semaphore, #tpu.memory_space<semaphore_mem>>) src(%dma_wait3A_998 : memref<4x2x8x128xf32, #tpu.memory_space<vmem>>) dst(%dma_wait3A_992 : memref<4x2x8x128xf32, #tpu.memory_space<hbm>>)
      } else {
      }
      %add3A_672 = arith.constant 1 : i32
      %add3A_673 = arith.addi %add3A_666, %add3A_672 : i32
      %lt3A_674 = arith.constant 100 : i32
      %lt3A_675 = arith.cmpi slt, %add3A_673, %lt3A_674 : i32
      %convert_element_type3A_676 = arith.extui %lt3A_675 : i1 to i32
      %cond3A_677 = arith.constant 0 : i32
      %cond3A_678 = arith.cmpi ne, %convert_element_type3A_676, %cond3A_677 : i32
      scf.if %cond3A_678 {
        %add3A_965 = arith.constant 1 : i32
        %add3A_966 = arith.addi %add3A_666, %add3A_965 : i32
        %shift_right_logical3A_967 = arith.constant 1 : i32
        %shift_right_logical3A_968 = arith.shrui %add3A_966, %shift_right_logical3A_967 : i32
        %and3A_969 = arith.constant 1 : i32
        %and3A_970 = arith.andi %add3A_966, %and3A_969 : i32
        %mul3A_971 = arith.constant 256 : i32
        %mul3A_972 = arith.muli %and3A_970, %mul3A_971 : i32
        %add3A_973 = arith.constant 0 : i32
        %add3A_974 = arith.addi %mul3A_972, %add3A_973 : i32
        %add3A_975 = arith.constant 0 : i32
        %add3A_976 = arith.addi %add3A_974, %add3A_975 : i32
        %get3A_977 = arith.index_cast %shift_right_logical3A_968 : i32 to index
        %get3A_978 = arith.index_cast %add3A_976 : i32 to index
        %get3A_979 = tpu.vector_load %arg5[%get3A_977, %get3A_978] {strides = array<i32>} : memref<50x512xi32, #tpu.memory_space<vmem>>, vector<16xi32>,
        %shift_right_logical3A_980 = arith.constant 2 : i32
        %shift_right_logical3A_981 = vector.broadcast %shift_right_logical3A_980 : i32 to vector<16xi32>
        %shift_right_logical3A_982 = arith.shrui %get3A_979, %shift_right_logical3A_981 : vector<16xi32>
        %swap3A_983 = arith.constant 0 : i32
        %swap3A_984 = arith.index_cast %swap3A_983 : i32 to index
        %swap3A_985 = arith.constant 0 : index
        %swap3A_986 = tpu.vector_load %arg7[%swap3A_984, %swap3A_985] {strides = array<i32>} : memref<8x64xi32, #tpu.memory_space<vmem>>, vector<16xi32>,
        tpu.vector_store %arg7[%swap3A_984, %swap3A_985], %shift_right_logical3A_982 {strides = array<i32>} : memref<8x64xi32, #tpu.memory_space<vmem>>, vector<16xi32>,
        %add3A_987 = arith.constant 16 : i32
        %add3A_988 = arith.addi %add3A_974, %add3A_987 : i32
        %get3A_989 = arith.index_cast %shift_right_logical3A_968 : i32 to index
        %get3A_990 = arith.index_cast %add3A_988 : i32 to index
        %get3A_991 = tpu.vector_load %arg5[%get3A_989, %get3A_990] {strides = array<i32>} : memref<50x512xi32, #tpu.memory_space<vmem>>, vector<16xi32>,
        %shift_right_logical3A_992 = arith.constant 2 : i32
        %shift_right_logical3A_993 = vector.broadcast %shift_right_logical3A_992 : i32 to vector<16xi32>
        %shift_right_logical3A_994 = arith.shrui %get3A_991, %shift_right_logical3A_993 : vector<16xi32>
        %swap3A_995 = arith.constant 0 : i32
        %swap3A_996 = arith.index_cast %swap3A_995 : i32 to index
        %swap3A_997 = arith.constant 16 : index
        %swap3A_998 = tpu.vector_load %arg7[%swap3A_996, %swap3A_997] {strides = array<i32>} : memref<8x64xi32, #tpu.memory_space<vmem>>, vector<16xi32>,
        tpu.vector_store %arg7[%swap3A_996, %swap3A_997], %shift_right_logical3A_994 {strides = array<i32>} : memref<8x64xi32, #tpu.memory_space<vmem>>, vector<16xi32>,
        %add3A_999 = arith.constant 32 : i32
        %add3A_1000 = arith.addi %add3A_974, %add3A_999 : i32
        %get3A_1001 = arith.index_cast %shift_right_logical3A_968 : i32 to index
        %get3A_1002 = arith.index_cast %add3A_1000 : i32 to index
        %get3A_1003 = tpu.vector_load %arg5[%get3A_1001, %get3A_1002] {strides = array<i32>} : memref<50x512xi32, #tpu.memory_space<vmem>>, vector<16xi32>,
        %shift_right_logical3A_1004 = arith.constant 2 : i32
        %shift_right_logical3A_1005 = vector.broadcast %shift_right_logical3A_1004 : i32 to vector<16xi32>
        %shift_right_logical3A_1006 = arith.shrui %get3A_1003, %shift_right_logical3A_1005 : vector<16xi32>
        %swap3A_1007 = arith.constant 0 : i32
        %swap3A_1008 = arith.index_cast %swap3A_1007 : i32 to index
        %swap3A_1009 = arith.constant 32 : index
        %swap3A_1010 = tpu.vector_load %arg7[%swap3A_1008, %swap3A_1009] {strides = array<i32>} : memref<8x64xi32, #tpu.memory_space<vmem>>, vector<16xi32>,
        tpu.vector_store %arg7[%swap3A_1008, %swap3A_1009], %shift_right_logical3A_1006 {strides = array<i32>} : memref<8x64xi32, #tpu.memory_space<vmem>>, vector<16xi32>,
        %add3A_1011 = arith.constant 48 : i32
        %add3A_1012 = arith.addi %add3A_974, %add3A_1011 : i32
        %get3A_1013 = arith.index_cast %shift_right_logical3A_968 : i32 to index
        %get3A_1014 = arith.index_cast %add3A_1012 : i32 to index
        %get3A_1015 = tpu.vector_load %arg5[%get3A_1013, %get3A_1014] {strides = array<i32>} : memref<50x512xi32, #tpu.memory_space<vmem>>, vector<16xi32>,
        %shift_right_logical3A_1016 = arith.constant 2 : i32
        %shift_right_logical3A_1017 = vector.broadcast %shift_right_logical3A_1016 : i32 to vector<16xi32>
        %shift_right_logical3A_1018 = arith.shrui %get3A_1015, %shift_right_logical3A_1017 : vector<16xi32>
        %swap3A_1019 = arith.constant 0 : i32
        %swap3A_1020 = arith.index_cast %swap3A_1019 : i32 to index
        %swap3A_1021 = arith.constant 48 : index
        %swap3A_1022 = tpu.vector_load %arg7[%swap3A_1020, %swap3A_1021] {strides = array<i32>} : memref<8x64xi32, #tpu.memory_space<vmem>>, vector<16xi32>,
        tpu.vector_store %arg7[%swap3A_1020, %swap3A_1021], %shift_right_logical3A_1018 {strides = array<i32>} : memref<8x64xi32, #tpu.memory_space<vmem>>, vector<16xi32>,
        %dma_start3A_1023 = arith.constant 0 : i32
        %dma_start3A_1024 = arith.constant 0 : i32
        %dma_start3A_1025 = arith.constant 0 : i32
        %dma_start3A_1026 = arith.constant 0 : i32
        %dma_start3A_1027 = tpu.memref_slice %arg6[%dma_start3A_1024, %dma_start3A_1025, %dma_start3A_1026] : memref<8x64x128xf32, #tpu.memory_space<vmem>> -> memref<1x64x128xf32, #tpu.memory_space<vmem>>
        %dma_start3A_1028 = tpu.memref_squeeze %dma_start3A_1027 : memref<1x64x128xf32, #tpu.memory_space<vmem>> -> memref<64x128xf32, #tpu.memory_space<vmem>>
        %dma_start3A_1029 = arith.constant 0 : i32
        %dma_start3A_1030 = tpu.memref_slice %arg7[%dma_start3A_1023, %dma_start3A_1029] : memref<8x64xi32, #tpu.memory_space<vmem>> -> memref<1x64xi32, #tpu.memory_space<vmem>>
        %dma_start3A_1031 = tpu.memref_squeeze %dma_start3A_1030 : memref<1x64xi32, #tpu.memory_space<vmem>> -> memref<64xi32, #tpu.memory_space<vmem>>
        %dma_start3A_1032 = arith.constant 0 : i32
        %dma_start3A_1033 = arith.constant 0 : i32
        %dma_start3A_1034 = tpu.memref_slice %arg3[%dma_start3A_1032, %dma_start3A_1033] : memref<250000x128xf32, #tpu.memory_space<hbm>> -> memref<250000x128xf32, #tpu.memory_space<hbm>>
        tpu.enqueue_indirect_dma source(%dma_start3A_1034 : memref<250000x128xf32, #tpu.memory_space<hbm>>) target(%dma_start3A_1028 : memref<64x128xf32, #tpu.memory_space<vmem>>) offsets(%dma_start3A_1031 : memref<64xi32, #tpu.memory_space<vmem>>) semaphore(%arg9 : memref<!tpu.dma_semaphore, #tpu.memory_space<semaphore_mem>>)
        %and3A_1035 = arith.constant 1 : i32
        %and3A_1036 = arith.andi %add3A_966, %and3A_1035 : i32
        %mul3A_1037 = arith.constant 256 : i32
        %mul3A_1038 = arith.muli %and3A_1036, %mul3A_1037 : i32
        %add3A_1039 = arith.constant 64 : i32
        %add3A_1040 = arith.addi %mul3A_1038, %add3A_1039 : i32
        %add3A_1041 = arith.constant 0 : i32
        %add3A_1042 = arith.addi %add3A_1040, %add3A_1041 : i32
        %get3A_1043 = arith.index_cast %shift_right_logical3A_968 : i32 to index
        %get3A_1044 = arith.index_cast %add3A_1042 : i32 to index
        %get3A_1045 = tpu.vector_load %arg5[%get3A_1043, %get3A_1044] {strides = array<i32>} : memref<50x512xi32, #tpu.memory_space<vmem>>, vector<16xi32>,
        %shift_right_logical3A_1046 = arith.constant 2 : i32
        %shift_right_logical3A_1047 = vector.broadcast %shift_right_logical3A_1046 : i32 to vector<16xi32>
        %shift_right_logical3A_1048 = arith.shrui %get3A_1045, %shift_right_logical3A_1047 : vector<16xi32>
        %swap3A_1049 = arith.constant 1 : i32
        %swap3A_1050 = arith.index_cast %swap3A_1049 : i32 to index
        %swap3A_1051 = arith.constant 0 : index
        %swap3A_1052 = tpu.vector_load %arg7[%swap3A_1050, %swap3A_1051] {strides = array<i32>} : memref<8x64xi32, #tpu.memory_space<vmem>>, vector<16xi32>,
        tpu.vector_store %arg7[%swap3A_1050, %swap3A_1051], %shift_right_logical3A_1048 {strides = array<i32>} : memref<8x64xi32, #tpu.memory_space<vmem>>, vector<16xi32>,
        %add3A_1053 = arith.constant 16 : i32
        %add3A_1054 = arith.addi %add3A_1040, %add3A_1053 : i32
        %get3A_1055 = arith.index_cast %shift_right_logical3A_968 : i32 to index
        %get3A_1056 = arith.index_cast %add3A_1054 : i32 to index
        %get3A_1057 = tpu.vector_load %arg5[%get3A_1055, %get3A_1056] {strides = array<i32>} : memref<50x512xi32, #tpu.memory_space<vmem>>, vector<16xi32>,
        %shift_right_logical3A_1058 = arith.constant 2 : i32
        %shift_right_logical3A_1059 = vector.broadcast %shift_right_logical3A_1058 : i32 to vector<16xi32>
        %shift_right_logical3A_1060 = arith.shrui %get3A_1057, %shift_right_logical3A_1059 : vector<16xi32>
        %swap3A_1061 = arith.constant 1 : i32
        %swap3A_1062 = arith.index_cast %swap3A_1061 : i32 to index
        %swap3A_1063 = arith.constant 16 : index
        %swap3A_1064 = tpu.vector_load %arg7[%swap3A_1062, %swap3A_1063] {strides = array<i32>} : memref<8x64xi32, #tpu.memory_space<vmem>>, vector<16xi32>,
        tpu.vector_store %arg7[%swap3A_1062, %swap3A_1063], %shift_right_logical3A_1060 {strides = array<i32>} : memref<8x64xi32, #tpu.memory_space<vmem>>, vector<16xi32>,
        %add3A_1065 = arith.constant 32 : i32
        %add3A_1066 = arith.addi %add3A_1040, %add3A_1065 : i32
        %get3A_1067 = arith.index_cast %shift_right_logical3A_968 : i32 to index
        %get3A_1068 = arith.index_cast %add3A_1066 : i32 to index
        %get3A_1069 = tpu.vector_load %arg5[%get3A_1067, %get3A_1068] {strides = array<i32>} : memref<50x512xi32, #tpu.memory_space<vmem>>, vector<16xi32>,
        %shift_right_logical3A_1070 = arith.constant 2 : i32
        %shift_right_logical3A_1071 = vector.broadcast %shift_right_logical3A_1070 : i32 to vector<16xi32>
        %shift_right_logical3A_1072 = arith.shrui %get3A_1069, %shift_right_logical3A_1071 : vector<16xi32>
        %swap3A_1073 = arith.constant 1 : i32
        %swap3A_1074 = arith.index_cast %swap3A_1073 : i32 to index
        %swap3A_1075 = arith.constant 32 : index
        %swap3A_1076 = tpu.vector_load %arg7[%swap3A_1074, %swap3A_1075] {strides = array<i32>} : memref<8x64xi32, #tpu.memory_space<vmem>>, vector<16xi32>,
        tpu.vector_store %arg7[%swap3A_1074, %swap3A_1075], %shift_right_logical3A_1072 {strides = array<i32>} : memref<8x64xi32, #tpu.memory_space<vmem>>, vector<16xi32>,
        %add3A_1077 = arith.constant 48 : i32
        %add3A_1078 = arith.addi %add3A_1040, %add3A_1077 : i32
        %get3A_1079 = arith.index_cast %shift_right_logical3A_968 : i32 to index
        %get3A_1080 = arith.index_cast %add3A_1078 : i32 to index
        %get3A_1081 = tpu.vector_load %arg5[%get3A_1079, %get3A_1080] {strides = array<i32>} : memref<50x512xi32, #tpu.memory_space<vmem>>, vector<16xi32>,
        %shift_right_logical3A_1082 = arith.constant 2 : i32
        %shift_right_logical3A_1083 = vector.broadcast %shift_right_logical3A_1082 : i32 to vector<16xi32>
        %shift_right_logical3A_1084 = arith.shrui %get3A_1081, %shift_right_logical3A_1083 : vector<16xi32>
        %swap3A_1085 = arith.constant 1 : i32
        %swap3A_1086 = arith.index_cast %swap3A_1085 : i32 to index
        %swap3A_1087 = arith.constant 48 : index
        %swap3A_1088 = tpu.vector_load %arg7[%swap3A_1086, %swap3A_1087] {strides = array<i32>} : memref<8x64xi32, #tpu.memory_space<vmem>>, vector<16xi32>,
        tpu.vector_store %arg7[%swap3A_1086, %swap3A_1087], %shift_right_logical3A_1084 {strides = array<i32>} : memref<8x64xi32, #tpu.memory_space<vmem>>, vector<16xi32>,
        %dma_start3A_1089 = arith.constant 1 : i32
        %dma_start3A_1090 = arith.constant 1 : i32
        %dma_start3A_1091 = arith.constant 0 : i32
        %dma_start3A_1092 = arith.constant 0 : i32
        %dma_start3A_1093 = tpu.memref_slice %arg6[%dma_start3A_1090, %dma_start3A_1091, %dma_start3A_1092] : memref<8x64x128xf32, #tpu.memory_space<vmem>> -> memref<1x64x128xf32, #tpu.memory_space<vmem>>
        %dma_start3A_1094 = tpu.memref_squeeze %dma_start3A_1093 : memref<1x64x128xf32, #tpu.memory_space<vmem>> -> memref<64x128xf32, #tpu.memory_space<vmem>>
        %dma_start3A_1095 = arith.constant 0 : i32
        %dma_start3A_1096 = tpu.memref_slice %arg7[%dma_start3A_1089, %dma_start3A_1095] : memref<8x64xi32, #tpu.memory_space<vmem>> -> memref<1x64xi32, #tpu.memory_space<vmem>>
        %dma_start3A_1097 = tpu.memref_squeeze %dma_start3A_1096 : memref<1x64xi32, #tpu.memory_space<vmem>> -> memref<64xi32, #tpu.memory_space<vmem>>
        %dma_start3A_1098 = arith.constant 0 : i32
        %dma_start3A_1099 = arith.constant 0 : i32
        %dma_start3A_1100 = tpu.memref_slice %arg3[%dma_start3A_1098, %dma_start3A_1099] : memref<250000x128xf32, #tpu.memory_space<hbm>> -> memref<250000x128xf32, #tpu.memory_space<hbm>>
        tpu.enqueue_indirect_dma source(%dma_start3A_1100 : memref<250000x128xf32, #tpu.memory_space<hbm>>) target(%dma_start3A_1094 : memref<64x128xf32, #tpu.memory_space<vmem>>) offsets(%dma_start3A_1097 : memref<64xi32, #tpu.memory_space<vmem>>) semaphore(%arg9 : memref<!tpu.dma_semaphore, #tpu.memory_space<semaphore_mem>>)
        %and3A_1101 = arith.constant 1 : i32
        %and3A_1102 = arith.andi %add3A_966, %and3A_1101 : i32
        %mul3A_1103 = arith.constant 256 : i32
        %mul3A_1104 = arith.muli %and3A_1102, %mul3A_1103 : i32
        %add3A_1105 = arith.constant 128 : i32
        %add3A_1106 = arith.addi %mul3A_1104, %add3A_1105 : i32
        %add3A_1107 = arith.constant 0 : i32
        %add3A_1108 = arith.addi %add3A_1106, %add3A_1107 : i32
        %get3A_1109 = arith.index_cast %shift_right_logical3A_968 : i32 to index
        %get3A_1110 = arith.index_cast %add3A_1108 : i32 to index
        %get3A_1111 = tpu.vector_load %arg5[%get3A_1109, %get3A_1110] {strides = array<i32>} : memref<50x512xi32, #tpu.memory_space<vmem>>, vector<16xi32>,
        %shift_right_logical3A_1112 = arith.constant 2 : i32
        %shift_right_logical3A_1113 = vector.broadcast %shift_right_logical3A_1112 : i32 to vector<16xi32>
        %shift_right_logical3A_1114 = arith.shrui %get3A_1111, %shift_right_logical3A_1113 : vector<16xi32>
        %swap3A_1115 = arith.constant 2 : i32
        %swap3A_1116 = arith.index_cast %swap3A_1115 : i32 to index
        %swap3A_1117 = arith.constant 0 : index
        %swap3A_1118 = tpu.vector_load %arg7[%swap3A_1116, %swap3A_1117] {strides = array<i32>} : memref<8x64xi32, #tpu.memory_space<vmem>>, vector<16xi32>,
        tpu.vector_store %arg7[%swap3A_1116, %swap3A_1117], %shift_right_logical3A_1114 {strides = array<i32>} : memref<8x64xi32, #tpu.memory_space<vmem>>, vector<16xi32>,
        %add3A_1119 = arith.constant 16 : i32
        %add3A_1120 = arith.addi %add3A_1106, %add3A_1119 : i32
        %get3A_1121 = arith.index_cast %shift_right_logical3A_968 : i32 to index
        %get3A_1122 = arith.index_cast %add3A_1120 : i32 to index
        %get3A_1123 = tpu.vector_load %arg5[%get3A_1121, %get3A_1122] {strides = array<i32>} : memref<50x512xi32, #tpu.memory_space<vmem>>, vector<16xi32>,
        %shift_right_logical3A_1124 = arith.constant 2 : i32
        %shift_right_logical3A_1125 = vector.broadcast %shift_right_logical3A_1124 : i32 to vector<16xi32>
        %shift_right_logical3A_1126 = arith.shrui %get3A_1123, %shift_right_logical3A_1125 : vector<16xi32>
        %swap3A_1127 = arith.constant 2 : i32
        %swap3A_1128 = arith.index_cast %swap3A_1127 : i32 to index
        %swap3A_1129 = arith.constant 16 : index
        %swap3A_1130 = tpu.vector_load %arg7[%swap3A_1128, %swap3A_1129] {strides = array<i32>} : memref<8x64xi32, #tpu.memory_space<vmem>>, vector<16xi32>,
        tpu.vector_store %arg7[%swap3A_1128, %swap3A_1129], %shift_right_logical3A_1126 {strides = array<i32>} : memref<8x64xi32, #tpu.memory_space<vmem>>, vector<16xi32>,
        %add3A_1131 = arith.constant 32 : i32
        %add3A_1132 = arith.addi %add3A_1106, %add3A_1131 : i32
        %get3A_1133 = arith.index_cast %shift_right_logical3A_968 : i32 to index
        %get3A_1134 = arith.index_cast %add3A_1132 : i32 to index
        %get3A_1135 = tpu.vector_load %arg5[%get3A_1133, %get3A_1134] {strides = array<i32>} : memref<50x512xi32, #tpu.memory_space<vmem>>, vector<16xi32>,
        %shift_right_logical3A_1136 = arith.constant 2 : i32
        %shift_right_logical3A_1137 = vector.broadcast %shift_right_logical3A_1136 : i32 to vector<16xi32>
        %shift_right_logical3A_1138 = arith.shrui %get3A_1135, %shift_right_logical3A_1137 : vector<16xi32>
        %swap3A_1139 = arith.constant 2 : i32
        %swap3A_1140 = arith.index_cast %swap3A_1139 : i32 to index
        %swap3A_1141 = arith.constant 32 : index
        %swap3A_1142 = tpu.vector_load %arg7[%swap3A_1140, %swap3A_1141] {strides = array<i32>} : memref<8x64xi32, #tpu.memory_space<vmem>>, vector<16xi32>,
        tpu.vector_store %arg7[%swap3A_1140, %swap3A_1141], %shift_right_logical3A_1138 {strides = array<i32>} : memref<8x64xi32, #tpu.memory_space<vmem>>, vector<16xi32>,
        %add3A_1143 = arith.constant 48 : i32
        %add3A_1144 = arith.addi %add3A_1106, %add3A_1143 : i32
        %get3A_1145 = arith.index_cast %shift_right_logical3A_968 : i32 to index
        %get3A_1146 = arith.index_cast %add3A_1144 : i32 to index
        %get3A_1147 = tpu.vector_load %arg5[%get3A_1145, %get3A_1146] {strides = array<i32>} : memref<50x512xi32, #tpu.memory_space<vmem>>, vector<16xi32>,
        %shift_right_logical3A_1148 = arith.constant 2 : i32
        %shift_right_logical3A_1149 = vector.broadcast %shift_right_logical3A_1148 : i32 to vector<16xi32>
        %shift_right_logical3A_1150 = arith.shrui %get3A_1147, %shift_right_logical3A_1149 : vector<16xi32>
        %swap3A_1151 = arith.constant 2 : i32
        %swap3A_1152 = arith.index_cast %swap3A_1151 : i32 to index
        %swap3A_1153 = arith.constant 48 : index
        %swap3A_1154 = tpu.vector_load %arg7[%swap3A_1152, %swap3A_1153] {strides = array<i32>} : memref<8x64xi32, #tpu.memory_space<vmem>>, vector<16xi32>,
        tpu.vector_store %arg7[%swap3A_1152, %swap3A_1153], %shift_right_logical3A_1150 {strides = array<i32>} : memref<8x64xi32, #tpu.memory_space<vmem>>, vector<16xi32>,
        %dma_start3A_1155 = arith.constant 2 : i32
        %dma_start3A_1156 = arith.constant 2 : i32
        %dma_start3A_1157 = arith.constant 0 : i32
        %dma_start3A_1158 = arith.constant 0 : i32
        %dma_start3A_1159 = tpu.memref_slice %arg6[%dma_start3A_1156, %dma_start3A_1157, %dma_start3A_1158] : memref<8x64x128xf32, #tpu.memory_space<vmem>> -> memref<1x64x128xf32, #tpu.memory_space<vmem>>
        %dma_start3A_1160 = tpu.memref_squeeze %dma_start3A_1159 : memref<1x64x128xf32, #tpu.memory_space<vmem>> -> memref<64x128xf32, #tpu.memory_space<vmem>>
        %dma_start3A_1161 = arith.constant 0 : i32
        %dma_start3A_1162 = tpu.memref_slice %arg7[%dma_start3A_1155, %dma_start3A_1161] : memref<8x64xi32, #tpu.memory_space<vmem>> -> memref<1x64xi32, #tpu.memory_space<vmem>>
        %dma_start3A_1163 = tpu.memref_squeeze %dma_start3A_1162 : memref<1x64xi32, #tpu.memory_space<vmem>> -> memref<64xi32, #tpu.memory_space<vmem>>
        %dma_start3A_1164 = arith.constant 0 : i32
        %dma_start3A_1165 = arith.constant 0 : i32
        %dma_start3A_1166 = tpu.memref_slice %arg3[%dma_start3A_1164, %dma_start3A_1165] : memref<250000x128xf32, #tpu.memory_space<hbm>> -> memref<250000x128xf32, #tpu.memory_space<hbm>>
        tpu.enqueue_indirect_dma source(%dma_start3A_1166 : memref<250000x128xf32, #tpu.memory_space<hbm>>) target(%dma_start3A_1160 : memref<64x128xf32, #tpu.memory_space<vmem>>) offsets(%dma_start3A_1163 : memref<64xi32, #tpu.memory_space<vmem>>) semaphore(%arg9 : memref<!tpu.dma_semaphore, #tpu.memory_space<semaphore_mem>>)
        %and3A_1167 = arith.constant 1 : i32
        %and3A_1168 = arith.andi %add3A_966, %and3A_1167 : i32
        %mul3A_1169 = arith.constant 256 : i32
        %mul3A_1170 = arith.muli %and3A_1168, %mul3A_1169 : i32
        %add3A_1171 = arith.constant 192 : i32
        %add3A_1172 = arith.addi %mul3A_1170, %add3A_1171 : i32
        %add3A_1173 = arith.constant 0 : i32
        %add3A_1174 = arith.addi %add3A_1172, %add3A_1173 : i32
        %get3A_1175 = arith.index_cast %shift_right_logical3A_968 : i32 to index
        %get3A_1176 = arith.index_cast %add3A_1174 : i32 to index
        %get3A_1177 = tpu.vector_load %arg5[%get3A_1175, %get3A_1176] {strides = array<i32>} : memref<50x512xi32, #tpu.memory_space<vmem>>, vector<16xi32>,
        %shift_right_logical3A_1178 = arith.constant 2 : i32
        %shift_right_logical3A_1179 = vector.broadcast %shift_right_logical3A_1178 : i32 to vector<16xi32>
        %shift_right_logical3A_1180 = arith.shrui %get3A_1177, %shift_right_logical3A_1179 : vector<16xi32>
        %swap3A_1181 = arith.constant 3 : i32
        %swap3A_1182 = arith.index_cast %swap3A_1181 : i32 to index
        %swap3A_1183 = arith.constant 0 : index
        %swap3A_1184 = tpu.vector_load %arg7[%swap3A_1182, %swap3A_1183] {strides = array<i32>} : memref<8x64xi32, #tpu.memory_space<vmem>>, vector<16xi32>,
        tpu.vector_store %arg7[%swap3A_1182, %swap3A_1183], %shift_right_logical3A_1180 {strides = array<i32>} : memref<8x64xi32, #tpu.memory_space<vmem>>, vector<16xi32>,
        %add3A_1185 = arith.constant 16 : i32
        %add3A_1186 = arith.addi %add3A_1172, %add3A_1185 : i32
        %get3A_1187 = arith.index_cast %shift_right_logical3A_968 : i32 to index
        %get3A_1188 = arith.index_cast %add3A_1186 : i32 to index
        %get3A_1189 = tpu.vector_load %arg5[%get3A_1187, %get3A_1188] {strides = array<i32>} : memref<50x512xi32, #tpu.memory_space<vmem>>, vector<16xi32>,
        %shift_right_logical3A_1190 = arith.constant 2 : i32
        %shift_right_logical3A_1191 = vector.broadcast %shift_right_logical3A_1190 : i32 to vector<16xi32>
        %shift_right_logical3A_1192 = arith.shrui %get3A_1189, %shift_right_logical3A_1191 : vector<16xi32>
        %swap3A_1193 = arith.constant 3 : i32
        %swap3A_1194 = arith.index_cast %swap3A_1193 : i32 to index
        %swap3A_1195 = arith.constant 16 : index
        %swap3A_1196 = tpu.vector_load %arg7[%swap3A_1194, %swap3A_1195] {strides = array<i32>} : memref<8x64xi32, #tpu.memory_space<vmem>>, vector<16xi32>,
        tpu.vector_store %arg7[%swap3A_1194, %swap3A_1195], %shift_right_logical3A_1192 {strides = array<i32>} : memref<8x64xi32, #tpu.memory_space<vmem>>, vector<16xi32>,
        %add3A_1197 = arith.constant 32 : i32
        %add3A_1198 = arith.addi %add3A_1172, %add3A_1197 : i32
        %get3A_1199 = arith.index_cast %shift_right_logical3A_968 : i32 to index
        %get3A_1200 = arith.index_cast %add3A_1198 : i32 to index
        %get3A_1201 = tpu.vector_load %arg5[%get3A_1199, %get3A_1200] {strides = array<i32>} : memref<50x512xi32, #tpu.memory_space<vmem>>, vector<16xi32>,
        %shift_right_logical3A_1202 = arith.constant 2 : i32
        %shift_right_logical3A_1203 = vector.broadcast %shift_right_logical3A_1202 : i32 to vector<16xi32>
        %shift_right_logical3A_1204 = arith.shrui %get3A_1201, %shift_right_logical3A_1203 : vector<16xi32>
        %swap3A_1205 = arith.constant 3 : i32
        %swap3A_1206 = arith.index_cast %swap3A_1205 : i32 to index
        %swap3A_1207 = arith.constant 32 : index
        %swap3A_1208 = tpu.vector_load %arg7[%swap3A_1206, %swap3A_1207] {strides = array<i32>} : memref<8x64xi32, #tpu.memory_space<vmem>>, vector<16xi32>,
        tpu.vector_store %arg7[%swap3A_1206, %swap3A_1207], %shift_right_logical3A_1204 {strides = array<i32>} : memref<8x64xi32, #tpu.memory_space<vmem>>, vector<16xi32>,
        %add3A_1209 = arith.constant 48 : i32
        %add3A_1210 = arith.addi %add3A_1172, %add3A_1209 : i32
        %get3A_1211 = arith.index_cast %shift_right_logical3A_968 : i32 to index
        %get3A_1212 = arith.index_cast %add3A_1210 : i32 to index
        %get3A_1213 = tpu.vector_load %arg5[%get3A_1211, %get3A_1212] {strides = array<i32>} : memref<50x512xi32, #tpu.memory_space<vmem>>, vector<16xi32>,
        %shift_right_logical3A_1214 = arith.constant 2 : i32
        %shift_right_logical3A_1215 = vector.broadcast %shift_right_logical3A_1214 : i32 to vector<16xi32>
        %shift_right_logical3A_1216 = arith.shrui %get3A_1213, %shift_right_logical3A_1215 : vector<16xi32>
        %swap3A_1217 = arith.constant 3 : i32
        %swap3A_1218 = arith.index_cast %swap3A_1217 : i32 to index
        %swap3A_1219 = arith.constant 48 : index
        %swap3A_1220 = tpu.vector_load %arg7[%swap3A_1218, %swap3A_1219] {strides = array<i32>} : memref<8x64xi32, #tpu.memory_space<vmem>>, vector<16xi32>,
        tpu.vector_store %arg7[%swap3A_1218, %swap3A_1219], %shift_right_logical3A_1216 {strides = array<i32>} : memref<8x64xi32, #tpu.memory_space<vmem>>, vector<16xi32>,
        %dma_start3A_1221 = arith.constant 3 : i32
        %dma_start3A_1222 = arith.constant 3 : i32
        %dma_start3A_1223 = arith.constant 0 : i32
        %dma_start3A_1224 = arith.constant 0 : i32
        %dma_start3A_1225 = tpu.memref_slice %arg6[%dma_start3A_1222, %dma_start3A_1223, %dma_start3A_1224] : memref<8x64x128xf32, #tpu.memory_space<vmem>> -> memref<1x64x128xf32, #tpu.memory_space<vmem>>
        %dma_start3A_1226 = tpu.memref_squeeze %dma_start3A_1225 : memref<1x64x128xf32, #tpu.memory_space<vmem>> -> memref<64x128xf32, #tpu.memory_space<vmem>>
        %dma_start3A_1227 = arith.constant 0 : i32
        %dma_start3A_1228 = tpu.memref_slice %arg7[%dma_start3A_1221, %dma_start3A_1227] : memref<8x64xi32, #tpu.memory_space<vmem>> -> memref<1x64xi32, #tpu.memory_space<vmem>>
        %dma_start3A_1229 = tpu.memref_squeeze %dma_start3A_1228 : memref<1x64xi32, #tpu.memory_space<vmem>> -> memref<64xi32, #tpu.memory_space<vmem>>
        %dma_start3A_1230 = arith.constant 0 : i32
        %dma_start3A_1231 = arith.constant 0 : i32
        %dma_start3A_1232 = tpu.memref_slice %arg3[%dma_start3A_1230, %dma_start3A_1231] : memref<250000x128xf32, #tpu.memory_space<hbm>> -> memref<250000x128xf32, #tpu.memory_space<hbm>>
        tpu.enqueue_indirect_dma source(%dma_start3A_1232 : memref<250000x128xf32, #tpu.memory_space<hbm>>) target(%dma_start3A_1226 : memref<64x128xf32, #tpu.memory_space<vmem>>) offsets(%dma_start3A_1229 : memref<64xi32, #tpu.memory_space<vmem>>) semaphore(%arg9 : memref<!tpu.dma_semaphore, #tpu.memory_space<semaphore_mem>>)
      } else {
      }
      %dma_wait3A_679 = arith.constant 4 : i32
      %dma_wait3A_680 = arith.constant 4 : i32
      %dma_wait3A_681 = arith.constant 0 : i32
      %dma_wait3A_682 = arith.constant 0 : i32
      %dma_wait3A_683 = tpu.memref_slice %arg6[%dma_wait3A_680, %dma_wait3A_681, %dma_wait3A_682] : memref<8x64x128xf32, #tpu.memory_space<vmem>> -> memref<1x64x128xf32, #tpu.memory_space<vmem>>
      %dma_wait3A_684 = tpu.memref_squeeze %dma_wait3A_683 : memref<1x64x128xf32, #tpu.memory_space<vmem>> -> memref<64x128xf32, #tpu.memory_space<vmem>>
      %dma_wait3A_685 = arith.constant 0 : i32
      %dma_wait3A_686 = tpu.memref_slice %arg7[%dma_wait3A_679, %dma_wait3A_685] : memref<8x64xi32, #tpu.memory_space<vmem>> -> memref<1x64xi32, #tpu.memory_space<vmem>>
      %dma_wait3A_687 = tpu.memref_squeeze %dma_wait3A_686 : memref<1x64xi32, #tpu.memory_space<vmem>> -> memref<64xi32, #tpu.memory_space<vmem>>
      %dma_wait3A_688 = arith.constant 0 : i32
      %dma_wait3A_689 = arith.constant 0 : i32
      %dma_wait3A_690 = tpu.memref_slice %arg3[%dma_wait3A_688, %dma_wait3A_689] : memref<250000x128xf32, #tpu.memory_space<hbm>> -> memref<250000x128xf32, #tpu.memory_space<hbm>>
      tpu.wait_indirect_dma semaphore(%arg10 : memref<!tpu.dma_semaphore, #tpu.memory_space<semaphore_mem>>) src(%dma_wait3A_690 : memref<250000x128xf32, #tpu.memory_space<hbm>>) dst(%dma_wait3A_684 : memref<64x128xf32, #tpu.memory_space<vmem>>)
      %dma_wait3A_691 = arith.constant 5 : i32
      %dma_wait3A_692 = arith.constant 5 : i32
      %dma_wait3A_693 = arith.constant 0 : i32
      %dma_wait3A_694 = arith.constant 0 : i32
      %dma_wait3A_695 = tpu.memref_slice %arg6[%dma_wait3A_692, %dma_wait3A_693, %dma_wait3A_694] : memref<8x64x128xf32, #tpu.memory_space<vmem>> -> memref<1x64x128xf32, #tpu.memory_space<vmem>>
      %dma_wait3A_696 = tpu.memref_squeeze %dma_wait3A_695 : memref<1x64x128xf32, #tpu.memory_space<vmem>> -> memref<64x128xf32, #tpu.memory_space<vmem>>
      %dma_wait3A_697 = arith.constant 0 : i32
      %dma_wait3A_698 = tpu.memref_slice %arg7[%dma_wait3A_691, %dma_wait3A_697] : memref<8x64xi32, #tpu.memory_space<vmem>> -> memref<1x64xi32, #tpu.memory_space<vmem>>
      %dma_wait3A_699 = tpu.memref_squeeze %dma_wait3A_698 : memref<1x64xi32, #tpu.memory_space<vmem>> -> memref<64xi32, #tpu.memory_space<vmem>>
      %dma_wait3A_700 = arith.constant 0 : i32
      %dma_wait3A_701 = arith.constant 0 : i32
      %dma_wait3A_702 = tpu.memref_slice %arg3[%dma_wait3A_700, %dma_wait3A_701] : memref<250000x128xf32, #tpu.memory_space<hbm>> -> memref<250000x128xf32, #tpu.memory_space<hbm>>
      tpu.wait_indirect_dma semaphore(%arg10 : memref<!tpu.dma_semaphore, #tpu.memory_space<semaphore_mem>>) src(%dma_wait3A_702 : memref<250000x128xf32, #tpu.memory_space<hbm>>) dst(%dma_wait3A_696 : memref<64x128xf32, #tpu.memory_space<vmem>>)
      %dma_wait3A_703 = arith.constant 6 : i32
      %dma_wait3A_704 = arith.constant 6 : i32
      %dma_wait3A_705 = arith.constant 0 : i32
      %dma_wait3A_706 = arith.constant 0 : i32
      %dma_wait3A_707 = tpu.memref_slice %arg6[%dma_wait3A_704, %dma_wait3A_705, %dma_wait3A_706] : memref<8x64x128xf32, #tpu.memory_space<vmem>> -> memref<1x64x128xf32, #tpu.memory_space<vmem>>
      %dma_wait3A_708 = tpu.memref_squeeze %dma_wait3A_707 : memref<1x64x128xf32, #tpu.memory_space<vmem>> -> memref<64x128xf32, #tpu.memory_space<vmem>>
      %dma_wait3A_709 = arith.constant 0 : i32
      %dma_wait3A_710 = tpu.memref_slice %arg7[%dma_wait3A_703, %dma_wait3A_709] : memref<8x64xi32, #tpu.memory_space<vmem>> -> memref<1x64xi32, #tpu.memory_space<vmem>>
      %dma_wait3A_711 = tpu.memref_squeeze %dma_wait3A_710 : memref<1x64xi32, #tpu.memory_space<vmem>> -> memref<64xi32, #tpu.memory_space<vmem>>
      %dma_wait3A_712 = arith.constant 0 : i32
      %dma_wait3A_713 = arith.constant 0 : i32
      %dma_wait3A_714 = tpu.memref_slice %arg3[%dma_wait3A_712, %dma_wait3A_713] : memref<250000x128xf32, #tpu.memory_space<hbm>> -> memref<250000x128xf32, #tpu.memory_space<hbm>>
      tpu.wait_indirect_dma semaphore(%arg10 : memref<!tpu.dma_semaphore, #tpu.memory_space<semaphore_mem>>) src(%dma_wait3A_714 : memref<250000x128xf32, #tpu.memory_space<hbm>>) dst(%dma_wait3A_708 : memref<64x128xf32, #tpu.memory_space<vmem>>)
      %dma_wait3A_715 = arith.constant 7 : i32
      %dma_wait3A_716 = arith.constant 7 : i32
      %dma_wait3A_717 = arith.constant 0 : i32
      %dma_wait3A_718 = arith.constant 0 : i32
      %dma_wait3A_719 = tpu.memref_slice %arg6[%dma_wait3A_716, %dma_wait3A_717, %dma_wait3A_718] : memref<8x64x128xf32, #tpu.memory_space<vmem>> -> memref<1x64x128xf32, #tpu.memory_space<vmem>>
      %dma_wait3A_720 = tpu.memref_squeeze %dma_wait3A_719 : memref<1x64x128xf32, #tpu.memory_space<vmem>> -> memref<64x128xf32, #tpu.memory_space<vmem>>
      %dma_wait3A_721 = arith.constant 0 : i32
      %dma_wait3A_722 = tpu.memref_slice %arg7[%dma_wait3A_715, %dma_wait3A_721] : memref<8x64xi32, #tpu.memory_space<vmem>> -> memref<1x64xi32, #tpu.memory_space<vmem>>
      %dma_wait3A_723 = tpu.memref_squeeze %dma_wait3A_722 : memref<1x64xi32, #tpu.memory_space<vmem>> -> memref<64xi32, #tpu.memory_space<vmem>>
      %dma_wait3A_724 = arith.constant 0 : i32
      %dma_wait3A_725 = arith.constant 0 : i32
      %dma_wait3A_726 = tpu.memref_slice %arg3[%dma_wait3A_724, %dma_wait3A_725] : memref<250000x128xf32, #tpu.memory_space<hbm>> -> memref<250000x128xf32, #tpu.memory_space<hbm>>
      tpu.wait_indirect_dma semaphore(%arg10 : memref<!tpu.dma_semaphore, #tpu.memory_space<semaphore_mem>>) src(%dma_wait3A_726 : memref<250000x128xf32, #tpu.memory_space<hbm>>) dst(%dma_wait3A_720 : memref<64x128xf32, #tpu.memory_space<vmem>>)
      %shift_right_logical3A_727 = arith.constant 1 : i32
      %shift_right_logical3A_728 = arith.shrui %add3A_666, %shift_right_logical3A_727 : i32
      %and3A_729 = arith.constant 1 : i32
      %and3A_730 = arith.andi %add3A_666, %and3A_729 : i32
      %mul3A_731 = arith.constant 256 : i32
      %mul3A_732 = arith.muli %and3A_730, %mul3A_731 : i32
      %add3A_733 = arith.constant 0 : i32
      %add3A_734 = arith.addi %mul3A_732, %add3A_733 : i32
      %add3A_735 = arith.constant 0 : i32
      %add3A_736 = arith.addi %add3A_734, %add3A_735 : i32
      %get3A_737 = arith.index_cast %shift_right_logical3A_728 : i32 to index
      %get3A_738 = arith.index_cast %add3A_736 : i32 to index
      %get3A_739 = tpu.vector_load %arg5[%get3A_737, %get3A_738] {strides = array<i32>} : memref<50x512xi32, #tpu.memory_space<vmem>>, vector<16xi32>,
      %and3A_740 = arith.constant 3 : i32
      %and3A_741 = vector.broadcast %and3A_740 : i32 to vector<16xi32>
      %and3A_742 = arith.andi %get3A_739, %and3A_741 : vector<16xi32>
      %shift_left3A_743 = arith.constant 5 : i32
      %shift_left3A_744 = vector.broadcast %shift_left3A_743 : i32 to vector<16xi32>
      %shift_left3A_745 = arith.shli %and3A_742, %shift_left3A_744 : vector<16xi32>
      %add3A_746 = arith.constant 16 : i32
      %add3A_747 = arith.addi %add3A_734, %add3A_746 : i32
      %get3A_748 = arith.index_cast %shift_right_logical3A_728 : i32 to index
      %get3A_749 = arith.index_cast %add3A_747 : i32 to index
      %get3A_750 = tpu.vector_load %arg5[%get3A_748, %get3A_749] {strides = array<i32>} : memref<50x512xi32, #tpu.memory_space<vmem>>, vector<16xi32>,
      %and3A_751 = arith.constant 3 : i32
      %and3A_752 = vector.broadcast %and3A_751 : i32 to vector<16xi32>
      %and3A_753 = arith.andi %get3A_750, %and3A_752 : vector<16xi32>
      %shift_left3A_754 = arith.constant 5 : i32
      %shift_left3A_755 = vector.broadcast %shift_left3A_754 : i32 to vector<16xi32>
      %shift_left3A_756 = arith.shli %and3A_753, %shift_left3A_755 : vector<16xi32>
      %add3A_757 = arith.constant 32 : i32
      %add3A_758 = arith.addi %add3A_734, %add3A_757 : i32
      %get3A_759 = arith.index_cast %shift_right_logical3A_728 : i32 to index
      %get3A_760 = arith.index_cast %add3A_758 : i32 to index
      %get3A_761 = tpu.vector_load %arg5[%get3A_759, %get3A_760] {strides = array<i32>} : memref<50x512xi32, #tpu.memory_space<vmem>>, vector<16xi32>,
      %and3A_762 = arith.constant 3 : i32
      %and3A_763 = vector.broadcast %and3A_762 : i32 to vector<16xi32>
      %and3A_764 = arith.andi %get3A_761, %and3A_763 : vector<16xi32>
      %shift_left3A_765 = arith.constant 5 : i32
      %shift_left3A_766 = vector.broadcast %shift_left3A_765 : i32 to vector<16xi32>
      %shift_left3A_767 = arith.shli %and3A_764, %shift_left3A_766 : vector<16xi32>
      %add3A_768 = arith.constant 48 : i32
      %add3A_769 = arith.addi %add3A_734, %add3A_768 : i32
      %get3A_770 = arith.index_cast %shift_right_logical3A_728 : i32 to index
      %get3A_771 = arith.index_cast %add3A_769 : i32 to index
      %get3A_772 = tpu.vector_load %arg5[%get3A_770, %get3A_771] {strides = array<i32>} : memref<50x512xi32, #tpu.memory_space<vmem>>, vector<16xi32>,
      %and3A_773 = arith.constant 3 : i32
      %and3A_774 = vector.broadcast %and3A_773 : i32 to vector<16xi32>
      %and3A_775 = arith.andi %get3A_772, %and3A_774 : vector<16xi32>
      %shift_left3A_776 = arith.constant 5 : i32
      %shift_left3A_777 = vector.broadcast %shift_left3A_776 : i32 to vector<16xi32>
      %shift_left3A_778 = arith.shli %and3A_775, %shift_left3A_777 : vector<16xi32>
      %and3A_779 = arith.constant 1 : i32
      %and3A_780 = arith.andi %add3A_666, %and3A_779 : i32
      %mul3A_781 = arith.constant 256 : i32
      %mul3A_782 = arith.muli %and3A_780, %mul3A_781 : i32
      %add3A_783 = arith.constant 64 : i32
      %add3A_784 = arith.addi %mul3A_782, %add3A_783 : i32
      %add3A_785 = arith.constant 0 : i32
      %add3A_786 = arith.addi %add3A_784, %add3A_785 : i32
      %get3A_787 = arith.index_cast %shift_right_logical3A_728 : i32 to index
      %get3A_788 = arith.index_cast %add3A_786 : i32 to index
      %get3A_789 = tpu.vector_load %arg5[%get3A_787, %get3A_788] {strides = array<i32>} : memref<50x512xi32, #tpu.memory_space<vmem>>, vector<16xi32>,
      %and3A_790 = arith.constant 3 : i32
      %and3A_791 = vector.broadcast %and3A_790 : i32 to vector<16xi32>
      %and3A_792 = arith.andi %get3A_789, %and3A_791 : vector<16xi32>
      %shift_left3A_793 = arith.constant 5 : i32
      %shift_left3A_794 = vector.broadcast %shift_left3A_793 : i32 to vector<16xi32>
      %shift_left3A_795 = arith.shli %and3A_792, %shift_left3A_794 : vector<16xi32>
      %add3A_796 = arith.constant 16 : i32
      %add3A_797 = arith.addi %add3A_784, %add3A_796 : i32
      %get3A_798 = arith.index_cast %shift_right_logical3A_728 : i32 to index
      %get3A_799 = arith.index_cast %add3A_797 : i32 to index
      %get3A_800 = tpu.vector_load %arg5[%get3A_798, %get3A_799] {strides = array<i32>} : memref<50x512xi32, #tpu.memory_space<vmem>>, vector<16xi32>,
      %and3A_801 = arith.constant 3 : i32
      %and3A_802 = vector.broadcast %and3A_801 : i32 to vector<16xi32>
      %and3A_803 = arith.andi %get3A_800, %and3A_802 : vector<16xi32>
      %shift_left3A_804 = arith.constant 5 : i32
      %shift_left3A_805 = vector.broadcast %shift_left3A_804 : i32 to vector<16xi32>
      %shift_left3A_806 = arith.shli %and3A_803, %shift_left3A_805 : vector<16xi32>
      %add3A_807 = arith.constant 32 : i32
      %add3A_808 = arith.addi %add3A_784, %add3A_807 : i32
      %get3A_809 = arith.index_cast %shift_right_logical3A_728 : i32 to index
      %get3A_810 = arith.index_cast %add3A_808 : i32 to index
      %get3A_811 = tpu.vector_load %arg5[%get3A_809, %get3A_810] {strides = array<i32>} : memref<50x512xi32, #tpu.memory_space<vmem>>, vector<16xi32>,
      %and3A_812 = arith.constant 3 : i32
      %and3A_813 = vector.broadcast %and3A_812 : i32 to vector<16xi32>
      %and3A_814 = arith.andi %get3A_811, %and3A_813 : vector<16xi32>
      %shift_left3A_815 = arith.constant 5 : i32
      %shift_left3A_816 = vector.broadcast %shift_left3A_815 : i32 to vector<16xi32>
      %shift_left3A_817 = arith.shli %and3A_814, %shift_left3A_816 : vector<16xi32>
      %add3A_818 = arith.constant 48 : i32
      %add3A_819 = arith.addi %add3A_784, %add3A_818 : i32
      %get3A_820 = arith.index_cast %shift_right_logical3A_728 : i32 to index
      %get3A_821 = arith.index_cast %add3A_819 : i32 to index
      %get3A_822 = tpu.vector_load %arg5[%get3A_820, %get3A_821] {strides = array<i32>} : memref<50x512xi32, #tpu.memory_space<vmem>>, vector<16xi32>,
      %and3A_823 = arith.constant 3 : i32
      %and3A_824 = vector.broadcast %and3A_823 : i32 to vector<16xi32>
      %and3A_825 = arith.andi %get3A_822, %and3A_824 : vector<16xi32>
      %shift_left3A_826 = arith.constant 5 : i32
      %shift_left3A_827 = vector.broadcast %shift_left3A_826 : i32 to vector<16xi32>
      %shift_left3A_828 = arith.shli %and3A_825, %shift_left3A_827 : vector<16xi32>
      %and3A_829 = arith.constant 1 : i32
      %and3A_830 = arith.andi %add3A_666, %and3A_829 : i32
      %mul3A_831 = arith.constant 256 : i32
      %mul3A_832 = arith.muli %and3A_830, %mul3A_831 : i32
      %add3A_833 = arith.constant 128 : i32
      %add3A_834 = arith.addi %mul3A_832, %add3A_833 : i32
      %add3A_835 = arith.constant 0 : i32
      %add3A_836 = arith.addi %add3A_834, %add3A_835 : i32
      %get3A_837 = arith.index_cast %shift_right_logical3A_728 : i32 to index
      %get3A_838 = arith.index_cast %add3A_836 : i32 to index
      %get3A_839 = tpu.vector_load %arg5[%get3A_837, %get3A_838] {strides = array<i32>} : memref<50x512xi32, #tpu.memory_space<vmem>>, vector<16xi32>,
      %and3A_840 = arith.constant 3 : i32
      %and3A_841 = vector.broadcast %and3A_840 : i32 to vector<16xi32>
      %and3A_842 = arith.andi %get3A_839, %and3A_841 : vector<16xi32>
      %shift_left3A_843 = arith.constant 5 : i32
      %shift_left3A_844 = vector.broadcast %shift_left3A_843 : i32 to vector<16xi32>
      %shift_left3A_845 = arith.shli %and3A_842, %shift_left3A_844 : vector<16xi32>
      %add3A_846 = arith.constant 16 : i32
      %add3A_847 = arith.addi %add3A_834, %add3A_846 : i32
      %get3A_848 = arith.index_cast %shift_right_logical3A_728 : i32 to index
      %get3A_849 = arith.index_cast %add3A_847 : i32 to index
      %get3A_850 = tpu.vector_load %arg5[%get3A_848, %get3A_849] {strides = array<i32>} : memref<50x512xi32, #tpu.memory_space<vmem>>, vector<16xi32>,
      %and3A_851 = arith.constant 3 : i32
      %and3A_852 = vector.broadcast %and3A_851 : i32 to vector<16xi32>
      %and3A_853 = arith.andi %get3A_850, %and3A_852 : vector<16xi32>
      %shift_left3A_854 = arith.constant 5 : i32
      %shift_left3A_855 = vector.broadcast %shift_left3A_854 : i32 to vector<16xi32>
      %shift_left3A_856 = arith.shli %and3A_853, %shift_left3A_855 : vector<16xi32>
      %add3A_857 = arith.constant 32 : i32
      %add3A_858 = arith.addi %add3A_834, %add3A_857 : i32
      %get3A_859 = arith.index_cast %shift_right_logical3A_728 : i32 to index
      %get3A_860 = arith.index_cast %add3A_858 : i32 to index
      %get3A_861 = tpu.vector_load %arg5[%get3A_859, %get3A_860] {strides = array<i32>} : memref<50x512xi32, #tpu.memory_space<vmem>>, vector<16xi32>,
      %and3A_862 = arith.constant 3 : i32
      %and3A_863 = vector.broadcast %and3A_862 : i32 to vector<16xi32>
      %and3A_864 = arith.andi %get3A_861, %and3A_863 : vector<16xi32>
      %shift_left3A_865 = arith.constant 5 : i32
      %shift_left3A_866 = vector.broadcast %shift_left3A_865 : i32 to vector<16xi32>
      %shift_left3A_867 = arith.shli %and3A_864, %shift_left3A_866 : vector<16xi32>
      %add3A_868 = arith.constant 48 : i32
      %add3A_869 = arith.addi %add3A_834, %add3A_868 : i32
      %get3A_870 = arith.index_cast %shift_right_logical3A_728 : i32 to index
      %get3A_871 = arith.index_cast %add3A_869 : i32 to index
      %get3A_872 = tpu.vector_load %arg5[%get3A_870, %get3A_871] {strides = array<i32>} : memref<50x512xi32, #tpu.memory_space<vmem>>, vector<16xi32>,
      %and3A_873 = arith.constant 3 : i32
      %and3A_874 = vector.broadcast %and3A_873 : i32 to vector<16xi32>
      %and3A_875 = arith.andi %get3A_872, %and3A_874 : vector<16xi32>
      %shift_left3A_876 = arith.constant 5 : i32
      %shift_left3A_877 = vector.broadcast %shift_left3A_876 : i32 to vector<16xi32>
      %shift_left3A_878 = arith.shli %and3A_875, %shift_left3A_877 : vector<16xi32>
      %and3A_879 = arith.constant 1 : i32
      %and3A_880 = arith.andi %add3A_666, %and3A_879 : i32
      %mul3A_881 = arith.constant 256 : i32
      %mul3A_882 = arith.muli %and3A_880, %mul3A_881 : i32
      %add3A_883 = arith.constant 192 : i32
      %add3A_884 = arith.addi %mul3A_882, %add3A_883 : i32
      %add3A_885 = arith.constant 0 : i32
      %add3A_886 = arith.addi %add3A_884, %add3A_885 : i32
      %get3A_887 = arith.index_cast %shift_right_logical3A_728 : i32 to index
      %get3A_888 = arith.index_cast %add3A_886 : i32 to index
      %get3A_889 = tpu.vector_load %arg5[%get3A_887, %get3A_888] {strides = array<i32>} : memref<50x512xi32, #tpu.memory_space<vmem>>, vector<16xi32>,
      %and3A_890 = arith.constant 3 : i32
      %and3A_891 = vector.broadcast %and3A_890 : i32 to vector<16xi32>
      %and3A_892 = arith.andi %get3A_889, %and3A_891 : vector<16xi32>
      %shift_left3A_893 = arith.constant 5 : i32
      %shift_left3A_894 = vector.broadcast %shift_left3A_893 : i32 to vector<16xi32>
      %shift_left3A_895 = arith.shli %and3A_892, %shift_left3A_894 : vector<16xi32>
      %add3A_896 = arith.constant 16 : i32
      %add3A_897 = arith.addi %add3A_884, %add3A_896 : i32
      %get3A_898 = arith.index_cast %shift_right_logical3A_728 : i32 to index
      %get3A_899 = arith.index_cast %add3A_897 : i32 to index
      %get3A_900 = tpu.vector_load %arg5[%get3A_898, %get3A_899] {strides = array<i32>} : memref<50x512xi32, #tpu.memory_space<vmem>>, vector<16xi32>,
      %and3A_901 = arith.constant 3 : i32
      %and3A_902 = vector.broadcast %and3A_901 : i32 to vector<16xi32>
      %and3A_903 = arith.andi %get3A_900, %and3A_902 : vector<16xi32>
      %shift_left3A_904 = arith.constant 5 : i32
      %shift_left3A_905 = vector.broadcast %shift_left3A_904 : i32 to vector<16xi32>
      %shift_left3A_906 = arith.shli %and3A_903, %shift_left3A_905 : vector<16xi32>
      %add3A_907 = arith.constant 32 : i32
      %add3A_908 = arith.addi %add3A_884, %add3A_907 : i32
      %get3A_909 = arith.index_cast %shift_right_logical3A_728 : i32 to index
      %get3A_910 = arith.index_cast %add3A_908 : i32 to index
      %get3A_911 = tpu.vector_load %arg5[%get3A_909, %get3A_910] {strides = array<i32>} : memref<50x512xi32, #tpu.memory_space<vmem>>, vector<16xi32>,
      %and3A_912 = arith.constant 3 : i32
      %and3A_913 = vector.broadcast %and3A_912 : i32 to vector<16xi32>
      %and3A_914 = arith.andi %get3A_911, %and3A_913 : vector<16xi32>
      %shift_left3A_915 = arith.constant 5 : i32
      %shift_left3A_916 = vector.broadcast %shift_left3A_915 : i32 to vector<16xi32>
      %shift_left3A_917 = arith.shli %and3A_914, %shift_left3A_916 : vector<16xi32>
      %add3A_918 = arith.constant 48 : i32
      %add3A_919 = arith.addi %add3A_884, %add3A_918 : i32
      %get3A_920 = arith.index_cast %shift_right_logical3A_728 : i32 to index
      %get3A_921 = arith.index_cast %add3A_919 : i32 to index
      %get3A_922 = tpu.vector_load %arg5[%get3A_920, %get3A_921] {strides = array<i32>} : memref<50x512xi32, #tpu.memory_space<vmem>>, vector<16xi32>,
      %and3A_923 = arith.constant 3 : i32
      %and3A_924 = vector.broadcast %and3A_923 : i32 to vector<16xi32>
      %and3A_925 = arith.andi %get3A_922, %and3A_924 : vector<16xi32>
      %shift_left3A_926 = arith.constant 5 : i32
      %shift_left3A_927 = vector.broadcast %shift_left3A_926 : i32 to vector<16xi32>
      %shift_left3A_928 = arith.shli %and3A_925, %shift_left3A_927 : vector<16xi32>
      %parallel_loop3A_929 = arith.constant 0 : i32
      %parallel_loop3A_930 = arith.constant 32 : i32
      %parallel_loop3A_931 = arith.constant 1 : i32
      scf.for %parallel_loop3A_965 = %parallel_loop3A_929 to %parallel_loop3A_930 step %parallel_loop3A_931  : i32 {
        %parallel_loop3A_966 = arith.constant 3 : i32
        %parallel_loop3A_967 = arith.shrui %parallel_loop3A_965, %parallel_loop3A_966 : i32
        %parallel_loop3A_968 = arith.constant 7 : i32
        %parallel_loop3A_969 = arith.andi %parallel_loop3A_965, %parallel_loop3A_968 : i32
        %parallel_loop3A_970 = vector.broadcast %parallel_loop3A_965 : i32 to vector<16xi32>
        %parallel_loop3A_971 = arith.addi %shift_left3A_745, %parallel_loop3A_970 : vector<16xi32>
        %parallel_loop3A_972 = arith.constant 4 : i32
        %parallel_loop3A_973 = arith.constant 0 : i32
        %parallel_loop3A_974 = arith.constant 0 : i32
        %parallel_loop3A_975 = tpu.memref_slice %arg6[%parallel_loop3A_972, %parallel_loop3A_973, %parallel_loop3A_974] : memref<8x64x128xf32, #tpu.memory_space<vmem>> -> memref<1x64x128xf32, #tpu.memory_space<vmem>>
        %parallel_loop3A_976 = tpu.memref_squeeze %parallel_loop3A_975 : memref<1x64x128xf32, #tpu.memory_space<vmem>> -> memref<64x128xf32, #tpu.memory_space<vmem>>
        %parallel_loop3A_977 = tpu.vector_load_idx %parallel_loop3A_976[%add3A_5, %parallel_loop3A_971] : memref<64x128xf32, #tpu.memory_space<vmem>>[vector<16xi32>, vector<16xi32>], vector<16xf32>,
        %parallel_loop3A_978 = arith.constant 1 : i32
        %parallel_loop3A_979 = arith.constant 0 : i32
        %parallel_loop3A_980 = arith.index_cast %parallel_loop3A_978 : i32 to index
        %parallel_loop3A_981 = arith.index_cast %parallel_loop3A_967 : i32 to index
        %parallel_loop3A_982 = arith.index_cast %parallel_loop3A_979 : i32 to index
        %parallel_loop3A_983 = arith.index_cast %parallel_loop3A_969 : i32 to index
        %parallel_loop3A_984 = arith.constant 0 : index
        %parallel_loop3A_985 = tpu.vector_load %arg8[%parallel_loop3A_980, %parallel_loop3A_981, %parallel_loop3A_982, %parallel_loop3A_983, %parallel_loop3A_984] {strides = array<i32>} : memref<2x4x2x8x128xf32, #tpu.memory_space<vmem>>, vector<16xf32>,
        tpu.vector_store %arg8[%parallel_loop3A_980, %parallel_loop3A_981, %parallel_loop3A_982, %parallel_loop3A_983, %parallel_loop3A_984], %parallel_loop3A_977 {strides = array<i32>} : memref<2x4x2x8x128xf32, #tpu.memory_space<vmem>>, vector<16xf32>,
        %parallel_loop3A_986 = vector.broadcast %parallel_loop3A_965 : i32 to vector<16xi32>
        %parallel_loop3A_987 = arith.addi %shift_left3A_756, %parallel_loop3A_986 : vector<16xi32>
        %parallel_loop3A_988 = arith.constant 4 : i32
        %parallel_loop3A_989 = arith.constant 0 : i32
        %parallel_loop3A_990 = arith.constant 0 : i32
        %parallel_loop3A_991 = tpu.memref_slice %arg6[%parallel_loop3A_988, %parallel_loop3A_989, %parallel_loop3A_990] : memref<8x64x128xf32, #tpu.memory_space<vmem>> -> memref<1x64x128xf32, #tpu.memory_space<vmem>>
        %parallel_loop3A_992 = tpu.memref_squeeze %parallel_loop3A_991 : memref<1x64x128xf32, #tpu.memory_space<vmem>> -> memref<64x128xf32, #tpu.memory_space<vmem>>
        %parallel_loop3A_993 = tpu.vector_load_idx %parallel_loop3A_992[%add3A_8, %parallel_loop3A_987] : memref<64x128xf32, #tpu.memory_space<vmem>>[vector<16xi32>, vector<16xi32>], vector<16xf32>,
        %parallel_loop3A_994 = arith.constant 1 : i32
        %parallel_loop3A_995 = arith.constant 0 : i32
        %parallel_loop3A_996 = arith.index_cast %parallel_loop3A_994 : i32 to index
        %parallel_loop3A_997 = arith.index_cast %parallel_loop3A_967 : i32 to index
        %parallel_loop3A_998 = arith.index_cast %parallel_loop3A_995 : i32 to index
        %parallel_loop3A_999 = arith.index_cast %parallel_loop3A_969 : i32 to index
        %parallel_loop3A_1000 = arith.constant 16 : index
        %parallel_loop3A_1001 = tpu.vector_load %arg8[%parallel_loop3A_996, %parallel_loop3A_997, %parallel_loop3A_998, %parallel_loop3A_999, %parallel_loop3A_1000] {strides = array<i32>} : memref<2x4x2x8x128xf32, #tpu.memory_space<vmem>>, vector<16xf32>,
        tpu.vector_store %arg8[%parallel_loop3A_996, %parallel_loop3A_997, %parallel_loop3A_998, %parallel_loop3A_999, %parallel_loop3A_1000], %parallel_loop3A_993 {strides = array<i32>} : memref<2x4x2x8x128xf32, #tpu.memory_space<vmem>>, vector<16xf32>,
        %parallel_loop3A_1002 = vector.broadcast %parallel_loop3A_965 : i32 to vector<16xi32>
        %parallel_loop3A_1003 = arith.addi %shift_left3A_767, %parallel_loop3A_1002 : vector<16xi32>
        %parallel_loop3A_1004 = arith.constant 4 : i32
        %parallel_loop3A_1005 = arith.constant 0 : i32
        %parallel_loop3A_1006 = arith.constant 0 : i32
        %parallel_loop3A_1007 = tpu.memref_slice %arg6[%parallel_loop3A_1004, %parallel_loop3A_1005, %parallel_loop3A_1006] : memref<8x64x128xf32, #tpu.memory_space<vmem>> -> memref<1x64x128xf32, #tpu.memory_space<vmem>>
        %parallel_loop3A_1008 = tpu.memref_squeeze %parallel_loop3A_1007 : memref<1x64x128xf32, #tpu.memory_space<vmem>> -> memref<64x128xf32, #tpu.memory_space<vmem>>
        %parallel_loop3A_1009 = tpu.vector_load_idx %parallel_loop3A_1008[%add3A_11, %parallel_loop3A_1003] : memref<64x128xf32, #tpu.memory_space<vmem>>[vector<16xi32>, vector<16xi32>], vector<16xf32>,
        %parallel_loop3A_1010 = arith.constant 1 : i32
        %parallel_loop3A_1011 = arith.constant 0 : i32
        %parallel_loop3A_1012 = arith.index_cast %parallel_loop3A_1010 : i32 to index
        %parallel_loop3A_1013 = arith.index_cast %parallel_loop3A_967 : i32 to index
        %parallel_loop3A_1014 = arith.index_cast %parallel_loop3A_1011 : i32 to index
        %parallel_loop3A_1015 = arith.index_cast %parallel_loop3A_969 : i32 to index
        %parallel_loop3A_1016 = arith.constant 32 : index
        %parallel_loop3A_1017 = tpu.vector_load %arg8[%parallel_loop3A_1012, %parallel_loop3A_1013, %parallel_loop3A_1014, %parallel_loop3A_1015, %parallel_loop3A_1016] {strides = array<i32>} : memref<2x4x2x8x128xf32, #tpu.memory_space<vmem>>, vector<16xf32>,
        tpu.vector_store %arg8[%parallel_loop3A_1012, %parallel_loop3A_1013, %parallel_loop3A_1014, %parallel_loop3A_1015, %parallel_loop3A_1016], %parallel_loop3A_1009 {strides = array<i32>} : memref<2x4x2x8x128xf32, #tpu.memory_space<vmem>>, vector<16xf32>,
        %parallel_loop3A_1018 = vector.broadcast %parallel_loop3A_965 : i32 to vector<16xi32>
        %parallel_loop3A_1019 = arith.addi %shift_left3A_778, %parallel_loop3A_1018 : vector<16xi32>
        %parallel_loop3A_1020 = arith.constant 4 : i32
        %parallel_loop3A_1021 = arith.constant 0 : i32
        %parallel_loop3A_1022 = arith.constant 0 : i32
        %parallel_loop3A_1023 = tpu.memref_slice %arg6[%parallel_loop3A_1020, %parallel_loop3A_1021, %parallel_loop3A_1022] : memref<8x64x128xf32, #tpu.memory_space<vmem>> -> memref<1x64x128xf32, #tpu.memory_space<vmem>>
        %parallel_loop3A_1024 = tpu.memref_squeeze %parallel_loop3A_1023 : memref<1x64x128xf32, #tpu.memory_space<vmem>> -> memref<64x128xf32, #tpu.memory_space<vmem>>
        %parallel_loop3A_1025 = tpu.vector_load_idx %parallel_loop3A_1024[%add3A_14, %parallel_loop3A_1019] : memref<64x128xf32, #tpu.memory_space<vmem>>[vector<16xi32>, vector<16xi32>], vector<16xf32>,
        %parallel_loop3A_1026 = arith.constant 1 : i32
        %parallel_loop3A_1027 = arith.constant 0 : i32
        %parallel_loop3A_1028 = arith.index_cast %parallel_loop3A_1026 : i32 to index
        %parallel_loop3A_1029 = arith.index_cast %parallel_loop3A_967 : i32 to index
        %parallel_loop3A_1030 = arith.index_cast %parallel_loop3A_1027 : i32 to index
        %parallel_loop3A_1031 = arith.index_cast %parallel_loop3A_969 : i32 to index
        %parallel_loop3A_1032 = arith.constant 48 : index
        %parallel_loop3A_1033 = tpu.vector_load %arg8[%parallel_loop3A_1028, %parallel_loop3A_1029, %parallel_loop3A_1030, %parallel_loop3A_1031, %parallel_loop3A_1032] {strides = array<i32>} : memref<2x4x2x8x128xf32, #tpu.memory_space<vmem>>, vector<16xf32>,
        tpu.vector_store %arg8[%parallel_loop3A_1028, %parallel_loop3A_1029, %parallel_loop3A_1030, %parallel_loop3A_1031, %parallel_loop3A_1032], %parallel_loop3A_1025 {strides = array<i32>} : memref<2x4x2x8x128xf32, #tpu.memory_space<vmem>>, vector<16xf32>,
        %parallel_loop3A_1034 = vector.broadcast %parallel_loop3A_965 : i32 to vector<16xi32>
        %parallel_loop3A_1035 = arith.addi %shift_left3A_795, %parallel_loop3A_1034 : vector<16xi32>
        %parallel_loop3A_1036 = arith.constant 5 : i32
        %parallel_loop3A_1037 = arith.constant 0 : i32
        %parallel_loop3A_1038 = arith.constant 0 : i32
        %parallel_loop3A_1039 = tpu.memref_slice %arg6[%parallel_loop3A_1036, %parallel_loop3A_1037, %parallel_loop3A_1038] : memref<8x64x128xf32, #tpu.memory_space<vmem>> -> memref<1x64x128xf32, #tpu.memory_space<vmem>>
        %parallel_loop3A_1040 = tpu.memref_squeeze %parallel_loop3A_1039 : memref<1x64x128xf32, #tpu.memory_space<vmem>> -> memref<64x128xf32, #tpu.memory_space<vmem>>
        %parallel_loop3A_1041 = tpu.vector_load_idx %parallel_loop3A_1040[%add3A_5, %parallel_loop3A_1035] : memref<64x128xf32, #tpu.memory_space<vmem>>[vector<16xi32>, vector<16xi32>], vector<16xf32>,
        %parallel_loop3A_1042 = arith.constant 1 : i32
        %parallel_loop3A_1043 = arith.constant 0 : i32
        %parallel_loop3A_1044 = arith.index_cast %parallel_loop3A_1042 : i32 to index
        %parallel_loop3A_1045 = arith.index_cast %parallel_loop3A_967 : i32 to index
        %parallel_loop3A_1046 = arith.index_cast %parallel_loop3A_1043 : i32 to index
        %parallel_loop3A_1047 = arith.index_cast %parallel_loop3A_969 : i32 to index
        %parallel_loop3A_1048 = arith.constant 64 : index
        %parallel_loop3A_1049 = tpu.vector_load %arg8[%parallel_loop3A_1044, %parallel_loop3A_1045, %parallel_loop3A_1046, %parallel_loop3A_1047, %parallel_loop3A_1048] {strides = array<i32>} : memref<2x4x2x8x128xf32, #tpu.memory_space<vmem>>, vector<16xf32>,
        tpu.vector_store %arg8[%parallel_loop3A_1044, %parallel_loop3A_1045, %parallel_loop3A_1046, %parallel_loop3A_1047, %parallel_loop3A_1048], %parallel_loop3A_1041 {strides = array<i32>} : memref<2x4x2x8x128xf32, #tpu.memory_space<vmem>>, vector<16xf32>,
        %parallel_loop3A_1050 = vector.broadcast %parallel_loop3A_965 : i32 to vector<16xi32>
        %parallel_loop3A_1051 = arith.addi %shift_left3A_806, %parallel_loop3A_1050 : vector<16xi32>
        %parallel_loop3A_1052 = arith.constant 5 : i32
        %parallel_loop3A_1053 = arith.constant 0 : i32
        %parallel_loop3A_1054 = arith.constant 0 : i32
        %parallel_loop3A_1055 = tpu.memref_slice %arg6[%parallel_loop3A_1052, %parallel_loop3A_1053, %parallel_loop3A_1054] : memref<8x64x128xf32, #tpu.memory_space<vmem>> -> memref<1x64x128xf32, #tpu.memory_space<vmem>>
        %parallel_loop3A_1056 = tpu.memref_squeeze %parallel_loop3A_1055 : memref<1x64x128xf32, #tpu.memory_space<vmem>> -> memref<64x128xf32, #tpu.memory_space<vmem>>
        %parallel_loop3A_1057 = tpu.vector_load_idx %parallel_loop3A_1056[%add3A_8, %parallel_loop3A_1051] : memref<64x128xf32, #tpu.memory_space<vmem>>[vector<16xi32>, vector<16xi32>], vector<16xf32>,
        %parallel_loop3A_1058 = arith.constant 1 : i32
        %parallel_loop3A_1059 = arith.constant 0 : i32
        %parallel_loop3A_1060 = arith.index_cast %parallel_loop3A_1058 : i32 to index
        %parallel_loop3A_1061 = arith.index_cast %parallel_loop3A_967 : i32 to index
        %parallel_loop3A_1062 = arith.index_cast %parallel_loop3A_1059 : i32 to index
        %parallel_loop3A_1063 = arith.index_cast %parallel_loop3A_969 : i32 to index
        %parallel_loop3A_1064 = arith.constant 80 : index
        %parallel_loop3A_1065 = tpu.vector_load %arg8[%parallel_loop3A_1060, %parallel_loop3A_1061, %parallel_loop3A_1062, %parallel_loop3A_1063, %parallel_loop3A_1064] {strides = array<i32>} : memref<2x4x2x8x128xf32, #tpu.memory_space<vmem>>, vector<16xf32>,
        tpu.vector_store %arg8[%parallel_loop3A_1060, %parallel_loop3A_1061, %parallel_loop3A_1062, %parallel_loop3A_1063, %parallel_loop3A_1064], %parallel_loop3A_1057 {strides = array<i32>} : memref<2x4x2x8x128xf32, #tpu.memory_space<vmem>>, vector<16xf32>,
        %parallel_loop3A_1066 = vector.broadcast %parallel_loop3A_965 : i32 to vector<16xi32>
        %parallel_loop3A_1067 = arith.addi %shift_left3A_817, %parallel_loop3A_1066 : vector<16xi32>
        %parallel_loop3A_1068 = arith.constant 5 : i32
        %parallel_loop3A_1069 = arith.constant 0 : i32
        %parallel_loop3A_1070 = arith.constant 0 : i32
        %parallel_loop3A_1071 = tpu.memref_slice %arg6[%parallel_loop3A_1068, %parallel_loop3A_1069, %parallel_loop3A_1070] : memref<8x64x128xf32, #tpu.memory_space<vmem>> -> memref<1x64x128xf32, #tpu.memory_space<vmem>>
        %parallel_loop3A_1072 = tpu.memref_squeeze %parallel_loop3A_1071 : memref<1x64x128xf32, #tpu.memory_space<vmem>> -> memref<64x128xf32, #tpu.memory_space<vmem>>
        %parallel_loop3A_1073 = tpu.vector_load_idx %parallel_loop3A_1072[%add3A_11, %parallel_loop3A_1067] : memref<64x128xf32, #tpu.memory_space<vmem>>[vector<16xi32>, vector<16xi32>], vector<16xf32>,
        %parallel_loop3A_1074 = arith.constant 1 : i32
        %parallel_loop3A_1075 = arith.constant 0 : i32
        %parallel_loop3A_1076 = arith.index_cast %parallel_loop3A_1074 : i32 to index
        %parallel_loop3A_1077 = arith.index_cast %parallel_loop3A_967 : i32 to index
        %parallel_loop3A_1078 = arith.index_cast %parallel_loop3A_1075 : i32 to index
        %parallel_loop3A_1079 = arith.index_cast %parallel_loop3A_969 : i32 to index
        %parallel_loop3A_1080 = arith.constant 96 : index
        %parallel_loop3A_1081 = tpu.vector_load %arg8[%parallel_loop3A_1076, %parallel_loop3A_1077, %parallel_loop3A_1078, %parallel_loop3A_1079, %parallel_loop3A_1080] {strides = array<i32>} : memref<2x4x2x8x128xf32, #tpu.memory_space<vmem>>, vector<16xf32>,
        tpu.vector_store %arg8[%parallel_loop3A_1076, %parallel_loop3A_1077, %parallel_loop3A_1078, %parallel_loop3A_1079, %parallel_loop3A_1080], %parallel_loop3A_1073 {strides = array<i32>} : memref<2x4x2x8x128xf32, #tpu.memory_space<vmem>>, vector<16xf32>,
        %parallel_loop3A_1082 = vector.broadcast %parallel_loop3A_965 : i32 to vector<16xi32>
        %parallel_loop3A_1083 = arith.addi %shift_left3A_828, %parallel_loop3A_1082 : vector<16xi32>
        %parallel_loop3A_1084 = arith.constant 5 : i32
        %parallel_loop3A_1085 = arith.constant 0 : i32
        %parallel_loop3A_1086 = arith.constant 0 : i32
        %parallel_loop3A_1087 = tpu.memref_slice %arg6[%parallel_loop3A_1084, %parallel_loop3A_1085, %parallel_loop3A_1086] : memref<8x64x128xf32, #tpu.memory_space<vmem>> -> memref<1x64x128xf32, #tpu.memory_space<vmem>>
        %parallel_loop3A_1088 = tpu.memref_squeeze %parallel_loop3A_1087 : memref<1x64x128xf32, #tpu.memory_space<vmem>> -> memref<64x128xf32, #tpu.memory_space<vmem>>
        %parallel_loop3A_1089 = tpu.vector_load_idx %parallel_loop3A_1088[%add3A_14, %parallel_loop3A_1083] : memref<64x128xf32, #tpu.memory_space<vmem>>[vector<16xi32>, vector<16xi32>], vector<16xf32>,
        %parallel_loop3A_1090 = arith.constant 1 : i32
        %parallel_loop3A_1091 = arith.constant 0 : i32
        %parallel_loop3A_1092 = arith.index_cast %parallel_loop3A_1090 : i32 to index
        %parallel_loop3A_1093 = arith.index_cast %parallel_loop3A_967 : i32 to index
        %parallel_loop3A_1094 = arith.index_cast %parallel_loop3A_1091 : i32 to index
        %parallel_loop3A_1095 = arith.index_cast %parallel_loop3A_969 : i32 to index
        %parallel_loop3A_1096 = arith.constant 112 : index
        %parallel_loop3A_1097 = tpu.vector_load %arg8[%parallel_loop3A_1092, %parallel_loop3A_1093, %parallel_loop3A_1094, %parallel_loop3A_1095, %parallel_loop3A_1096] {strides = array<i32>} : memref<2x4x2x8x128xf32, #tpu.memory_space<vmem>>, vector<16xf32>,
        tpu.vector_store %arg8[%parallel_loop3A_1092, %parallel_loop3A_1093, %parallel_loop3A_1094, %parallel_loop3A_1095, %parallel_loop3A_1096], %parallel_loop3A_1089 {strides = array<i32>} : memref<2x4x2x8x128xf32, #tpu.memory_space<vmem>>, vector<16xf32>,
        %parallel_loop3A_1098 = vector.broadcast %parallel_loop3A_965 : i32 to vector<16xi32>
        %parallel_loop3A_1099 = arith.addi %shift_left3A_845, %parallel_loop3A_1098 : vector<16xi32>
        %parallel_loop3A_1100 = arith.constant 6 : i32
        %parallel_loop3A_1101 = arith.constant 0 : i32
        %parallel_loop3A_1102 = arith.constant 0 : i32
        %parallel_loop3A_1103 = tpu.memref_slice %arg6[%parallel_loop3A_1100, %parallel_loop3A_1101, %parallel_loop3A_1102] : memref<8x64x128xf32, #tpu.memory_space<vmem>> -> memref<1x64x128xf32, #tpu.memory_space<vmem>>
        %parallel_loop3A_1104 = tpu.memref_squeeze %parallel_loop3A_1103 : memref<1x64x128xf32, #tpu.memory_space<vmem>> -> memref<64x128xf32, #tpu.memory_space<vmem>>
        %parallel_loop3A_1105 = tpu.vector_load_idx %parallel_loop3A_1104[%add3A_5, %parallel_loop3A_1099] : memref<64x128xf32, #tpu.memory_space<vmem>>[vector<16xi32>, vector<16xi32>], vector<16xf32>,
        %parallel_loop3A_1106 = arith.constant 1 : i32
        %parallel_loop3A_1107 = arith.constant 1 : i32
        %parallel_loop3A_1108 = arith.index_cast %parallel_loop3A_1106 : i32 to index
        %parallel_loop3A_1109 = arith.index_cast %parallel_loop3A_967 : i32 to index
        %parallel_loop3A_1110 = arith.index_cast %parallel_loop3A_1107 : i32 to index
        %parallel_loop3A_1111 = arith.index_cast %parallel_loop3A_969 : i32 to index
        %parallel_loop3A_1112 = arith.constant 0 : index
        %parallel_loop3A_1113 = tpu.vector_load %arg8[%parallel_loop3A_1108, %parallel_loop3A_1109, %parallel_loop3A_1110, %parallel_loop3A_1111, %parallel_loop3A_1112] {strides = array<i32>} : memref<2x4x2x8x128xf32, #tpu.memory_space<vmem>>, vector<16xf32>,
        tpu.vector_store %arg8[%parallel_loop3A_1108, %parallel_loop3A_1109, %parallel_loop3A_1110, %parallel_loop3A_1111, %parallel_loop3A_1112], %parallel_loop3A_1105 {strides = array<i32>} : memref<2x4x2x8x128xf32, #tpu.memory_space<vmem>>, vector<16xf32>,
        %parallel_loop3A_1114 = vector.broadcast %parallel_loop3A_965 : i32 to vector<16xi32>
        %parallel_loop3A_1115 = arith.addi %shift_left3A_856, %parallel_loop3A_1114 : vector<16xi32>
        %parallel_loop3A_1116 = arith.constant 6 : i32
        %parallel_loop3A_1117 = arith.constant 0 : i32
        %parallel_loop3A_1118 = arith.constant 0 : i32
        %parallel_loop3A_1119 = tpu.memref_slice %arg6[%parallel_loop3A_1116, %parallel_loop3A_1117, %parallel_loop3A_1118] : memref<8x64x128xf32, #tpu.memory_space<vmem>> -> memref<1x64x128xf32, #tpu.memory_space<vmem>>
        %parallel_loop3A_1120 = tpu.memref_squeeze %parallel_loop3A_1119 : memref<1x64x128xf32, #tpu.memory_space<vmem>> -> memref<64x128xf32, #tpu.memory_space<vmem>>
        %parallel_loop3A_1121 = tpu.vector_load_idx %parallel_loop3A_1120[%add3A_8, %parallel_loop3A_1115] : memref<64x128xf32, #tpu.memory_space<vmem>>[vector<16xi32>, vector<16xi32>], vector<16xf32>,
        %parallel_loop3A_1122 = arith.constant 1 : i32
        %parallel_loop3A_1123 = arith.constant 1 : i32
        %parallel_loop3A_1124 = arith.index_cast %parallel_loop3A_1122 : i32 to index
        %parallel_loop3A_1125 = arith.index_cast %parallel_loop3A_967 : i32 to index
        %parallel_loop3A_1126 = arith.index_cast %parallel_loop3A_1123 : i32 to index
        %parallel_loop3A_1127 = arith.index_cast %parallel_loop3A_969 : i32 to index
        %parallel_loop3A_1128 = arith.constant 16 : index
        %parallel_loop3A_1129 = tpu.vector_load %arg8[%parallel_loop3A_1124, %parallel_loop3A_1125, %parallel_loop3A_1126, %parallel_loop3A_1127, %parallel_loop3A_1128] {strides = array<i32>} : memref<2x4x2x8x128xf32, #tpu.memory_space<vmem>>, vector<16xf32>,
        tpu.vector_store %arg8[%parallel_loop3A_1124, %parallel_loop3A_1125, %parallel_loop3A_1126, %parallel_loop3A_1127, %parallel_loop3A_1128], %parallel_loop3A_1121 {strides = array<i32>} : memref<2x4x2x8x128xf32, #tpu.memory_space<vmem>>, vector<16xf32>,
        %parallel_loop3A_1130 = vector.broadcast %parallel_loop3A_965 : i32 to vector<16xi32>
        %parallel_loop3A_1131 = arith.addi %shift_left3A_867, %parallel_loop3A_1130 : vector<16xi32>
        %parallel_loop3A_1132 = arith.constant 6 : i32
        %parallel_loop3A_1133 = arith.constant 0 : i32
        %parallel_loop3A_1134 = arith.constant 0 : i32
        %parallel_loop3A_1135 = tpu.memref_slice %arg6[%parallel_loop3A_1132, %parallel_loop3A_1133, %parallel_loop3A_1134] : memref<8x64x128xf32, #tpu.memory_space<vmem>> -> memref<1x64x128xf32, #tpu.memory_space<vmem>>
        %parallel_loop3A_1136 = tpu.memref_squeeze %parallel_loop3A_1135 : memref<1x64x128xf32, #tpu.memory_space<vmem>> -> memref<64x128xf32, #tpu.memory_space<vmem>>
        %parallel_loop3A_1137 = tpu.vector_load_idx %parallel_loop3A_1136[%add3A_11, %parallel_loop3A_1131] : memref<64x128xf32, #tpu.memory_space<vmem>>[vector<16xi32>, vector<16xi32>], vector<16xf32>,
        %parallel_loop3A_1138 = arith.constant 1 : i32
        %parallel_loop3A_1139 = arith.constant 1 : i32
        %parallel_loop3A_1140 = arith.index_cast %parallel_loop3A_1138 : i32 to index
        %parallel_loop3A_1141 = arith.index_cast %parallel_loop3A_967 : i32 to index
        %parallel_loop3A_1142 = arith.index_cast %parallel_loop3A_1139 : i32 to index
        %parallel_loop3A_1143 = arith.index_cast %parallel_loop3A_969 : i32 to index
        %parallel_loop3A_1144 = arith.constant 32 : index
        %parallel_loop3A_1145 = tpu.vector_load %arg8[%parallel_loop3A_1140, %parallel_loop3A_1141, %parallel_loop3A_1142, %parallel_loop3A_1143, %parallel_loop3A_1144] {strides = array<i32>} : memref<2x4x2x8x128xf32, #tpu.memory_space<vmem>>, vector<16xf32>,
        tpu.vector_store %arg8[%parallel_loop3A_1140, %parallel_loop3A_1141, %parallel_loop3A_1142, %parallel_loop3A_1143, %parallel_loop3A_1144], %parallel_loop3A_1137 {strides = array<i32>} : memref<2x4x2x8x128xf32, #tpu.memory_space<vmem>>, vector<16xf32>,
        %parallel_loop3A_1146 = vector.broadcast %parallel_loop3A_965 : i32 to vector<16xi32>
        %parallel_loop3A_1147 = arith.addi %shift_left3A_878, %parallel_loop3A_1146 : vector<16xi32>
        %parallel_loop3A_1148 = arith.constant 6 : i32
        %parallel_loop3A_1149 = arith.constant 0 : i32
        %parallel_loop3A_1150 = arith.constant 0 : i32
        %parallel_loop3A_1151 = tpu.memref_slice %arg6[%parallel_loop3A_1148, %parallel_loop3A_1149, %parallel_loop3A_1150] : memref<8x64x128xf32, #tpu.memory_space<vmem>> -> memref<1x64x128xf32, #tpu.memory_space<vmem>>
        %parallel_loop3A_1152 = tpu.memref_squeeze %parallel_loop3A_1151 : memref<1x64x128xf32, #tpu.memory_space<vmem>> -> memref<64x128xf32, #tpu.memory_space<vmem>>
        %parallel_loop3A_1153 = tpu.vector_load_idx %parallel_loop3A_1152[%add3A_14, %parallel_loop3A_1147] : memref<64x128xf32, #tpu.memory_space<vmem>>[vector<16xi32>, vector<16xi32>], vector<16xf32>,
        %parallel_loop3A_1154 = arith.constant 1 : i32
        %parallel_loop3A_1155 = arith.constant 1 : i32
        %parallel_loop3A_1156 = arith.index_cast %parallel_loop3A_1154 : i32 to index
        %parallel_loop3A_1157 = arith.index_cast %parallel_loop3A_967 : i32 to index
        %parallel_loop3A_1158 = arith.index_cast %parallel_loop3A_1155 : i32 to index
        %parallel_loop3A_1159 = arith.index_cast %parallel_loop3A_969 : i32 to index
        %parallel_loop3A_1160 = arith.constant 48 : index
        %parallel_loop3A_1161 = tpu.vector_load %arg8[%parallel_loop3A_1156, %parallel_loop3A_1157, %parallel_loop3A_1158, %parallel_loop3A_1159, %parallel_loop3A_1160] {strides = array<i32>} : memref<2x4x2x8x128xf32, #tpu.memory_space<vmem>>, vector<16xf32>,
        tpu.vector_store %arg8[%parallel_loop3A_1156, %parallel_loop3A_1157, %parallel_loop3A_1158, %parallel_loop3A_1159, %parallel_loop3A_1160], %parallel_loop3A_1153 {strides = array<i32>} : memref<2x4x2x8x128xf32, #tpu.memory_space<vmem>>, vector<16xf32>,
        %parallel_loop3A_1162 = vector.broadcast %parallel_loop3A_965 : i32 to vector<16xi32>
        %parallel_loop3A_1163 = arith.addi %shift_left3A_895, %parallel_loop3A_1162 : vector<16xi32>
        %parallel_loop3A_1164 = arith.constant 7 : i32
        %parallel_loop3A_1165 = arith.constant 0 : i32
        %parallel_loop3A_1166 = arith.constant 0 : i32
        %parallel_loop3A_1167 = tpu.memref_slice %arg6[%parallel_loop3A_1164, %parallel_loop3A_1165, %parallel_loop3A_1166] : memref<8x64x128xf32, #tpu.memory_space<vmem>> -> memref<1x64x128xf32, #tpu.memory_space<vmem>>
        %parallel_loop3A_1168 = tpu.memref_squeeze %parallel_loop3A_1167 : memref<1x64x128xf32, #tpu.memory_space<vmem>> -> memref<64x128xf32, #tpu.memory_space<vmem>>
        %parallel_loop3A_1169 = tpu.vector_load_idx %parallel_loop3A_1168[%add3A_5, %parallel_loop3A_1163] : memref<64x128xf32, #tpu.memory_space<vmem>>[vector<16xi32>, vector<16xi32>], vector<16xf32>,
        %parallel_loop3A_1170 = arith.constant 1 : i32
        %parallel_loop3A_1171 = arith.constant 1 : i32
        %parallel_loop3A_1172 = arith.index_cast %parallel_loop3A_1170 : i32 to index
        %parallel_loop3A_1173 = arith.index_cast %parallel_loop3A_967 : i32 to index
        %parallel_loop3A_1174 = arith.index_cast %parallel_loop3A_1171 : i32 to index
        %parallel_loop3A_1175 = arith.index_cast %parallel_loop3A_969 : i32 to index
        %parallel_loop3A_1176 = arith.constant 64 : index
        %parallel_loop3A_1177 = tpu.vector_load %arg8[%parallel_loop3A_1172, %parallel_loop3A_1173, %parallel_loop3A_1174, %parallel_loop3A_1175, %parallel_loop3A_1176] {strides = array<i32>} : memref<2x4x2x8x128xf32, #tpu.memory_space<vmem>>, vector<16xf32>,
        tpu.vector_store %arg8[%parallel_loop3A_1172, %parallel_loop3A_1173, %parallel_loop3A_1174, %parallel_loop3A_1175, %parallel_loop3A_1176], %parallel_loop3A_1169 {strides = array<i32>} : memref<2x4x2x8x128xf32, #tpu.memory_space<vmem>>, vector<16xf32>,
        %parallel_loop3A_1178 = vector.broadcast %parallel_loop3A_965 : i32 to vector<16xi32>
        %parallel_loop3A_1179 = arith.addi %shift_left3A_906, %parallel_loop3A_1178 : vector<16xi32>
        %parallel_loop3A_1180 = arith.constant 7 : i32
        %parallel_loop3A_1181 = arith.constant 0 : i32
        %parallel_loop3A_1182 = arith.constant 0 : i32
        %parallel_loop3A_1183 = tpu.memref_slice %arg6[%parallel_loop3A_1180, %parallel_loop3A_1181, %parallel_loop3A_1182] : memref<8x64x128xf32, #tpu.memory_space<vmem>> -> memref<1x64x128xf32, #tpu.memory_space<vmem>>
        %parallel_loop3A_1184 = tpu.memref_squeeze %parallel_loop3A_1183 : memref<1x64x128xf32, #tpu.memory_space<vmem>> -> memref<64x128xf32, #tpu.memory_space<vmem>>
        %parallel_loop3A_1185 = tpu.vector_load_idx %parallel_loop3A_1184[%add3A_8, %parallel_loop3A_1179] : memref<64x128xf32, #tpu.memory_space<vmem>>[vector<16xi32>, vector<16xi32>], vector<16xf32>,
        %parallel_loop3A_1186 = arith.constant 1 : i32
        %parallel_loop3A_1187 = arith.constant 1 : i32
        %parallel_loop3A_1188 = arith.index_cast %parallel_loop3A_1186 : i32 to index
        %parallel_loop3A_1189 = arith.index_cast %parallel_loop3A_967 : i32 to index
        %parallel_loop3A_1190 = arith.index_cast %parallel_loop3A_1187 : i32 to index
        %parallel_loop3A_1191 = arith.index_cast %parallel_loop3A_969 : i32 to index
        %parallel_loop3A_1192 = arith.constant 80 : index
        %parallel_loop3A_1193 = tpu.vector_load %arg8[%parallel_loop3A_1188, %parallel_loop3A_1189, %parallel_loop3A_1190, %parallel_loop3A_1191, %parallel_loop3A_1192] {strides = array<i32>} : memref<2x4x2x8x128xf32, #tpu.memory_space<vmem>>, vector<16xf32>,
        tpu.vector_store %arg8[%parallel_loop3A_1188, %parallel_loop3A_1189, %parallel_loop3A_1190, %parallel_loop3A_1191, %parallel_loop3A_1192], %parallel_loop3A_1185 {strides = array<i32>} : memref<2x4x2x8x128xf32, #tpu.memory_space<vmem>>, vector<16xf32>,
        %parallel_loop3A_1194 = vector.broadcast %parallel_loop3A_965 : i32 to vector<16xi32>
        %parallel_loop3A_1195 = arith.addi %shift_left3A_917, %parallel_loop3A_1194 : vector<16xi32>
        %parallel_loop3A_1196 = arith.constant 7 : i32
        %parallel_loop3A_1197 = arith.constant 0 : i32
        %parallel_loop3A_1198 = arith.constant 0 : i32
        %parallel_loop3A_1199 = tpu.memref_slice %arg6[%parallel_loop3A_1196, %parallel_loop3A_1197, %parallel_loop3A_1198] : memref<8x64x128xf32, #tpu.memory_space<vmem>> -> memref<1x64x128xf32, #tpu.memory_space<vmem>>
        %parallel_loop3A_1200 = tpu.memref_squeeze %parallel_loop3A_1199 : memref<1x64x128xf32, #tpu.memory_space<vmem>> -> memref<64x128xf32, #tpu.memory_space<vmem>>
        %parallel_loop3A_1201 = tpu.vector_load_idx %parallel_loop3A_1200[%add3A_11, %parallel_loop3A_1195] : memref<64x128xf32, #tpu.memory_space<vmem>>[vector<16xi32>, vector<16xi32>], vector<16xf32>,
        %parallel_loop3A_1202 = arith.constant 1 : i32
        %parallel_loop3A_1203 = arith.constant 1 : i32
        %parallel_loop3A_1204 = arith.index_cast %parallel_loop3A_1202 : i32 to index
        %parallel_loop3A_1205 = arith.index_cast %parallel_loop3A_967 : i32 to index
        %parallel_loop3A_1206 = arith.index_cast %parallel_loop3A_1203 : i32 to index
        %parallel_loop3A_1207 = arith.index_cast %parallel_loop3A_969 : i32 to index
        %parallel_loop3A_1208 = arith.constant 96 : index
        %parallel_loop3A_1209 = tpu.vector_load %arg8[%parallel_loop3A_1204, %parallel_loop3A_1205, %parallel_loop3A_1206, %parallel_loop3A_1207, %parallel_loop3A_1208] {strides = array<i32>} : memref<2x4x2x8x128xf32, #tpu.memory_space<vmem>>, vector<16xf32>,
        tpu.vector_store %arg8[%parallel_loop3A_1204, %parallel_loop3A_1205, %parallel_loop3A_1206, %parallel_loop3A_1207, %parallel_loop3A_1208], %parallel_loop3A_1201 {strides = array<i32>} : memref<2x4x2x8x128xf32, #tpu.memory_space<vmem>>, vector<16xf32>,
        %parallel_loop3A_1210 = vector.broadcast %parallel_loop3A_965 : i32 to vector<16xi32>
        %parallel_loop3A_1211 = arith.addi %shift_left3A_928, %parallel_loop3A_1210 : vector<16xi32>
        %parallel_loop3A_1212 = arith.constant 7 : i32
        %parallel_loop3A_1213 = arith.constant 0 : i32
        %parallel_loop3A_1214 = arith.constant 0 : i32
        %parallel_loop3A_1215 = tpu.memref_slice %arg6[%parallel_loop3A_1212, %parallel_loop3A_1213, %parallel_loop3A_1214] : memref<8x64x128xf32, #tpu.memory_space<vmem>> -> memref<1x64x128xf32, #tpu.memory_space<vmem>>
        %parallel_loop3A_1216 = tpu.memref_squeeze %parallel_loop3A_1215 : memref<1x64x128xf32, #tpu.memory_space<vmem>> -> memref<64x128xf32, #tpu.memory_space<vmem>>
        %parallel_loop3A_1217 = tpu.vector_load_idx %parallel_loop3A_1216[%add3A_14, %parallel_loop3A_1211] : memref<64x128xf32, #tpu.memory_space<vmem>>[vector<16xi32>, vector<16xi32>], vector<16xf32>,
        %parallel_loop3A_1218 = arith.constant 1 : i32
        %parallel_loop3A_1219 = arith.constant 1 : i32
        %parallel_loop3A_1220 = arith.index_cast %parallel_loop3A_1218 : i32 to index
        %parallel_loop3A_1221 = arith.index_cast %parallel_loop3A_967 : i32 to index
        %parallel_loop3A_1222 = arith.index_cast %parallel_loop3A_1219 : i32 to index
        %parallel_loop3A_1223 = arith.index_cast %parallel_loop3A_969 : i32 to index
        %parallel_loop3A_1224 = arith.constant 112 : index
        %parallel_loop3A_1225 = tpu.vector_load %arg8[%parallel_loop3A_1220, %parallel_loop3A_1221, %parallel_loop3A_1222, %parallel_loop3A_1223, %parallel_loop3A_1224] {strides = array<i32>} : memref<2x4x2x8x128xf32, #tpu.memory_space<vmem>>, vector<16xf32>,
        tpu.vector_store %arg8[%parallel_loop3A_1220, %parallel_loop3A_1221, %parallel_loop3A_1222, %parallel_loop3A_1223, %parallel_loop3A_1224], %parallel_loop3A_1217 {strides = array<i32>} : memref<2x4x2x8x128xf32, #tpu.memory_space<vmem>>, vector<16xf32>,
      } {sc.loop_unroll_factor = 2 : i64, sc.parallel_access}
      %shift_right_logical3A_932 = arith.constant 1 : i32
      %shift_right_logical3A_933 = arith.shrui %add3A_666, %shift_right_logical3A_932 : i32
      %mul3A_934 = arith.constant 4 : i32
      %mul3A_935 = arith.muli %add3A, %mul3A_934 : i32
      %and3A_936 = arith.constant 1 : i32
      %and3A_937 = arith.andi %add3A_666, %and3A_936 : i32
      %mul3A_938 = arith.constant 2 : i32
      %mul3A_939 = arith.muli %and3A_937, %mul3A_938 : i32
      %add3A_940 = arith.addi %mul3A_935, %mul3A_939 : i32
      %multiple_of3A_941 = tpu.assume_multiple %add3A_940, 2 : i32
      %dma_start3A_942 = arith.constant 1 : i32
      %dma_start3A_943 = arith.constant 0 : i32
      %dma_start3A_944 = arith.constant 0 : i32
      %dma_start3A_945 = arith.constant 0 : i32
      %dma_start3A_946 = arith.constant 0 : i32
      %dma_start3A_947 = tpu.memref_slice %arg8[%dma_start3A_942, %dma_start3A_943, %dma_start3A_944, %dma_start3A_945, %dma_start3A_946] : memref<2x4x2x8x128xf32, #tpu.memory_space<vmem>> -> memref<1x4x2x8x128xf32, #tpu.memory_space<vmem>>
      %dma_start3A_948 = tpu.memref_squeeze %dma_start3A_947 : memref<1x4x2x8x128xf32, #tpu.memory_space<vmem>> -> memref<4x2x8x128xf32, #tpu.memory_space<vmem>>
      %dma_start3A_949 = arith.constant 0 : i32
      %dma_start3A_950 = arith.constant 0 : i32
      %dma_start3A_951 = arith.constant 0 : i32
      %dma_start3A_952 = tpu.memref_slice %arg4[%shift_right_logical3A_933, %dma_start3A_949, %multiple_of3A_941, %dma_start3A_950, %dma_start3A_951] : memref<50x4x128x8x128xf32, #tpu.memory_space<hbm>> -> memref<1x4x2x8x128xf32, #tpu.memory_space<hbm>>
      %dma_start3A_953 = tpu.memref_squeeze %dma_start3A_952 : memref<1x4x2x8x128xf32, #tpu.memory_space<hbm>> -> memref<4x2x8x128xf32, #tpu.memory_space<hbm>>
      %dma_start3A_954 = arith.constant 0 : i32
      %dma_start3A_955 = arith.constant 0 : i32
      %dma_start3A_956 = arith.constant 0 : i32
      %dma_start3A_957 = tpu.memref_slice %arg4[%shift_right_logical3A_933, %dma_start3A_954, %multiple_of3A_941, %dma_start3A_955, %dma_start3A_956] : memref<50x4x128x8x128xf32, #tpu.memory_space<hbm>> -> memref<1x4x2x8x128xf32, #tpu.memory_space<hbm>>
      %dma_start3A_958 = tpu.memref_squeeze %dma_start3A_957 : memref<1x4x2x8x128xf32, #tpu.memory_space<hbm>> -> memref<4x2x8x128xf32, #tpu.memory_space<hbm>>
      %dma_start3A_959 = arith.constant 0 : i32
      %dma_start3A_960 = arith.constant 0 : i32
      %dma_start3A_961 = arith.constant 0 : i32
      %dma_start3A_962 = arith.constant 0 : i32
      %dma_start3A_963 = tpu.memref_slice %arg8[%dma_start3A_942, %dma_start3A_959, %dma_start3A_960, %dma_start3A_961, %dma_start3A_962] : memref<2x4x2x8x128xf32, #tpu.memory_space<vmem>> -> memref<1x4x2x8x128xf32, #tpu.memory_space<vmem>>
      %dma_start3A_964 = tpu.memref_squeeze %dma_start3A_963 : memref<1x4x2x8x128xf32, #tpu.memory_space<vmem>> -> memref<4x2x8x128xf32, #tpu.memory_space<vmem>>
      tpu.enqueue_dma source(%dma_start3A_964 : memref<4x2x8x128xf32, #tpu.memory_space<vmem>>) target(%dma_start3A_958 : memref<4x2x8x128xf32, #tpu.memory_space<hbm>>) target_semaphore(%arg12 : memref<!tpu.dma_semaphore, #tpu.memory_space<semaphore_mem>>)
    }
    %scan3A_296 = arith.constant 50 : i32
    %shift_right_logical3A_297 = arith.constant 98 : i32
    %shift_right_logical3A_298 = arith.constant 1 : i32
    %shift_right_logical3A_299 = arith.shrui %shift_right_logical3A_297, %shift_right_logical3A_298 : i32
    %mul3A_300 = arith.constant 4 : i32
    %mul3A_301 = arith.muli %add3A, %mul3A_300 : i32
    %and3A_302 = arith.constant 98 : i32
    %and3A_303 = arith.constant 1 : i32
    %and3A_304 = arith.andi %and3A_302, %and3A_303 : i32
    %mul3A_305 = arith.constant 2 : i32
    %mul3A_306 = arith.muli %and3A_304, %mul3A_305 : i32
    %add3A_307 = arith.addi %mul3A_301, %mul3A_306 : i32
    %multiple_of3A_308 = tpu.assume_multiple %add3A_307, 2 : i32
    %dma_wait3A = arith.constant 0 : i32
    %dma_wait3A_309 = arith.constant 0 : i32
    %dma_wait3A_310 = arith.constant 0 : i32
    %dma_wait3A_311 = arith.constant 0 : i32
    %dma_wait3A_312 = arith.constant 0 : i32
    %dma_wait3A_313 = tpu.memref_slice %arg8[%dma_wait3A, %dma_wait3A_309, %dma_wait3A_310, %dma_wait3A_311, %dma_wait3A_312] : memref<2x4x2x8x128xf32, #tpu.memory_space<vmem>> -> memref<1x4x2x8x128xf32, #tpu.memory_space<vmem>>
    %dma_wait3A_314 = tpu.memref_squeeze %dma_wait3A_313 : memref<1x4x2x8x128xf32, #tpu.memory_space<vmem>> -> memref<4x2x8x128xf32, #tpu.memory_space<vmem>>
    %dma_wait3A_315 = arith.constant 0 : i32
    %dma_wait3A_316 = arith.constant 0 : i32
    %dma_wait3A_317 = arith.constant 0 : i32
    %dma_wait3A_318 = tpu.memref_slice %arg4[%shift_right_logical3A_299, %dma_wait3A_315, %multiple_of3A_308, %dma_wait3A_316, %dma_wait3A_317] : memref<50x4x128x8x128xf32, #tpu.memory_space<hbm>> -> memref<1x4x2x8x128xf32, #tpu.memory_space<hbm>>
    %dma_wait3A_319 = tpu.memref_squeeze %dma_wait3A_318 : memref<1x4x2x8x128xf32, #tpu.memory_space<hbm>> -> memref<4x2x8x128xf32, #tpu.memory_space<hbm>>
    %dma_wait3A_320 = arith.constant 0 : i32
    %dma_wait3A_321 = arith.constant 0 : i32
    %dma_wait3A_322 = arith.constant 0 : i32
    %dma_wait3A_323 = tpu.memref_slice %arg4[%shift_right_logical3A_299, %dma_wait3A_320, %multiple_of3A_308, %dma_wait3A_321, %dma_wait3A_322] : memref<50x4x128x8x128xf32, #tpu.memory_space<hbm>> -> memref<1x4x2x8x128xf32, #tpu.memory_space<hbm>>
    %dma_wait3A_324 = tpu.memref_squeeze %dma_wait3A_323 : memref<1x4x2x8x128xf32, #tpu.memory_space<hbm>> -> memref<4x2x8x128xf32, #tpu.memory_space<hbm>>
    %dma_wait3A_325 = arith.constant 0 : i32
    %dma_wait3A_326 = arith.constant 0 : i32
    %dma_wait3A_327 = arith.constant 0 : i32
    %dma_wait3A_328 = arith.constant 0 : i32
    %dma_wait3A_329 = tpu.memref_slice %arg8[%dma_wait3A, %dma_wait3A_325, %dma_wait3A_326, %dma_wait3A_327, %dma_wait3A_328] : memref<2x4x2x8x128xf32, #tpu.memory_space<vmem>> -> memref<1x4x2x8x128xf32, #tpu.memory_space<vmem>>
    %dma_wait3A_330 = tpu.memref_squeeze %dma_wait3A_329 : memref<1x4x2x8x128xf32, #tpu.memory_space<vmem>> -> memref<4x2x8x128xf32, #tpu.memory_space<vmem>>
    tpu.wait_dma2 semaphore(%arg11 : memref<!tpu.dma_semaphore, #tpu.memory_space<semaphore_mem>>) src(%dma_wait3A_330 : memref<4x2x8x128xf32, #tpu.memory_space<vmem>>) dst(%dma_wait3A_324 : memref<4x2x8x128xf32, #tpu.memory_space<hbm>>)
    %shift_right_logical3A_331 = arith.constant 99 : i32
    %shift_right_logical3A_332 = arith.constant 1 : i32
    %shift_right_logical3A_333 = arith.shrui %shift_right_logical3A_331, %shift_right_logical3A_332 : i32
    %mul3A_334 = arith.constant 4 : i32
    %mul3A_335 = arith.muli %add3A, %mul3A_334 : i32
    %and3A_336 = arith.constant 99 : i32
    %and3A_337 = arith.constant 1 : i32
    %and3A_338 = arith.andi %and3A_336, %and3A_337 : i32
    %mul3A_339 = arith.constant 2 : i32
    %mul3A_340 = arith.muli %and3A_338, %mul3A_339 : i32
    %add3A_341 = arith.addi %mul3A_335, %mul3A_340 : i32
    %multiple_of3A_342 = tpu.assume_multiple %add3A_341, 2 : i32
    %dma_wait3A_343 = arith.constant 1 : i32
    %dma_wait3A_344 = arith.constant 0 : i32
    %dma_wait3A_345 = arith.constant 0 : i32
    %dma_wait3A_346 = arith.constant 0 : i32
    %dma_wait3A_347 = arith.constant 0 : i32
    %dma_wait3A_348 = tpu.memref_slice %arg8[%dma_wait3A_343, %dma_wait3A_344, %dma_wait3A_345, %dma_wait3A_346, %dma_wait3A_347] : memref<2x4x2x8x128xf32, #tpu.memory_space<vmem>> -> memref<1x4x2x8x128xf32, #tpu.memory_space<vmem>>
    %dma_wait3A_349 = tpu.memref_squeeze %dma_wait3A_348 : memref<1x4x2x8x128xf32, #tpu.memory_space<vmem>> -> memref<4x2x8x128xf32, #tpu.memory_space<vmem>>
    %dma_wait3A_350 = arith.constant 0 : i32
    %dma_wait3A_351 = arith.constant 0 : i32
    %dma_wait3A_352 = arith.constant 0 : i32
    %dma_wait3A_353 = tpu.memref_slice %arg4[%shift_right_logical3A_333, %dma_wait3A_350, %multiple_of3A_342, %dma_wait3A_351, %dma_wait3A_352] : memref<50x4x128x8x128xf32, #tpu.memory_space<hbm>> -> memref<1x4x2x8x128xf32, #tpu.memory_space<hbm>>
    %dma_wait3A_354 = tpu.memref_squeeze %dma_wait3A_353 : memref<1x4x2x8x128xf32, #tpu.memory_space<hbm>> -> memref<4x2x8x128xf32, #tpu.memory_space<hbm>>
    %dma_wait3A_355 = arith.constant 0 : i32
    %dma_wait3A_356 = arith.constant 0 : i32
    %dma_wait3A_357 = arith.constant 0 : i32
    %dma_wait3A_358 = tpu.memref_slice %arg4[%shift_right_logical3A_333, %dma_wait3A_355, %multiple_of3A_342, %dma_wait3A_356, %dma_wait3A_357] : memref<50x4x128x8x128xf32, #tpu.memory_space<hbm>> -> memref<1x4x2x8x128xf32, #tpu.memory_space<hbm>>
    %dma_wait3A_359 = tpu.memref_squeeze %dma_wait3A_358 : memref<1x4x2x8x128xf32, #tpu.memory_space<hbm>> -> memref<4x2x8x128xf32, #tpu.memory_space<hbm>>
    %dma_wait3A_360 = arith.constant 0 : i32
    %dma_wait3A_361 = arith.constant 0 : i32
    %dma_wait3A_362 = arith.constant 0 : i32
    %dma_wait3A_363 = arith.constant 0 : i32
    %dma_wait3A_364 = tpu.memref_slice %arg8[%dma_wait3A_343, %dma_wait3A_360, %dma_wait3A_361, %dma_wait3A_362, %dma_wait3A_363] : memref<2x4x2x8x128xf32, #tpu.memory_space<vmem>> -> memref<1x4x2x8x128xf32, #tpu.memory_space<vmem>>
    %dma_wait3A_365 = tpu.memref_squeeze %dma_wait3A_364 : memref<1x4x2x8x128xf32, #tpu.memory_space<vmem>> -> memref<4x2x8x128xf32, #tpu.memory_space<vmem>>
    tpu.wait_dma2 semaphore(%arg12 : memref<!tpu.dma_semaphore, #tpu.memory_space<semaphore_mem>>) src(%dma_wait3A_365 : memref<4x2x8x128xf32, #tpu.memory_space<vmem>>) dst(%dma_wait3A_359 : memref<4x2x8x128xf32, #tpu.memory_space<hbm>>)
    return
  }
}

</mosaic_0001>

<sc_bundles>
// kernel: kernel.3.cloned.1.call-start
scs
__scs_entry_jumppad:
0x0: {  	(pc) =	sbr.rel $0x88, $3  }
0x1: {  	(tag) =	ssettag $0x0;
	lr =	simm.s32 $0x1  }
0x2: {  	[smem:$0x3F9F] =	sst lr;
	_ =	strace $0xD0000000  }
0x3: {  	_ = 	snop  }
0x4: {  	_ = 	snop  }
0x5: {  	_ = 	snop  }
0x6: {  	_ = 	snop  }
0x7: {  	_ = 	snop  }
__scs_overlays_trampoline_lowered:
0x8: {  	[smem:$0x3FAE] =	sst s0  }
0x9: {  	[smem:$0x3FAF] =	sst s1  }
0xa: {  	[smem:$0x3FB0] =	sst s2  }
0xb: {  	[smem:$0x3FB1] =	sst s3  }
0xc: {  	[smem:$0x3FB2] =	sst s4  }
0xd: {  	[smem:$0x3FB3] =	sst s5  }
0xe: {  	[smem:$0x3FB4] =	sst s6  }
0xf: {  	[smem:$0x3FB5] =	sst s7  }
0x10: {  	[smem:$0x3FB6] =	sst s8  }
0x11: {  	[smem:$0x3FB7] =	sst s9;
	s0 =	simm.s32 @!p0 $0x0  }
0x12: {  	s1 =	sld [smem:$0x3F9D];
	s0 =	simm.s32 @p0 $0x1  }
0x13: {  	[smem:$0x3FB8] =	sst s0;
	s0 =	simm.s32 @!p1 $0x0  }
0x14: {  	s2 =	sld [smem:$0x3F9C];
	s0 =	simm.s32 @p1 $0x1  }
0x15: {  	[smem:$0x3FB9] =	sst s0;
	s0 =	simm.s32 @!p2 $0x0  }
0x16: {  	s3 =	sld [smem:$0x3FDB];
	s0 =	simm.s32 @p2 $0x1  }
0x17: {  	s4 =	simm.s32 $0x1BF5;
	[smem:$0x3FBB] =	sst s0  }
0x18: {  	s0 =	sld [smem:$0x3F9E];
	_ =	swait.ge [sflag:s4], $0x0  }
0x19: {  	s7 =	sld [smem:$0x3F9F]  }
0x1a: {  	s8 =	sadd.s32 $0xFFFFE003, lr  }
0x1b: {  	s9 =	sadd.s32 $0xFFFFFEF7, lr;
	s5 =	simm.s32 $0xFFFFFFFF;
	p2 =	slt.u32 s8, $0xFFFFF086  }
0x1c: {  	p1 =	slt.u32 s9, $0xF7A;
	s5 =	simm.s32 @!p2 $0x0  }
0x1d: {  	s5 =	simm.s32 @p1 $0x1;
	p0 =	seq.s32 s7, s2  }
0x1e: {  	s7 =	smul.u32 @!p0 $0xF7A, s2;
	p2 =	seq.s32 @!p0 s5, $0x0  }
0x1f: {  	s9 =	smul.u32 $0xF7A, s1;
	s8 =	simm.s32 @!p0 $0x1BF5;
	p2 =	por !p2, p0  }
0x20: {  	[sflag:s8] =	ssyncset.s32 @!p0 $0xFFFFF086;
	s6 =	sadd.s32 @!p0 s3, s7;
	s7 =	simm.s32 @!p0 $0x108  }
0x21: {  	s3 =	sadd.s32 s3, s9;
	s6 =	sadd.s32 @!p0 $0x88, s6;
	s7 =	simm.s32 @p2 $0x1082  }
0x22: {  	[simem:s7], [sflag:s8] =	dma.local @!p0 [hbm:s6], $0xF7A  }
0x23: {  	s9 =	sor.u32 $0xD0000000, s2;
	s6 =	simm.s32 $0x108;
	_ =	swait.ge @!p0 [sflag:s8], $0x0  }
0x24: {  	s3 =	sadd.s32 $0x88, s3;
	s6 =	simm.s32 @!p1 $0x1082;
	[sflag:s4] =	ssyncset.s32 $0xFFFFF086  }
0x25: {  	[simem:s6], [sflag:s4] =	dma.local [hbm:s3], $0xF7A  }
0x26: {  	[smem:$0x3F9F] =	sst s1;
	(tag) =	ssettag s2;
	_ =	strace s9  }
0x27: {  	s1 =	sld [smem:$0x3FAF]  }
0x28: {  	s2 =	sld [smem:$0x3FB0]  }
0x29: {  	s4 =	sld [smem:$0x3FB2]  }
0x2a: {  	p0 =	seq.s32 s5, $0x0;
	s5 =	sld [smem:$0x3FB3]  }
0x2b: {  	s6 =	sld [smem:$0x3FB4]  }
0x2c: {  	s7 =	sld [smem:$0x3FB5]  }
0x2d: {  	s3 =	simm.s32 $0x108;
	s8 =	sld [smem:$0x3FB6]  }
0x2e: {  	s3 =	simm.s32 @!p0 $0x1082;
	s9 =	sld [smem:$0x3FB7]  }
0x2f: {  	lr =	sadd.s32 s0, s3;
	s0 =	sld [smem:$0x3FAE]  }
0x30: {  	s3 =	sld [smem:$0x3FB1]  }
0x31: {  	[smem:$0x3FBA] =	sst s10  }
0x32: {  	s10 =	sld [smem:$0x3FB8];
	_ =	sdelay $0x3  }
0x33: {  	p0 =	seq.s32 s10, $0x1;
	s10 =	sld [smem:$0x3FBA];
	_ =	sdelay $0x3  }
0x34: {  	[smem:$0x3FBA] =	sst s10  }
0x35: {  	s10 =	sld [smem:$0x3FB9];
	_ =	sdelay $0x3  }
0x36: {  	p1 =	seq.s32 s10, $0x1;
	s10 =	sld [smem:$0x3FBA];
	_ =	sdelay $0x3  }
0x37: {  	[smem:$0x3FBA] =	sst s10  }
0x38: {  	s10 =	sld [smem:$0x3FBB]  }
0x39: {  	_ = 	snop;
	(pc) =	sbr.ind lr, $3  }
0x3a: {  	_ = 	snop  }
0x3b: {  	_ = 	snop  }
0x3c: {  	p2 =	seq.s32 s10, $0x1;
	s10 =	sld [smem:$0x3FBA]  }
0x3d: {  	_ =	shalt  }
0x3e: {  	_ =	shalt  }
0x3f: {  	_ =	shalt  }
0x40: {  	_ =	shalt  }
0x41: {  	_ =	shalt  }
0x42: {  	_ =	shalt  }
0x43: {  	_ =	shalt  }
0x44: {  	_ =	shalt  }
0x45: {  	_ =	shalt  }
0x46: {  	_ =	shalt  }
0x47: {  	_ =	shalt  }
0x48: {  	_ =	shalt  }
0x49: {  	_ =	shalt  }
0x4a: {  	_ =	shalt  }
0x4b: {  	_ =	shalt  }
0x4c: {  	_ =	shalt  }
0x4d: {  	_ =	shalt  }
0x4e: {  	_ =	shalt  }
0x4f: {  	_ =	shalt  }
0x50: {  	_ =	shalt  }
0x51: {  	_ =	shalt  }
0x52: {  	_ =	shalt  }
0x53: {  	_ =	shalt  }
0x54: {  	_ =	shalt  }
0x55: {  	_ =	shalt  }
0x56: {  	_ =	shalt  }
0x57: {  	_ =	shalt  }
0x58: {  	_ =	shalt  }
0x59: {  	_ =	shalt  }
0x5a: {  	_ =	shalt  }
0x5b: {  	_ =	shalt  }
0x5c: {  	_ =	shalt  }
0x5d: {  	_ =	shalt  }
0x5e: {  	_ =	shalt  }
0x5f: {  	_ =	shalt  }
0x60: {  	_ =	shalt  }
0x61: {  	_ =	shalt  }
0x62: {  	_ =	shalt  }
0x63: {  	_ =	shalt  }
0x64: {  	_ =	shalt  }
0x65: {  	_ =	shalt  }
0x66: {  	_ =	shalt  }
0x67: {  	_ =	shalt  }
0x68: {  	_ =	shalt  }
0x69: {  	_ =	shalt  }
0x6a: {  	_ =	shalt  }
0x6b: {  	_ =	shalt  }
0x6c: {  	_ =	shalt  }
0x6d: {  	_ =	shalt  }
0x6e: {  	_ =	shalt  }
0x6f: {  	_ =	shalt  }
0x70: {  	_ =	shalt  }
0x71: {  	_ =	shalt  }
0x72: {  	_ =	shalt  }
0x73: {  	_ =	shalt  }
0x74: {  	_ =	shalt  }
0x75: {  	_ =	shalt  }
0x76: {  	_ =	shalt  }
0x77: {  	_ =	shalt  }
0x78: {  	_ =	shalt  }
0x79: {  	_ =	shalt  }
0x7a: {  	_ =	shalt  }
0x7b: {  	_ =	shalt  }
0x7c: {  	_ =	shalt  }
0x7d: {  	_ =	shalt  }
0x7e: {  	_ =	shalt  }
0x7f: {  	_ =	shalt  }
0x80: {  	_ =	shalt  }
0x81: {  	_ =	shalt  }
0x82: {  	_ =	shalt  }
0x83: {  	_ =	shalt  }
0x84: {  	_ =	shalt  }
0x85: {  	_ =	shalt  }
0x86: {  	_ =	shalt  }
0x87: {  	_ =	shalt  }
.Lfunc_end0:
.L_simem_size_0:
called_computation_lowered:
.L_overlay_start_0:
0x88: {  	s2 =	sld [smem:$0x3FD9]  }
0x89: {  	s3 =	sld [smem:$0x3FFE];
	_ =	sdelay $0x1  }
0x8a: {  	s1 =	srdreg.scid  }
0x8b: {  	s0 =	sand.u32 $0x1, s1  }
0x8c: {  	s17 =	sshll.u32 s0, $0xA;
	s2 =	sadd.s32 s3, s2  }
0x8d: {  	s2 =	sadd.s32 s2, s17  }
0x8e: {  	[smem:$0x3FC6] =	sst s2  }
0x8f: {  	_ = 	snop  }
0x90: {  	s2 =	sld [smem:$0x3FD0];
	(tm) =	ssettm $0x1  }
0x91: {  	s18 =	sld [smem:$0x3FFB];
	_ =	sdelay $0x3  }
0x92: {  	_ =	strace s18  }
0x93: {  	s3 =	sld [smem:$0x3FFC];
	_ =	sdelay $0x3  }
0x94: {  	_ =	strace s3  }
0x95: {  	s3 =	sld [smem:$0x3FFD];
	_ =	sdelay $0x3  }
0x96: {  	_ =	strace s3  }
0x97: {  	_ =	strace $0x8FFFFFFF  }
0x98: {  	s19 =	sld [smem:$0x3FDB];
	_ =	sdelay $0x1  }
0x99: {  	s4 =	simm.s32 $_scs_section_size  }
0x9a: {  	s5 =	simm.s32 $_size__tile_overlayer_lowered;
	s6 =	simm.s32 $_tile_overlayer_lowered  }
0x9b: {  	s22 =	simm.s32 $0x1BFF;
	s21 =	sshll.u32 s6, $0x1;
	s3 =	sadd.s32 s4, s19  }
0x9c: {  	s7 =	simm.s32 $0x0;
	s20 =	sshll.u32 s5, $0x1;
	s5 =	sadd.s32 s21, s3  }
0x9d: {  	[timem:s7], [sflag:s22] =	dma.local [hbm:s5], s20  }
0x9e: {  	_ =	swait.ge [sflag:s22], s20  }
0x9f: {  	s4 =	ssub.s32 $0x0, s20;
	[sflag:s22] =	ssyncset.done $0x0  }
0xa0: {  	[sflag:s22] =	ssyncadd.s32 s4;
	_ =	sdelay $0x1  }
0xa1: {  	s23 =	simm.s32 $0x1B8B  }
0xa2: {  	_ =	swait.ge [sflag:s23], $0x1  }
0xa3: {  	[sflag:s23] =	ssyncset.done $0x0  }
0xa4: {  	s25 =	simm.s32 $0x1B8E;
	s24 =	sld [smem:$0x3FFE];
	[sflag:s23] =	ssyncadd.s32 $0xFFFFFFFF  }
0xa5: {  	s26 =	simm.s32 $execute0_lowered;
	[smem:$0x3FD2] =	sst s25  }
0xa6: {  	s5 =	sshll.u32 s26, $0x1;
	_ =	strace $0x80000046;
	[dreg:$0x1] =	wrdreg $0xFFFFFFFF  }
0xa7: {  	s28 =	simm.s32 $_size_execute0_lowered;
	s3 =	sadd.s32 s3, s5;
	[dreg:$0x0] =	wrdreg $0x0  }
0xa8: {  	s5 =	sshll.u32 s28, $0x1;
	[dreg:$0x2] =	wrdreg s3  }
0xa9: {  	[dreg:$0x3] =	wrdreg s5  }
0xaa: {  	[dreg:$0x4] =	wrdreg $0xC0  }
0xab: {  	_ =	task [dreg:s7], $0x5FFFF  }
0xac: {  	[dreg:$0x1] =	wrdreg $0xFFFFFFFF  }
0xad: {  	[dreg:$0x0] =	wrdreg $0x60  }
0xae: {  	[dreg:$0x2] =	wrdreg s24  }
0xaf: {  	[dreg:$0x3] =	wrdreg s2  }
0xb0: {  	[dreg:$0x4] =	wrdreg $0x9  }
0xb1: {  	_ =	task.clear_ibuf [dreg:s7], $0x5FFFF;
	_ =	strace $0x90000046  }
0xb2: {  	s29 =	simm.s32 $0x9;
	_ =	strace $0x80000048  }
0xb3: {  	_ =	swait.ge [sflag:s29], $0x1  }
0xb4: {  	[sflag:s29] =	ssyncadd.s32 $0xFFFFFFFF  }
0xb5: {  	_ =	strace $0x90000048  }
0xb6: {  	_ =	sfence  }
0xb7: {  	s30 =	sld [smem:$0x0];
	_ =	sdelay $0x2  }
0xb8: {  	s31 =	sshll.u32 s1, $0xD;
	s1 =	sshrl.u32 s1, $0x2  }
0xb9: {  	s3 =	sand.u32 $0x4000, s31;
	s1 =	sadd.s32 s1, s30  }
0xba: {  	s0 =	sor.u32 s3, s0;
	s1 =	sshll.u32 s1, $0x11  }
0xbb: {  	s0 =	sor.u32 s1, s0  }
0xbc: {  	s0 =	sadd.s32 $0x8F2B, s0  }
0xbd: {  	[sflag:s0] =	ssyncadd.remote.s32 $0x1  }
0xbe: {  	_ =	sfence.sel $0xFFFF  }
0xbf: {  	[dreg:$0x0] =	wrdreg $0xFFFFFFFF;
	(pc) =	sbr.abs _section_cstart, $3  }
0xc0: {  	[dreg:$0x1] =	wrdreg $0xFFFFFFFF  }
0xc1: {  	_ =	task.clear_ibuf [dreg:s7], $0x2FFFF;
	_ =	strace $0x9FFFFFFF  }
0xc2: {  	(tm) =	ssettm $0x7FFFFFFF  }
0xc3: {  	_ =	shalt  }
tec
execute0_lowered:
.L_overlay_start_1:
0x0: {  	(tag) =	ssettag $0x1  }
0x1: {  	s0 =	rddreg [dreg:$0x0]  }
0x2: {  	s1 =	rddreg [dreg:$0x1]  }
0x3: {  	s2 =	srdreg.scid;
	s3 =	stileid.u32;
	s4 =	simm.s32 $0x0  }
0x4: {  	s13 =	simm.s32 $0x6400;
	s15 =	simm.s32 $0x8400;
	s17 =	simm.s32 $0xA400  }
0x5: {  	s19 =	simm.s32 $0xC400;
	s21 =	simm.s32 $0xE400;
	s23 =	simm.s32 $0x10400  }
0x6: {  	s2 =	sand.u32 $0x1, s2;
	s3 =	sshll.u32 s3, $0x1;
	[smem:$0x7FF] =	sst s4  }
0x7: {  	s25 =	simm.s32 $0x12400;
	s3 =	sor.u32 s2, s3;
	_ =	strace $0x80000047  }
0x8: {  	s2 =	ssub.s32 $0x2, s2;
	s29 =	sshll.u32 s3, $0x6;
	s5 =	sshll.u32 s3, $0x9  }
0x9: {  	s3 =	sadd.s32 $0xF42A00, s0;
	s4 =	sadd.s32 s29, s0;
	s1 =	sadd.s32 s1, s5  }
0xa: {  	v0 =	vlaneseq.u32;
	s30 =	sshrl.u32 s2, $0x1;
	s31 =	sadd.s32 $0x600, s4;
	[dreg:$0x3] =	wrdreg s1  }
0xb: {  	v0 =	vmul.u32 $0x80, v0;
	s0 =	ssub.s32 s2, s30;
	s1 =	sadd.s32 $0x100, s1;
	[dreg:$0x4] =	wrdreg s31  }
0xc: {  	s28 =	simm.s32 $0x14400;
	s0 =	smax.u32 s0, $0x1;
	[dreg:$0x5] =	wrdreg s1  }
0xd: {  	v1 =	vor.u32 $0x800, v0;
	v2 =	vor.u32 $0x1000, v0;
	v3 =	vor.u32 $0x1800, v0;
	s4 =	simm.s32 $0x0;
	[dreg:$0x6] =	wrdreg s0;
	s1 =	simm.s32 $0x2  }
.LBB2_1:
0xe: {  	[dreg:$0x7] =	wrdreg s4  }
0xf: {  	s0 =	simm.s32 $0x0;
	s2 =	rddreg [dreg:$0x4]  }
0x10: {  	s20 =	simm.s32 $0x200;
	s5 =	simm.s32 $0x4000;
	s22 =	simm.s32 $0x5  }
0x11: {  	[tilespmem:s0], [sflag:$0x5] =	stream.strided.gather [hbm4b:s2+s20], $0x6400, s5, s20, $0x38;
	[tilespmem:$0x1A600] =	vst v63  }
0x12: {  	_ =	swait.ge [sflag:s22], $0x6400  }
0x13: {  	[sflag:s22] =	ssyncset.done $0x0  }
0x14: {  	[sflag:s22] =	ssyncadd.s32 $0xFFFF9C00  }
0x15: {  	v4 =	vld [tilespmem:$0x0]  }
0x16: {  	v5 =	vld [tilespmem:$0x10]  }
0x17: {  	v6 =	vld [tilespmem:$0x20]  }
0x18: {  	v7 =	vld [tilespmem:$0x30];
	_ =	sdelay $0x1  }
0x19: {  	v4 =	vshrl.u32 v4, $0x2  }
0x1a: {  	[tilespmem:$0x16400] =	vst v4;
	v4 =	vshrl.u32 v5, $0x2  }
0x1b: {  	[tilespmem:$0x16410] =	vst v4;
	v4 =	vshrl.u32 v6, $0x2  }
0x1c: {  	[tilespmem:$0x16420] =	vst v4;
	v4 =	vshrl.u32 v7, $0x2  }
0x1d: {  	s24 =	simm.s32 $0x40;
	s26 =	simm.s32 $0x16400;
	[tilespmem:$0x16430] =	vst v4  }
0x1e: {  	[tilespmem:s13], [sflag:$0x1] =	stream.indirect.gather [hbm4b:s3+s24], $0x80, s26, s24, $0xb8;
	[tilespmem:$0x1A600] =	vst v63  }
0x1f: {  	v4 =	vld [tilespmem:$0x40]  }
0x20: {  	v5 =	vld [tilespmem:$0x50]  }
0x21: {  	v58 =	vld [tilespmem:$0x60]  }
0x22: {  	v59 =	vld [tilespmem:$0x70];
	_ =	sdelay $0x1  }
0x23: {  	v4 =	vshrl.u32 v4, $0x2  }
0x24: {  	[tilespmem:$0x16440] =	vst v4;
	v4 =	vshrl.u32 v5, $0x2  }
0x25: {  	[tilespmem:$0x16450] =	vst v4;
	v4 =	vshrl.u32 v58, $0x2  }
0x26: {  	[tilespmem:$0x16460] =	vst v4;
	v4 =	vshrl.u32 v59, $0x2  }
0x27: {  	s29 =	simm.s32 $0x16440;
	[tilespmem:$0x16470] =	vst v4  }
0x28: {  	[tilespmem:s15], [sflag:$0x1] =	stream.indirect.gather [hbm4b:s3+s24], $0x80, s29, s24, $0xb8;
	[tilespmem:$0x1A600] =	vst v63  }
0x29: {  	v4 =	vld [tilespmem:$0x80]  }
0x2a: {  	v5 =	vld [tilespmem:$0x90]  }
0x2b: {  	v60 =	vld [tilespmem:$0xA0]  }
0x2c: {  	v61 =	vld [tilespmem:$0xB0];
	_ =	sdelay $0x1  }
0x2d: {  	v4 =	vshrl.u32 v4, $0x2  }
0x2e: {  	[tilespmem:$0x16480] =	vst v4;
	v4 =	vshrl.u32 v5, $0x2  }
0x2f: {  	[tilespmem:$0x16490] =	vst v4;
	v4 =	vshrl.u32 v60, $0x2  }
0x30: {  	[tilespmem:$0x164A0] =	vst v4;
	v4 =	vshrl.u32 v61, $0x2  }
0x31: {  	s30 =	simm.s32 $0x16480;
	[tilespmem:$0x164B0] =	vst v4  }
0x32: {  	[tilespmem:s17], [sflag:$0x1] =	stream.indirect.gather [hbm4b:s3+s24], $0x80, s30, s24, $0xb8;
	[tilespmem:$0x1A600] =	vst v63  }
0x33: {  	v4 =	vld [tilespmem:$0xC0]  }
0x34: {  	v5 =	vld [tilespmem:$0xD0]  }
0x35: {  	v62 =	vld [tilespmem:$0xE0]  }
0x36: {  	v63 =	vld [tilespmem:$0xF0];
	_ =	sdelay $0x1  }
0x37: {  	v4 =	vshrl.u32 v4, $0x2  }
0x38: {  	[tilespmem:$0x164C0] =	vst v4;
	v4 =	vshrl.u32 v5, $0x2  }
0x39: {  	[tilespmem:$0x164D0] =	vst v4;
	v4 =	vshrl.u32 v62, $0x2  }
0x3a: {  	[tilespmem:$0x164E0] =	vst v4;
	v4 =	vshrl.u32 v63, $0x2  }
0x3b: {  	s31 =	simm.s32 $0x164C0;
	s7 =	simm.s32 $0x0;
	[tilespmem:$0x164F0] =	vst v4  }
0x3c: {  	[tilespmem:s19], [sflag:$0x1] =	stream.indirect.gather [hbm4b:s3+s24], $0x80, s31, s24, $0xb8;
	[tilespmem:$0x1A600] =	vst v63  }
.LBB2_2:
0x3d: {  	p0 =	seq.s32 s7, $0x0  }
0x3e: {  	s0 =	simm.s32 @!p0 $0x3  }
0x3f: {  	_ =	swait.ge @!p0 [sflag:s0], $0x2000  }
0x40: {  	s2 =	sshll.u32 s7, $0xB;
	[sflag:s0] =	ssyncset.done @!p0 $0x0  }
0x41: {  	s10 =	sshra.s32 s2, $0x2;
	[sflag:s0] =	ssyncadd.s32 @!p0 $0xFFFFE000  }
0x42: {  	v4 =	vld [tilespmem:s10+$0x100];
	_ =	sdelay $0x4  }
0x43: {  	v4 =	vshrl.u32 v4, $0x2  }
0x44: {  	[tilespmem:$0x16500] =	vst v4  }
0x45: {  	v4 =	vld [tilespmem:s10+$0x110];
	_ =	sdelay $0x4  }
0x46: {  	v4 =	vshrl.u32 v4, $0x2  }
0x47: {  	[tilespmem:$0x16510] =	vst v4  }
0x48: {  	v4 =	vld [tilespmem:s10+$0x120];
	_ =	sdelay $0x4  }
0x49: {  	v4 =	vshrl.u32 v4, $0x2  }
0x4a: {  	[tilespmem:$0x16520] =	vst v4  }
0x4b: {  	v4 =	vld [tilespmem:s10+$0x130];
	_ =	sdelay $0x4  }
0x4c: {  	v4 =	vshrl.u32 v4, $0x2  }
0x4d: {  	s9 =	simm.s32 $0x40;
	s11 =	simm.s32 $0x16500;
	[tilespmem:$0x16530] =	vst v4  }
0x4e: {  	[tilespmem:s21], [sflag:$0x2] =	stream.indirect.gather [hbm4b:s3+s9], $0x80, s11, s9, $0xb8;
	[tilespmem:$0x1A600] =	vst v63  }
0x4f: {  	v4 =	vld [tilespmem:s10+$0x140];
	_ =	sdelay $0x4  }
0x50: {  	v4 =	vshrl.u32 v4, $0x2  }
0x51: {  	[tilespmem:$0x16540] =	vst v4  }
0x52: {  	v4 =	vld [tilespmem:s10+$0x150];
	_ =	sdelay $0x4  }
0x53: {  	v4 =	vshrl.u32 v4, $0x2  }
0x54: {  	[tilespmem:$0x16550] =	vst v4  }
0x55: {  	v4 =	vld [tilespmem:s10+$0x160];
	_ =	sdelay $0x4  }
0x56: {  	v4 =	vshrl.u32 v4, $0x2  }
0x57: {  	[tilespmem:$0x16560] =	vst v4  }
0x58: {  	v4 =	vld [tilespmem:s10+$0x170];
	_ =	sdelay $0x4  }
0x59: {  	v4 =	vshrl.u32 v4, $0x2  }
0x5a: {  	s12 =	simm.s32 $0x16540;
	[tilespmem:$0x16570] =	vst v4  }
0x5b: {  	[tilespmem:s23], [sflag:$0x2] =	stream.indirect.gather [hbm4b:s3+s9], $0x80, s12, s9, $0xb8;
	[tilespmem:$0x1A600] =	vst v63  }
0x5c: {  	v4 =	vld [tilespmem:s10+$0x180];
	_ =	sdelay $0x4  }
0x5d: {  	v4 =	vshrl.u32 v4, $0x2  }
0x5e: {  	[tilespmem:$0x16580] =	vst v4  }
0x5f: {  	v4 =	vld [tilespmem:s10+$0x190];
	_ =	sdelay $0x4  }
0x60: {  	v4 =	vshrl.u32 v4, $0x2  }
0x61: {  	[tilespmem:$0x16590] =	vst v4  }
0x62: {  	v4 =	vld [tilespmem:s10+$0x1A0];
	_ =	sdelay $0x4  }
0x63: {  	v4 =	vshrl.u32 v4, $0x2  }
0x64: {  	[tilespmem:$0x165A0] =	vst v4  }
0x65: {  	v4 =	vld [tilespmem:s10+$0x1B0];
	_ =	sdelay $0x4  }
0x66: {  	v4 =	vshrl.u32 v4, $0x2  }
0x67: {  	s14 =	simm.s32 $0x16580;
	[tilespmem:$0x165B0] =	vst v4  }
0x68: {  	[tilespmem:s25], [sflag:$0x2] =	stream.indirect.gather [hbm4b:s3+s9], $0x80, s14, s9, $0xb8;
	[tilespmem:$0x1A600] =	vst v63  }
0x69: {  	v4 =	vld [tilespmem:s10+$0x1C0];
	_ =	sdelay $0x4  }
0x6a: {  	v4 =	vshrl.u32 v4, $0x2  }
0x6b: {  	[tilespmem:$0x165C0] =	vst v4  }
0x6c: {  	v4 =	vld [tilespmem:s10+$0x1D0];
	_ =	sdelay $0x4  }
0x6d: {  	v4 =	vshrl.u32 v4, $0x2  }
0x6e: {  	[tilespmem:$0x165D0] =	vst v4  }
0x6f: {  	v4 =	vld [tilespmem:s10+$0x1E0];
	_ =	sdelay $0x4  }
0x70: {  	v4 =	vshrl.u32 v4, $0x2  }
0x71: {  	[tilespmem:$0x165E0] =	vst v4  }
0x72: {  	v4 =	vld [tilespmem:s10+$0x1F0];
	_ =	sdelay $0x4  }
0x73: {  	v4 =	vshrl.u32 v4, $0x2  }
0x74: {  	s16 =	simm.s32 $0x165C0;
	s18 =	simm.s32 $0x1;
	[tilespmem:$0x165F0] =	vst v4  }
0x75: {  	[tilespmem:s28], [sflag:$0x2] =	stream.indirect.gather [hbm4b:s3+s9], $0x80, s16, s9, $0xb8;
	[tilespmem:$0x1A600] =	vst v63  }
0x76: {  	_ =	swait.ge [sflag:s18], $0x2000  }
0x77: {  	[sflag:s18] =	ssyncset.done $0x0  }
0x78: {  	[sflag:s18] =	ssyncadd.s32 $0xFFFFE000  }
0x79: {  	_ =	swait.ge [sflag:s18], $0x2000  }
0x7a: {  	[sflag:s18] =	ssyncset.done $0x0  }
0x7b: {  	[sflag:s18] =	ssyncadd.s32 $0xFFFFE000  }
0x7c: {  	_ =	swait.ge [sflag:s18], $0x2000  }
0x7d: {  	[sflag:s18] =	ssyncset.done $0x0  }
0x7e: {  	[sflag:s18] =	ssyncadd.s32 $0xFFFFE000  }
0x7f: {  	_ =	swait.ge [sflag:s18], $0x2000  }
0x80: {  	[sflag:s18] =	ssyncset.done $0x0  }
0x81: {  	[sflag:s18] =	ssyncadd.s32 $0xFFFFE000  }
0x82: {  	v4 =	vld [tilespmem:s10+$0x0];
	_ =	sdelay $0x1  }
0x83: {  	v5 =	vld [tilespmem:s10+$0x10]  }
0x84: {  	v6 =	vld [tilespmem:s10+$0x20]  }
0x85: {  	s6 =	simm.s32 $0x1;
	v7 =	vld [tilespmem:s10+$0x30]  }
0x86: {  	v9 =	vmov s6;
	v8 =	vld [tilespmem:s10+$0x40];
	v26 =	vshll.u32 v4, $0x5  }
0x87: {  	v9 =	vand.u32 $0x7, v9;
	v10 =	vld [tilespmem:s10+$0x60];
	v11 =	vor.u32 s6, v26  }
0x88: {  	v28 =	vor.u32 v0, v9;
	v12 =	vld [tilespmem:s10+$0x70];
	v11 =	vand.u32 $0x78, v11  }
0x89: {  	s16 =	simm.s32 $0x0;
	v13 =	vld [tilespmem:s10+$0x80];
	v11 =	vor.u32 v11, v28  }
0x8a: {  	v15 =	vmov s16;
	v14 =	vld [tilespmem:s10+$0x90]  }
0x8b: {  	v15 =	vand.u32 $0x6, v15;
	v16 =	vld [tilespmem:s10+$0xA0];
	v17 =	vor.u32 s16, v26  }
0x8c: {  	v37 =	vor.u32 v0, v15;
	v23 =	vld [tilespmem:s10+$0xC0];
	v33 =	vshll.u32 v5, $0x5;
	v17 =	vand.u32 $0x78, v17  }
0x8d: {  	v25 =	vld [tilespmem:s10+$0xD0];
	v18 =	vor.u32 s6, v33;
	v17 =	vor.u32 v17, v37  }
0x8e: {  	v36 =	vor.u32 v1, v9;
	v18 =	vand.u32 $0x78, v18;
	v11 =	vld.idx.msk [tilespmem:v11+s13+$0x0], $0xffff  }
0x8f: {  	v27 =	vld [tilespmem:s10+$0xE0];
	v18 =	vor.u32 v18, v36  }
0x90: {  	s20 =	simm.s32 $0x80;
	s22 =	sand.u32 $0x1800, s16;
	v30 =	vld [tilespmem:s10+$0xF0]  }
0x91: {  	s0 =	sand.u32 $0x380, s20;
	s2 =	sor.u32 $0x16600, s22;
	v4 =	vld [tilespmem:s10+$0x50];
	v19 =	vor.u32 s16, v33  }
0x92: {  	v40 =	vor.u32 v1, v15;
	s18 =	sadd.s32 s0, s2;
	v32 =	vshll.u32 v6, $0x5;
	v6 =	vld.idx.msk [tilespmem:v17+s13+$0x0], $0xffff;
	v17 =	vand.u32 $0x78, v19  }
0x93: {  	v5 =	vld [tilespmem:s10+$0xB0];
	v17 =	vor.u32 v17, v40;
	[tilespmem:s18+$0x0] =	vst v11;
	v11 =	vor.u32 s6, v32  }
0x94: {  	s24 =	simm.s32 $0x0;
	v38 =	vor.u32 v2, v9;
	v18 =	vld.idx.msk [tilespmem:v18+s13+$0x0], $0xffff;
	v11 =	vand.u32 $0x78, v11  }
0x95: {  	s0 =	sand.u32 $0x300, s24;
	v11 =	vor.u32 v11, v38  }
0x96: {  	s14 =	sadd.s32 s0, s2  }
0x97: {  	v19 =	vor.u32 s16, v32;
	[tilespmem:s14+$0x0] =	vst v6  }
0x98: {  	v39 =	vor.u32 v2, v15;
	v34 =	vshll.u32 v7, $0x5;
	v7 =	vand.u32 $0x78, v19;
	v6 =	vld.idx.msk [tilespmem:v17+s13+$0x0], $0xffff  }
0x99: {  	v7 =	vor.u32 v7, v39;
	v17 =	vor.u32 s6, v34;
	[tilespmem:s18+$0x10] =	vst v18  }
0x9a: {  	v19 =	vor.u32 v3, v9;
	v17 =	vand.u32 $0x78, v17;
	v11 =	vld.idx.msk [tilespmem:v11+s13+$0x0], $0xffff  }
0x9b: {  	v9 =	vor.u32 v17, v19;
	_ =	sdelay $0x1  }
0x9c: {  	v17 =	vor.u32 s16, v34;
	[tilespmem:s14+$0x10] =	vst v6  }
0x9d: {  	v35 =	vshll.u32 v8, $0x5;
	v6 =	vld.idx.msk [tilespmem:v7+s13+$0x0], $0xffff;
	v7 =	vand.u32 $0x78, v17;
	v17 =	vor.u32 v3, v15  }
0x9e: {  	v8 =	vor.u32 s6, v35;
	v7 =	vor.u32 v7, v17;
	[tilespmem:s18+$0x20] =	vst v11  }
0x9f: {  	v8 =	vand.u32 $0x78, v8;
	v9 =	vld.idx.msk [tilespmem:v9+s13+$0x0], $0xffff  }
0xa0: {  	v8 =	vor.u32 v8, v28  }
0xa1: {  	v24 =	vshll.u32 v10, $0x5;
	v22 =	vshll.u32 v12, $0x5  }
0xa2: {  	s2 =	simm.s32 $0x3;
	v21 =	vshll.u32 v13, $0x5;
	v29 =	vshll.u32 v4, $0x5;
	v4 =	vor.u32 s16, v35;
	[tilespmem:s14+$0x20] =	vst v6  }
0xa3: {  	v20 =	vshll.u32 v14, $0x5;
	v10 =	vmov s2;
	v4 =	vand.u32 $0x78, v4;
	v7 =	vld.idx.msk [tilespmem:v7+s13+$0x0], $0xffff  }
0xa4: {  	v31 =	vand.u32 $0x7, v10;
	v4 =	vor.u32 v4, v37;
	[tilespmem:s18+$0x30] =	vst v9;
	v9 =	vor.u32 s6, v29  }
0xa5: {  	s9 =	simm.s32 $0x2;
	v12 =	vor.u32 v0, v31;
	v11 =	vor.u32 s2, v26;
	v8 =	vld.idx.msk [tilespmem:v8+s15+$0x0], $0xffff;
	v9 =	vand.u32 $0x78, v9  }
0xa6: {  	v6 =	vmov s9;
	v10 =	vand.u32 $0x78, v11;
	v9 =	vor.u32 v9, v36  }
0xa7: {  	v11 =	vor.u32 s9, v26;
	v41 =	vand.u32 $0x6, v6;
	v6 =	vor.u32 v10, v12  }
0xa8: {  	v10 =	vor.u32 s16, v29;
	v11 =	vand.u32 $0x78, v11;
	v15 =	vor.u32 v0, v41;
	[tilespmem:s14+$0x30] =	vst v7  }
0xa9: {  	v18 =	vshll.u32 v16, $0x5;
	v10 =	vand.u32 $0x78, v10;
	v7 =	vor.u32 v11, v15;
	v4 =	vld.idx.msk [tilespmem:v4+s15+$0x0], $0xffff  }
0xaa: {  	v16 =	vshll.u32 v5, $0x5;
	v5 =	vor.u32 s6, v24;
	v10 =	vor.u32 v10, v40;
	[tilespmem:s18+$0x40] =	vst v8  }
0xab: {  	v5 =	vand.u32 $0x78, v5;
	v11 =	vshll.u32 v23, $0x5;
	v8 =	vor.u32 s2, v33;
	v9 =	vld.idx.msk [tilespmem:v9+s15+$0x0], $0xffff  }
0xac: {  	v23 =	vor.u32 v5, v38;
	v14 =	vld.idx.msk [tilespmem:v6+s13+$0x0], $0xffff;
	v13 =	vand.u32 $0x78, v8;
	v8 =	vor.u32 v1, v31  }
0xad: {  	s26 =	simm.s32 $0x200;
	v5 =	vor.u32 s9, v33;
	v6 =	vshll.u32 v25, $0x5;
	v25 =	vor.u32 v13, v8  }
0xae: {  	s4 =	simm.s32 $0x180;
	s0 =	sand.u32 $0x1800, s26;
	v42 =	vor.u32 s16, v24;
	v7 =	vld.idx.msk [tilespmem:v7+s13+$0x0], $0xffff;
	[tilespmem:s14+$0x40] =	vst v4;
	v4 =	vand.u32 $0x78, v5;
	v13 =	vor.u32 v1, v41  }
0xaf: {  	s4 =	sand.u32 $0x380, s4;
	s0 =	sor.u32 $0x16600, s0;
	v5 =	vshll.u32 v27, $0x5;
	v27 =	vld.idx.msk [tilespmem:v10+s15+$0x0], $0xffff;
	v43 =	vor.u32 v4, v13;
	v4 =	vand.u32 $0x78, v42  }
0xb0: {  	s5 =	simm.s32 $0x100;
	s22 =	simm.s32 $0x5;
	s12 =	sadd.s32 s4, s0;
	v10 =	vor.u32 s2, v32;
	v42 =	vor.u32 v4, v39;
	v4 =	vor.u32 s6, v22;
	[tilespmem:s18+$0x50] =	vst v9  }
0xb1: {  	s29 =	sand.u32 $0x300, s5;
	v51 =	vmov s22;
	[tilespmem:s12+$0x0] =	vst v14;
	v45 =	vand.u32 $0x78, v10;
	v4 =	vand.u32 $0x78, v4;
	v23 =	vld.idx.msk [tilespmem:v23+s15+$0x0], $0xffff  }
0xb2: {  	s5 =	sadd.s32 s29, s0;
	v10 =	vor.u32 v2, v31;
	v9 =	vor.u32 s9, v32;
	v46 =	vor.u32 v4, v19;
	v25 =	vld.idx.msk [tilespmem:v25+s13+$0x0], $0xffff  }
0xb3: {  	v51 =	vand.u32 $0x7, v51;
	[tilespmem:s5+$0x0] =	vst v7;
	v7 =	vand.u32 $0x78, v9;
	v9 =	vor.u32 v45, v10  }
0xb4: {  	v44 =	vor.u32 s16, v22;
	v14 =	vor.u32 v2, v41;
	v4 =	vshll.u32 v30, $0x5;
	[tilespmem:s14+$0x50] =	vst v27;
	v30 =	vld.idx.msk [tilespmem:v43+s13+$0x0], $0xffff  }
0xb5: {  	v63 =	vor.u32 s16, v20;
	v27 =	vor.u32 v7, v14;
	v7 =	vand.u32 $0x78, v44;
	v42 =	vld.idx.msk [tilespmem:v42+s15+$0x0], $0xffff  }
0xb6: {  	v52 =	vor.u32 s16, v21;
	v62 =	vor.u32 v7, v17;
	v7 =	vor.u32 s6, v21;
	[tilespmem:s18+$0x60] =	vst v23  }
0xb7: {  	v47 =	vor.u32 s2, v34;
	v60 =	vor.u32 s9, v35;
	v53 =	vand.u32 $0x78, v7;
	[tilespmem:s12+$0x10] =	vst v25;
	v25 =	vld.idx.msk [tilespmem:v46+s15+$0x0], $0xffff  }
0xb8: {  	v47 =	vand.u32 $0x78, v47;
	v7 =	vor.u32 v3, v31;
	v31 =	vld.idx.msk [tilespmem:v9+s13+$0x0], $0xffff;
	v46 =	vor.u32 v53, v28  }
0xb9: {  	v61 =	vor.u32 s6, v20;
	v23 =	vor.u32 s9, v34;
	[tilespmem:s5+$0x10] =	vst v30;
	v30 =	vor.u32 v47, v7  }
0xba: {  	v49 =	vor.u32 s2, v35;
	v23 =	vand.u32 $0x78, v23;
	v9 =	vor.u32 v3, v41;
	v27 =	vld.idx.msk [tilespmem:v27+s13+$0x0], $0xffff;
	[tilespmem:s14+$0x60] =	vst v42  }
0xbb: {  	v56 =	vor.u32 s22, v26;
	v54 =	vor.u32 v23, v9;
	v23 =	vand.u32 $0x78, v52;
	v43 =	vld.idx.msk [tilespmem:v62+s15+$0x0], $0xffff  }
0xbc: {  	v49 =	vand.u32 $0x78, v49;
	v58 =	vand.u32 $0x78, v56;
	v48 =	vor.u32 v23, v37;
	[tilespmem:s18+$0x70] =	vst v25  }
0xbd: {  	v49 =	vor.u32 v49, v12;
	v55 =	vor.u32 s9, v29;
	v42 =	vand.u32 $0x78, v61;
	[tilespmem:s12+$0x20] =	vst v31;
	v31 =	vld.idx.msk [tilespmem:v46+s17+$0x0], $0xffff  }
0xbe: {  	v57 =	vor.u32 s2, v29;
	v59 =	vor.u32 s16, v18;
	v42 =	vor.u32 v42, v36;
	v30 =	vld.idx.msk [tilespmem:v30+s13+$0x0], $0xffff  }
0xbf: {  	s20 =	simm.s32 $0x4;
	v56 =	vor.u32 s16, v16;
	v45 =	vand.u32 $0x78, v55;
	v44 =	vand.u32 $0x78, v63;
	[tilespmem:s5+$0x20] =	vst v27  }
0xc0: {  	v44 =	vor.u32 v44, v40;
	v62 =	vand.u32 $0x78, v60;
	v25 =	vmov s20;
	v47 =	vld.idx.msk [tilespmem:v54+s13+$0x0], $0xffff;
	[tilespmem:s14+$0x70] =	vst v43  }
0xc1: {  	v23 =	vor.u32 s20, v26;
	v41 =	vand.u32 $0x6, v25;
	v25 =	vor.u32 v62, v15;
	v48 =	vld.idx.msk [tilespmem:v48+s17+$0x0], $0xffff  }
0xc2: {  	v50 =	vand.u32 $0x78, v23;
	v27 =	vor.u32 s6, v18;
	v23 =	vor.u32 v0, v41;
	[tilespmem:s18+$0x400] =	vst v31  }
0xc3: {  	v45 =	vor.u32 v45, v13;
	v27 =	vand.u32 $0x78, v27;
	v63 =	vor.u32 v50, v23;
	[tilespmem:s12+$0x30] =	vst v30;
	v30 =	vld.idx.msk [tilespmem:v42+s17+$0x0], $0xffff  }
0xc4: {  	v53 =	vor.u32 s6, v16;
	v43 =	vand.u32 $0x78, v57;
	v27 =	vor.u32 v27, v38;
	v49 =	vld.idx.msk [tilespmem:v49+s15+$0x0], $0xffff  }
0xc5: {  	v61 =	vor.u32 s2, v24;
	v43 =	vor.u32 v43, v8;
	v31 =	vor.u32 v0, v51;
	[tilespmem:s5+$0x30] =	vst v47  }
0xc6: {  	v53 =	vand.u32 $0x78, v53;
	v60 =	vor.u32 s9, v24;
	v52 =	vor.u32 v58, v31;
	v54 =	vld.idx.msk [tilespmem:v25+s15+$0x0], $0xffff;
	[tilespmem:s14+$0x400] =	vst v48  }
0xc7: {  	v57 =	vor.u32 s6, v11;
	v50 =	vand.u32 $0x78, v59;
	v25 =	vor.u32 s20, v33;
	v44 =	vld.idx.msk [tilespmem:v44+s17+$0x0], $0xffff  }
0xc8: {  	v50 =	vor.u32 v50, v39;
	v46 =	vld.idx.msk [tilespmem:v63+s13+$0x0], $0xffff;
	v55 =	vand.u32 $0x78, v25;
	v25 =	vor.u32 v1, v41;
	[tilespmem:s18+$0x410] =	vst v30  }
0xc9: {  	s4 =	simm.s32 $0x400;
	v53 =	vor.u32 v53, v19;
	v57 =	vand.u32 $0x78, v57;
	v55 =	vor.u32 v55, v25;
	[tilespmem:s12+$0x40] =	vst v49;
	v62 =	vld.idx.msk [tilespmem:v27+s17+$0x0], $0xffff  }
0xca: {  	s8 =	simm.s32 $0x200;
	s31 =	sand.u32 $0x1800, s4;
	v57 =	vor.u32 v57, v28;
	v48 =	vand.u32 $0x78, v61;
	v30 =	vor.u32 s22, v33;
	v43 =	vld.idx.msk [tilespmem:v43+s15+$0x0], $0xffff  }
0xcb: {  	s8 =	sand.u32 $0x300, s8;
	s0 =	sor.u32 $0x16600, s31;
	v48 =	vor.u32 v48, v10;
	v52 =	vld.idx.msk [tilespmem:v52+s13+$0x0], $0xffff;
	v30 =	vand.u32 $0x78, v30;
	v27 =	vor.u32 v1, v51;
	[tilespmem:s5+$0x40] =	vst v54  }
0xcc: {  	s26 =	sadd.s32 s8, s0;
	v59 =	vor.u32 s16, v11;
	v28 =	vor.u32 v2, v51;
	v30 =	vor.u32 v30, v27;
	[tilespmem:s14+$0x410] =	vst v44;
	v44 =	vld.idx.msk [tilespmem:v45+s15+$0x0], $0xffff  }
0xcd: {  	s30 =	simm.s32 $0x280;
	v42 =	vor.u32 s16, v5;
	v47 =	vand.u32 $0x78, v60;
	v58 =	vor.u32 s2, v22;
	[tilespmem:s26+$0x0] =	vst v46;
	v50 =	vld.idx.msk [tilespmem:v50+s17+$0x0], $0xffff  }
0xce: {  	s24 =	sand.u32 $0x380, s30;
	v47 =	vor.u32 v47, v14;
	v63 =	vand.u32 $0x78, v56;
	v56 =	vor.u32 s16, v6;
	v55 =	vld.idx.msk [tilespmem:v55+s13+$0x0], $0xffff;
	[tilespmem:s18+$0x420] =	vst v62  }
0xcf: {  	s24 =	sadd.s32 s24, s0;
	v61 =	vor.u32 s22, v32;
	v49 =	vor.u32 s20, v32;
	v54 =	vor.u32 v63, v17;
	[tilespmem:s12+$0x50] =	vst v43;
	v60 =	vld.idx.msk [tilespmem:v53+s17+$0x0], $0xffff  }
0xd0: {  	v58 =	vand.u32 $0x78, v58;
	v49 =	vand.u32 $0x78, v49;
	v45 =	vor.u32 s9, v22;
	[tilespmem:s24+$0x0] =	vst v52;
	v48 =	vld.idx.msk [tilespmem:v48+s15+$0x0], $0xffff  }
0xd1: {  	v45 =	vand.u32 $0x78, v45;
	v62 =	vand.u32 $0x78, v61;
	v53 =	vor.u32 v58, v7;
	v63 =	vld.idx.msk [tilespmem:v30+s13+$0x0], $0xffff  }
0xd2: {  	v45 =	vor.u32 v45, v9;
	v30 =	vor.u32 v2, v41;
	v52 =	vor.u32 v62, v28;
	[tilespmem:s5+$0x50] =	vst v44  }
0xd3: {  	v43 =	vor.u32 s9, v21;
	v61 =	vor.u32 s20, v34;
	v44 =	vor.u32 v49, v30;
	v47 =	vld.idx.msk [tilespmem:v47+s15+$0x0], $0xffff;
	[tilespmem:s14+$0x420] =	vst v50  }
0xd4: {  	v62 =	vor.u32 s2, v21;
	v49 =	vand.u32 $0x78, v59;
	v54 =	vld.idx.msk [tilespmem:v54+s17+$0x0], $0xffff;
	[tilespmem:s18+$0x430] =	vst v60;
	v60 =	vor.u32 s6, v6  }
0xd5: {  	v61 =	vand.u32 $0x78, v61;
	v49 =	vor.u32 v49, v37;
	[tilespmem:s12+$0x60] =	vst v48;
	v48 =	vld.idx.msk [tilespmem:v57+s19+$0x0], $0xffff;
	v37 =	vand.u32 $0x78, v60  }
0xd6: {  	v58 =	vand.u32 $0x78, v62;
	[tilespmem:s24+$0x10] =	vst v63;
	v63 =	vor.u32 s22, v34;
	v46 =	vld.idx.msk [tilespmem:v53+s15+$0x0], $0xffff;
	v53 =	vor.u32 v37, v36  }
0xd7: {  	[tilespmem:s26+$0x10] =	vst v55;
	v52 =	vld.idx.msk [tilespmem:v52+s13+$0x0], $0xffff;
	v60 =	vand.u32 $0x78, v63;
	v37 =	vor.u32 v3, v51;
	v51 =	vor.u32 v58, v12  }
0xd8: {  	v43 =	vand.u32 $0x78, v43;
	[tilespmem:s5+$0x60] =	vst v47;
	v58 =	vld.idx.msk [tilespmem:v44+s13+$0x0], $0xffff;
	v36 =	vor.u32 v3, v41;
	v62 =	vor.u32 v60, v37  }
0xd9: {  	s0 =	simm.s32 $0x6;
	v50 =	vor.u32 s9, v20;
	v59 =	vand.u32 $0x78, v56;
	v45 =	vld.idx.msk [tilespmem:v45+s15+$0x0], $0xffff;
	[tilespmem:s14+$0x430] =	vst v54;
	v63 =	vor.u32 v61, v36  }
0xda: {  	v43 =	vor.u32 v43, v15;
	v40 =	vor.u32 v59, v40;
	v57 =	vmov s0;
	v55 =	vld.idx.msk [tilespmem:v49+s19+$0x0], $0xffff;
	[tilespmem:s18+$0x440] =	vst v48  }
0xdb: {  	v59 =	vand.u32 $0x78, v42;
	v44 =	vor.u32 s20, v29;
	v60 =	vor.u32 s6, v5;
	[tilespmem:s12+$0x70] =	vst v46;
	v56 =	vld.idx.msk [tilespmem:v53+s19+$0x0], $0xffff  }
0xdc: {  	v42 =	vand.u32 $0x6, v57;
	v61 =	vor.u32 s2, v20;
	[tilespmem:s24+$0x20] =	vst v52;
	v46 =	vand.u32 $0x78, v60;
	v51 =	vld.idx.msk [tilespmem:v51+s17+$0x0], $0xffff  }
0xdd: {  	v52 =	vand.u32 $0x78, v61;
	[tilespmem:s26+$0x20] =	vst v58;
	v58 =	vor.u32 v46, v38;
	v41 =	vld.idx.msk [tilespmem:v62+s13+$0x0], $0xffff;
	v62 =	vor.u32 s22, v35  }
0xde: {  	v49 =	vor.u32 s20, v35;
	v52 =	vor.u32 v52, v8;
	v53 =	vld.idx.msk [tilespmem:v63+s13+$0x0], $0xffff;
	v63 =	vand.u32 $0x78, v62  }
0xdf: {  	v48 =	vor.u32 s0, v26;
	v60 =	vand.u32 $0x78, v49;
	[tilespmem:s5+$0x70] =	vst v45;
	v54 =	vor.u32 v63, v31  }
0xe0: {  	v61 =	vand.u32 $0x78, v50;
	v38 =	vor.u32 v0, v42;
	v49 =	vld.idx.msk [tilespmem:v43+s17+$0x0], $0xffff;
	[tilespmem:s14+$0x440] =	vst v55;
	v55 =	vor.u32 v60, v23  }
0xe1: {  	s8 =	simm.s32 $0x7;
	v46 =	vor.u32 v61, v13;
	v45 =	vor.u32 v59, v39;
	v62 =	vand.u32 $0x78, v48;
	v50 =	vld.idx.msk [tilespmem:v40+s19+$0x0], $0xffff;
	[tilespmem:s18+$0x450] =	vst v56  }
0xe2: {  	v40 =	vor.u32 s8, v26;
	v39 =	vor.u32 v62, v38;
	v63 =	vor.u32 s6, v4;
	[tilespmem:s12+$0x400] =	vst v51;
	v47 =	vld.idx.msk [tilespmem:v58+s19+$0x0], $0xffff  }
0xe3: {  	s6 =	simm.s32 $0x8;
	v51 =	vor.u32 s2, v18;
	v56 =	vor.u32 s22, v29;
	[tilespmem:s24+$0x30] =	vst v41;
	v48 =	vld.idx.msk [tilespmem:v52+s17+$0x0], $0xffff;
	v52 =	vand.u32 $0x78, v63  }
.LBB2_3:
0xe4: {  	p1 =	slt.u32 s6, $0x1E;
	v41 =	vmov s8;
	[tilespmem:s26+$0x30] =	vst v53;
	v43 =	vld.idx.msk [tilespmem:v54+s15+$0x0], $0xffff;
	v51 =	vand.u32 $0x78, v51;
	v52 =	vor.u32 v52, v19;
	v19 =	vmovc v7;
	v7 =	vmovc v37  }
0xe5: {  	v53 =	vand.u32 $0x78, v56;
	v37 =	vand.u32 $0x7, v41;
	v41 =	vld.idx.msk [tilespmem:v55+s15+$0x0], $0xffff;
	[tilespmem:s5+$0x400] =	vst v49;
	v49 =	vor.u32 v51, v10  }
0xe6: {  	v40 =	vand.u32 $0x78, v40;
	v53 =	vor.u32 v53, v27;
	v51 =	vor.u32 v0, v37;
	v46 =	vld.idx.msk [tilespmem:v46+s17+$0x0], $0xffff;
	[tilespmem:s14+$0x450] =	vst v50  }
0xe7: {  	v44 =	vand.u32 $0x78, v44;
	v50 =	vor.u32 s9, v18;
	v40 =	vor.u32 v40, v51;
	v45 =	vld.idx.msk [tilespmem:v45+s19+$0x0], $0xffff  }
0xe8: {  	v44 =	vor.u32 v44, v25;
	v54 =	vld.idx.msk [tilespmem:v39+s13+$0x0], $0xffff;
	v39 =	vand.u32 $0x78, v50;
	v50 =	vor.u32 s16, v4;
	[tilespmem:s18+$0x460] =	vst v47;
	s16 =	smov.u32 s9;
	s9 =	smov.u32 s20;
	s20 =	smov.u32 s0  }
0xe9: {  	s0 =	smov.u32 s6;
	v47 =	vor.u32 v39, v14;
	v39 =	vor.u32 s16, v5;
	[tilespmem:s12+$0x410] =	vst v48;
	v48 =	vand.u32 $0x78, v50;
	v50 =	vld.idx.msk [tilespmem:v52+s19+$0x0], $0xffff  }
0xea: {  	v52 =	vor.u32 s9, v24;
	[tilespmem:s24+$0x40] =	vst v43;
	v43 =	vld.idx.msk [tilespmem:v49+s17+$0x0], $0xffff;
	v49 =	vor.u32 s2, v16;
	v48 =	vor.u32 v48, v17;
	v17 =	vmovc v9  }
0xeb: {  	v55 =	vor.u32 s20, v33;
	v9 =	vmovc v36;
	[tilespmem:s26+$0x40] =	vst v41;
	v41 =	vld.idx.msk [tilespmem:v53+s15+$0x0], $0xffff;
	v53 =	vor.u32 s22, v24;
	v49 =	vand.u32 $0x78, v49  }
0xec: {  	v36 =	vld.idx.msk [tilespmem:v40+s13+$0x0], $0xffff;
	v40 =	vor.u32 s8, v33;
	v53 =	vand.u32 $0x78, v53;
	[tilespmem:s5+$0x410] =	vst v46;
	v46 =	vor.u32 v49, v19  }
0xed: {  	v49 =	vor.u32 v1, v37;
	v40 =	vand.u32 $0x78, v40;
	v44 =	vld.idx.msk [tilespmem:v44+s15+$0x0], $0xffff;
	v53 =	vor.u32 v53, v28;
	[tilespmem:s14+$0x460] =	vst v45  }
0xee: {  	s4 =	sadd.s32 $0x200, s4;
	v45 =	vand.u32 $0x78, v55;
	v55 =	vor.u32 v1, v42;
	v40 =	vor.u32 v40, v49;
	v47 =	vld.idx.msk [tilespmem:v47+s17+$0x0], $0xffff  }
0xef: {  	s30 =	sadd.s32 $0x100, s30;
	s31 =	sand.u32 $0x1800, s4;
	v56 =	vor.u32 s16, v16;
	v52 =	vand.u32 $0x78, v52;
	v45 =	vor.u32 v45, v55;
	v48 =	vld.idx.msk [tilespmem:v48+s19+$0x0], $0xffff;
	[tilespmem:s18+$0x470] =	vst v50;
	s18 =	smov.u32 s12  }
0xf0: {  	s11 =	sand.u32 $0x380, s30;
	s31 =	sor.u32 $0x16600, s31;
	s12 =	sadd.s32 $0xFFFFFF80, s30;
	v50 =	vor.u32 v52, v30;
	v52 =	vand.u32 $0x78, v56;
	v56 =	vor.u32 s16, v6;
	[tilespmem:s18+$0x420] =	vst v43  }
0xf1: {  	s29 =	sand.u32 $0x300, s12;
	v43 =	vor.u32 s9, v22;
	s12 =	smov.u32 s24;
	[tilespmem:s24+$0x50] =	vst v41;
	v41 =	vor.u32 v52, v17;
	v46 =	vld.idx.msk [tilespmem:v46+s17+$0x0], $0xffff;
	v52 =	vor.u32 s2, v11;
	s24 =	sadd.s32 s11, s31  }
0xf2: {  	v57 =	vor.u32 s20, v32;
	s11 =	sadd.s32 s29, s31;
	[tilespmem:s24+$0x0] =	vst v36;
	v36 =	vld.idx.msk [tilespmem:v53+s15+$0x0], $0xffff;
	v53 =	vor.u32 s22, v22;
	v52 =	vand.u32 $0x78, v52  }
0xf3: {  	[tilespmem:s11+$0x0] =	vst v54;
	v40 =	vld.idx.msk [tilespmem:v40+s13+$0x0], $0xffff;
	v54 =	vor.u32 s8, v32;
	v53 =	vand.u32 $0x78, v53;
	v52 =	vor.u32 v52, v12;
	v12 =	vmovc v31  }
0xf4: {  	v45 =	vld.idx.msk [tilespmem:v45+s13+$0x0], $0xffff;
	v59 =	vand.u32 $0x78, v54;
	v54 =	vor.u32 v2, v37;
	[tilespmem:s26+$0x50] =	vst v44;
	v44 =	vor.u32 v53, v7  }
0xf5: {  	v53 =	vand.u32 $0x78, v57;
	v57 =	vor.u32 v2, v42;
	v58 =	vor.u32 v59, v54;
	v50 =	vld.idx.msk [tilespmem:v50+s15+$0x0], $0xffff;
	[tilespmem:s5+$0x420] =	vst v47  }
0xf6: {  	v43 =	vand.u32 $0x78, v43;
	v31 =	vmovc v51;
	v47 =	vor.u32 v53, v57;
	v53 =	vor.u32 s16, v11;
	v41 =	vld.idx.msk [tilespmem:v41+s17+$0x0], $0xffff;
	[tilespmem:s14+$0x470] =	vst v48;
	s14 =	smov.u32 s5;
	s5 =	smov.u32 s26;
	s26 =	smov.u32 s11  }
0xf7: {  	v43 =	vor.u32 v43, v9;
	v48 =	vor.u32 s9, v20;
	v51 =	vand.u32 $0x78, v53;
	[tilespmem:s18+$0x430] =	vst v46  }
0xf8: {  	v46 =	vor.u32 s9, v21;
	v51 =	vor.u32 v51, v15;
	v15 =	vmovc v23;
	[tilespmem:s12+$0x60] =	vst v36;
	v52 =	vld.idx.msk [tilespmem:v52+s19+$0x0], $0xffff;
	v36 =	vor.u32 s2, v6  }
0xf9: {  	v53 =	vor.u32 s20, v34;
	v23 =	vmovc v38;
	[tilespmem:s24+$0x10] =	vst v40;
	v40 =	vld.idx.msk [tilespmem:v44+s15+$0x0], $0xffff;
	v44 =	vor.u32 s22, v21;
	v36 =	vand.u32 $0x78, v36  }
0xfa: {  	[tilespmem:s26+$0x10] =	vst v45;
	v38 =	vld.idx.msk [tilespmem:v58+s13+$0x0], $0xffff;
	v45 =	vor.u32 s8, v34;
	v44 =	vand.u32 $0x78, v44;
	v58 =	vor.u32 v36, v8;
	v8 =	vmovc v27  }
0xfb: {  	v37 =	vor.u32 v3, v37;
	v47 =	vld.idx.msk [tilespmem:v47+s13+$0x0], $0xffff;
	v59 =	vand.u32 $0x78, v45;
	[tilespmem:s5+$0x60] =	vst v50;
	v45 =	vor.u32 v44, v12  }
0xfc: {  	v36 =	vor.u32 v3, v42;
	v44 =	vand.u32 $0x78, v53;
	v42 =	vor.u32 v59, v37;
	v43 =	vld.idx.msk [tilespmem:v43+s15+$0x0], $0xffff;
	[tilespmem:s14+$0x430] =	vst v41  }
0xfd: {  	v46 =	vand.u32 $0x78, v46;
	v27 =	vmovc v49;
	v41 =	vor.u32 v44, v36;
	v44 =	vor.u32 s20, v29;
	v50 =	vld.idx.msk [tilespmem:v51+s19+$0x0], $0xffff  }
0xfe: {  	v46 =	vor.u32 v46, v15;
	v49 =	vor.u32 s20, v35;
	v51 =	vand.u32 $0x78, v56;
	[tilespmem:s18+$0x440] =	vst v52  }
0xff: {  	v53 =	vor.u32 s2, v5;
	v52 =	vor.u32 s6, v26;
	[tilespmem:s12+$0x70] =	vst v40;
	v40 =	vor.u32 v51, v13;
	v51 =	vld.idx.msk [tilespmem:v58+s19+$0x0], $0xffff;
	v13 =	vmovc v25  }
0x100: {  	v56 =	vmov s6;
	v25 =	vmovc v55;
	[tilespmem:s24+$0x20] =	vst v38;
	v58 =	vld.idx.msk [tilespmem:v45+s17+$0x0], $0xffff;
	v38 =	vor.u32 s22, v20;
	v45 =	vand.u32 $0x78, v53  }
0x101: {  	[tilespmem:s26+$0x20] =	vst v47;
	v59 =	vld.idx.msk [tilespmem:v42+s13+$0x0], $0xffff;
	v42 =	vor.u32 s8, v35;
	v38 =	vand.u32 $0x78, v38;
	v47 =	vor.u32 v45, v10;
	v10 =	vmovc v28  }
0x102: {  	v39 =	vand.u32 $0x78, v39;
	v28 =	vmovc v54;
	v53 =	vld.idx.msk [tilespmem:v41+s13+$0x0], $0xffff;
	v41 =	vand.u32 $0x78, v42;
	[tilespmem:s5+$0x70] =	vst v43;
	v43 =	vor.u32 v38, v8  }
.Ltmp0:
0x103: {  	v38 =	vand.u32 $0x78, v49;
	v54 =	vor.u32 v41, v31;
	v49 =	vld.idx.msk [tilespmem:v46+s17+$0x0], $0xffff;
	v41 =	vand.u32 $0x78, v48;
	[tilespmem:s14+$0x440] =	vst v50;
	(pc) =	sbr.rel @p1 .LBB2_3-.Ltmp0, $4  }
0x104: {  	v42 =	vand.u32 $0x6, v56;
	v48 =	vand.u32 $0x78, v52;
	v55 =	vor.u32 v38, v23;
	v50 =	vld.idx.msk [tilespmem:v40+s19+$0x0], $0xffff  }
0x105: {  	v45 =	vor.u32 v39, v14;
	v38 =	vor.u32 v0, v42;
	v46 =	vor.u32 v41, v13;
	[tilespmem:s18+$0x450] =	vst v51  }
0x106: {  	v14 =	vmovc v30;
	v39 =	vor.u32 v48, v38;
	v41 =	vor.u32 s2, v4;
	s2 =	smov.u32 s22;
	v51 =	vor.u32 s22, v18;
	s22 =	smov.u32 s8;
	s8 =	sadd.s32 $0x1, s6;
	[tilespmem:s12+$0x400] =	vst v58;
	v47 =	vld.idx.msk [tilespmem:v47+s19+$0x0], $0xffff  }
0x107: {  	v30 =	vmovc v57;
	s6 =	sadd.s32 $0x2, s6;
	v52 =	vand.u32 $0x78, v41;
	v40 =	vor.u32 s8, v26;
	v56 =	vor.u32 s22, v29;
	[tilespmem:s24+$0x30] =	vst v59;
	v48 =	vld.idx.msk [tilespmem:v43+s17+$0x0], $0xffff  }
0x108: {  	v26 =	vmov s8  }
0x109: {  	v26 =	vand.u32 $0x7, v26  }
0x10a: {  	v40 =	vand.u32 $0x78, v40;
	v43 =	vor.u32 v0, v26  }
0x10b: {  	v40 =	vor.u32 v40, v43;
	_ =	sdelay $0x3  }
0x10c: {  	v41 =	vor.u32 s8, v33  }
0x10d: {  	v62 =	vor.u32 s0, v33;
	v58 =	vand.u32 $0x78, v41;
	v41 =	vor.u32 v1, v26;
	v57 =	vld.idx.msk [tilespmem:v40+s13+$0x0], $0xffff  }
0x10e: {  	v39 =	vld.idx.msk [tilespmem:v39+s13+$0x0], $0xffff;
	s4 =	sadd.s32 $0x200, s4;
	v33 =	vand.u32 $0x78, v62;
	v58 =	vor.u32 v58, v41;
	v40 =	vor.u32 v1, v42  }
0x10f: {  	s6 =	sadd.s32 $0x100, s30;
	s4 =	sand.u32 $0x1800, s4;
	v33 =	vor.u32 v33, v40  }
0x110: {  	s11 =	sadd.s32 $0xFFFFFF80, s6;
	s6 =	sand.u32 $0x380, s6;
	s4 =	sor.u32 $0x16600, s4  }
0x111: {  	s11 =	sand.u32 $0x300, s11;
	s6 =	sadd.s32 s6, s4  }
0x112: {  	v63 =	vor.u32 s8, v32;
	s4 =	sadd.s32 s11, s4;
	[tilespmem:s6+$0x0] =	vst v57  }
0x113: {  	v60 =	vor.u32 s0, v32;
	[tilespmem:s4+$0x0] =	vst v39;
	v39 =	vor.u32 v2, v26;
	v57 =	vand.u32 $0x78, v63;
	v58 =	vld.idx.msk [tilespmem:v58+s13+$0x0], $0xffff  }
0x114: {  	v32 =	vand.u32 $0x78, v60;
	v59 =	vld.idx.msk [tilespmem:v33+s13+$0x0], $0xffff;
	v33 =	vor.u32 v2, v42;
	v57 =	vor.u32 v57, v39  }
0x115: {  	v60 =	vor.u32 v32, v33;
	_ =	sdelay $0x2  }
0x116: {  	v61 =	vor.u32 s8, v34;
	[tilespmem:s6+$0x10] =	vst v58  }
0x117: {  	v62 =	vor.u32 s0, v34;
	v63 =	vand.u32 $0x78, v61;
	v32 =	vor.u32 v3, v26;
	[tilespmem:s4+$0x10] =	vst v59;
	v57 =	vld.idx.msk [tilespmem:v57+s13+$0x0], $0xffff  }
0x118: {  	v34 =	vand.u32 $0x78, v62;
	v26 =	vor.u32 v3, v42;
	v61 =	vor.u32 v63, v32;
	v59 =	vld.idx.msk [tilespmem:v60+s13+$0x0], $0xffff  }
0x119: {  	v34 =	vor.u32 v34, v26;
	_ =	sdelay $0x2  }
0x11a: {  	v62 =	vor.u32 s8, v35;
	[tilespmem:s6+$0x20] =	vst v57  }
0x11b: {  	v63 =	vor.u32 s0, v35;
	[tilespmem:s4+$0x20] =	vst v59;
	v57 =	vand.u32 $0x78, v62;
	v42 =	vld.idx.msk [tilespmem:v61+s13+$0x0], $0xffff  }
0x11c: {  	v35 =	vand.u32 $0x78, v63;
	v34 =	vld.idx.msk [tilespmem:v34+s13+$0x0], $0xffff;
	v57 =	vor.u32 v57, v43  }
0x11d: {  	v35 =	vor.u32 v35, v38;
	_ =	sdelay $0x1  }
0x11e: {  	[tilespmem:s26+$0x30] =	vst v53;
	v60 =	vld.idx.msk [tilespmem:v54+s15+$0x0], $0xffff;
	v61 =	vand.u32 $0x78, v56  }
0x11f: {  	v44 =	vand.u32 $0x78, v44;
	v55 =	vld.idx.msk [tilespmem:v55+s15+$0x0], $0xffff;
	v62 =	vor.u32 s8, v29;
	v54 =	vor.u32 v61, v27;
	[tilespmem:s6+$0x30] =	vst v42  }
0x120: {  	v63 =	vor.u32 v44, v25;
	v56 =	vor.u32 s0, v29;
	[tilespmem:s4+$0x30] =	vst v34;
	v42 =	vand.u32 $0x78, v62;
	v58 =	vld.idx.msk [tilespmem:v57+s15+$0x0], $0xffff  }
0x121: {  	v29 =	vand.u32 $0x78, v56;
	v35 =	vld.idx.msk [tilespmem:v35+s15+$0x0], $0xffff;
	v42 =	vor.u32 v42, v41  }
0x122: {  	v29 =	vor.u32 v29, v40  }
0x123: {  	[tilespmem:s24+$0x40] =	vst v60;
	v59 =	vor.u32 s22, v24  }
0x124: {  	[tilespmem:s26+$0x40] =	vst v55;
	v60 =	vor.u32 s20, v24;
	v53 =	vand.u32 $0x78, v59;
	v54 =	vld.idx.msk [tilespmem:v54+s15+$0x0], $0xffff  }
0x125: {  	v55 =	vand.u32 $0x78, v60;
	v53 =	vor.u32 v53, v28;
	v61 =	vor.u32 s8, v24;
	v34 =	vld.idx.msk [tilespmem:v63+s15+$0x0], $0xffff;
	[tilespmem:s6+$0x40] =	vst v58  }
0x126: {  	v55 =	vor.u32 v55, v30;
	v62 =	vor.u32 s0, v24;
	v57 =	vand.u32 $0x78, v61;
	[tilespmem:s4+$0x40] =	vst v35;
	v63 =	vld.idx.msk [tilespmem:v42+s15+$0x0], $0xffff  }
0x127: {  	v24 =	vand.u32 $0x78, v62;
	v29 =	vld.idx.msk [tilespmem:v29+s15+$0x0], $0xffff;
	v42 =	vor.u32 v57, v39  }
0x128: {  	v24 =	vor.u32 v24, v33  }
0x129: {  	[tilespmem:s24+$0x50] =	vst v54;
	v58 =	vor.u32 s22, v22  }
0x12a: {  	v59 =	vor.u32 s20, v22;
	[tilespmem:s26+$0x50] =	vst v34;
	v53 =	vld.idx.msk [tilespmem:v53+s15+$0x0], $0xffff;
	v44 =	vand.u32 $0x78, v58  }
0x12b: {  	v62 =	vor.u32 s8, v22;
	v61 =	vld.idx.msk [tilespmem:v55+s15+$0x0], $0xffff;
	v54 =	vand.u32 $0x78, v59;
	v60 =	vor.u32 v44, v37;
	[tilespmem:s6+$0x50] =	vst v63  }
0x12c: {  	v35 =	vand.u32 $0x78, v62;
	v54 =	vor.u32 v54, v36;
	v63 =	vor.u32 s0, v22;
	[tilespmem:s4+$0x50] =	vst v29;
	v42 =	vld.idx.msk [tilespmem:v42+s15+$0x0], $0xffff  }
0x12d: {  	[tilespmem:s5+$0x400] =	vst v49;
	v55 =	vor.u32 v35, v32;
	v24 =	vld.idx.msk [tilespmem:v24+s15+$0x0], $0xffff;
	v22 =	vand.u32 $0x78, v63  }
0x12e: {  	[tilespmem:s14+$0x450] =	vst v50;
	v22 =	vor.u32 v22, v26  }
0x12f: {  	v19 =	vor.u32 v52, v19;
	v45 =	vld.idx.msk [tilespmem:v45+s19+$0x0], $0xffff;
	v56 =	vor.u32 s22, v21;
	[tilespmem:s24+$0x60] =	vst v53  }
0x130: {  	v57 =	vor.u32 s20, v21;
	v35 =	vand.u32 $0x78, v56;
	[tilespmem:s26+$0x60] =	vst v61;
	v34 =	vld.idx.msk [tilespmem:v60+s15+$0x0], $0xffff  }
0x131: {  	v58 =	vor.u32 s8, v21;
	v35 =	vor.u32 v35, v31;
	v49 =	vand.u32 $0x78, v57;
	v44 =	vld.idx.msk [tilespmem:v54+s15+$0x0], $0xffff;
	[tilespmem:s6+$0x60] =	vst v42  }
0x132: {  	v59 =	vor.u32 s0, v21;
	v49 =	vor.u32 v49, v23;
	v42 =	vand.u32 $0x78, v58;
	[tilespmem:s4+$0x60] =	vst v24;
	v29 =	vld.idx.msk [tilespmem:v55+s15+$0x0], $0xffff  }
0x133: {  	[tilespmem:s18+$0x460] =	vst v47;
	v21 =	vand.u32 $0x78, v59;
	v60 =	vor.u32 v42, v43;
	v22 =	vld.idx.msk [tilespmem:v22+s15+$0x0], $0xffff  }
0x134: {  	[tilespmem:s12+$0x410] =	vst v48;
	v19 =	vld.idx.msk [tilespmem:v19+s19+$0x0], $0xffff;
	v21 =	vor.u32 v21, v38  }
0x135: {  	v62 =	vand.u32 $0x78, v51;
	v61 =	vld.idx.msk [tilespmem:v46+s17+$0x0], $0xffff;
	v63 =	vor.u32 s22, v20;
	[tilespmem:s24+$0x70] =	vst v34  }
0x136: {  	v48 =	vor.u32 s20, v20;
	v46 =	vor.u32 v62, v10;
	[tilespmem:s26+$0x70] =	vst v44;
	v34 =	vand.u32 $0x78, v63;
	v35 =	vld.idx.msk [tilespmem:v35+s17+$0x0], $0xffff  }
0x137: {  	v47 =	vand.u32 $0x78, v48;
	v44 =	vld.idx.msk [tilespmem:v49+s17+$0x0], $0xffff;
	v49 =	vor.u32 s8, v20;
	v34 =	vor.u32 v34, v27;
	[tilespmem:s6+$0x70] =	vst v29  }
0x138: {  	v50 =	vor.u32 s0, v20;
	v47 =	vor.u32 v47, v25;
	v29 =	vand.u32 $0x78, v49;
	[tilespmem:s4+$0x70] =	vst v22;
	v24 =	vld.idx.msk [tilespmem:v60+s17+$0x0], $0xffff  }
0x139: {  	v52 =	vor.u32 s16, v4;
	[tilespmem:s14+$0x460] =	vst v45;
	v20 =	vand.u32 $0x78, v50;
	v29 =	vor.u32 v29, v41;
	v21 =	vld.idx.msk [tilespmem:v21+s17+$0x0], $0xffff  }
0x13a: {  	[tilespmem:s18+$0x470] =	vst v19;
	v51 =	vor.u32 s9, v18;
	v20 =	vor.u32 v20, v40;
	v42 =	vand.u32 $0x78, v52  }
0x13b: {  	v54 =	vor.u32 s22, v18;
	v53 =	vld.idx.msk [tilespmem:v46+s17+$0x0], $0xffff;
	v17 =	vor.u32 v42, v17;
	v22 =	vand.u32 $0x78, v51;
	[tilespmem:s24+$0x400] =	vst v35  }
0x13c: {  	v55 =	vor.u32 s20, v18;
	[tilespmem:s26+$0x400] =	vst v44;
	v35 =	vand.u32 $0x78, v54;
	v22 =	vor.u32 v22, v14;
	v34 =	vld.idx.msk [tilespmem:v34+s17+$0x0], $0xffff  }
0x13d: {  	v56 =	vor.u32 s8, v18;
	v42 =	vand.u32 $0x78, v55;
	v44 =	vld.idx.msk [tilespmem:v47+s17+$0x0], $0xffff;
	v35 =	vor.u32 v35, v28;
	[tilespmem:s6+$0x400] =	vst v24  }
0x13e: {  	v57 =	vor.u32 s0, v18;
	v42 =	vor.u32 v42, v30;
	v24 =	vand.u32 $0x78, v56;
	[tilespmem:s4+$0x400] =	vst v21;
	v29 =	vld.idx.msk [tilespmem:v29+s17+$0x0], $0xffff  }
0x13f: {  	[tilespmem:s5+$0x410] =	vst v61;
	v58 =	vor.u32 s2, v16;
	v18 =	vand.u32 $0x78, v57;
	v59 =	vor.u32 v24, v39;
	v20 =	vld.idx.msk [tilespmem:v20+s17+$0x0], $0xffff  }
0x140: {  	v18 =	vor.u32 v18, v33;
	[tilespmem:s12+$0x420] =	vst v53;
	v60 =	vor.u32 s9, v16;
	v17 =	vld.idx.msk [tilespmem:v17+s19+$0x0], $0xffff;
	v21 =	vand.u32 $0x78, v58  }
0x141: {  	v61 =	vor.u32 s22, v16;
	v22 =	vld.idx.msk [tilespmem:v22+s17+$0x0], $0xffff;
	[tilespmem:s24+$0x410] =	vst v34;
	v21 =	vor.u32 v21, v7;
	v24 =	vand.u32 $0x78, v60  }
0x142: {  	v62 =	vor.u32 s20, v16;
	[tilespmem:s26+$0x410] =	vst v44;
	v34 =	vand.u32 $0x78, v61;
	v35 =	vld.idx.msk [tilespmem:v35+s17+$0x0], $0xffff;
	v24 =	vor.u32 v24, v9  }
0x143: {  	v63 =	vor.u32 s8, v16;
	v44 =	vand.u32 $0x78, v62;
	v42 =	vld.idx.msk [tilespmem:v42+s17+$0x0], $0xffff;
	v34 =	vor.u32 v34, v37;
	[tilespmem:s6+$0x410] =	vst v29  }
0x144: {  	v47 =	vor.u32 s0, v16;
	v44 =	vor.u32 v44, v36;
	v29 =	vand.u32 $0x78, v63;
	[tilespmem:s4+$0x410] =	vst v20;
	v19 =	vld.idx.msk [tilespmem:v59+s17+$0x0], $0xffff  }
0x145: {  	v48 =	vor.u32 s2, v11;
	v16 =	vand.u32 $0x78, v47;
	[tilespmem:s14+$0x470] =	vst v17;
	v49 =	vor.u32 v29, v32;
	v18 =	vld.idx.msk [tilespmem:v18+s17+$0x0], $0xffff  }
0x146: {  	v50 =	vor.u32 s9, v11;
	v16 =	vor.u32 v16, v26;
	[tilespmem:s5+$0x420] =	vst v22;
	v21 =	vld.idx.msk [tilespmem:v21+s17+$0x0], $0xffff;
	v20 =	vand.u32 $0x78, v48  }
0x147: {  	v52 =	vand.u32 $0x78, v50;
	v53 =	vor.u32 s22, v11;
	[tilespmem:s24+$0x420] =	vst v35;
	v12 =	vor.u32 v20, v12;
	v51 =	vld.idx.msk [tilespmem:v24+s17+$0x0], $0xffff  }
0x148: {  	v15 =	vor.u32 v52, v15;
	v55 =	vor.u32 s20, v11;
	[tilespmem:s26+$0x420] =	vst v42;
	v54 =	vld.idx.msk [tilespmem:v34+s17+$0x0], $0xffff;
	v24 =	vand.u32 $0x78, v53  }
0x149: {  	v57 =	vor.u32 s8, v11;
	v56 =	vld.idx.msk [tilespmem:v44+s17+$0x0], $0xffff;
	v29 =	vand.u32 $0x78, v55;
	v24 =	vor.u32 v24, v31;
	[tilespmem:s6+$0x420] =	vst v19  }
0x14a: {  	v59 =	vor.u32 s0, v11;
	v58 =	vor.u32 v29, v23;
	v19 =	vand.u32 $0x78, v57;
	[tilespmem:s4+$0x420] =	vst v18;
	v22 =	vld.idx.msk [tilespmem:v49+s17+$0x0], $0xffff  }
0x14b: {  	v60 =	vor.u32 s2, v6;
	v11 =	vand.u32 $0x78, v59;
	[tilespmem:s12+$0x430] =	vst v21;
	v19 =	vor.u32 v19, v43;
	v16 =	vld.idx.msk [tilespmem:v16+s17+$0x0], $0xffff  }
0x14c: {  	v61 =	vor.u32 s9, v6;
	v11 =	vor.u32 v11, v38;
	v12 =	vld.idx.msk [tilespmem:v12+s19+$0x0], $0xffff;
	v18 =	vand.u32 $0x78, v60;
	[tilespmem:s5+$0x430] =	vst v51  }
0x14d: {  	v62 =	vand.u32 $0x78, v61;
	v63 =	vor.u32 s22, v6;
	[tilespmem:s24+$0x430] =	vst v54;
	v8 =	vor.u32 v18, v8;
	v15 =	vld.idx.msk [tilespmem:v15+s19+$0x0], $0xffff  }
0x14e: {  	v13 =	vor.u32 v62, v13;
	v29 =	vor.u32 s20, v6;
	[tilespmem:s26+$0x430] =	vst v56;
	v20 =	vld.idx.msk [tilespmem:v24+s19+$0x0], $0xffff;
	v18 =	vand.u32 $0x78, v63  }
0x14f: {  	v35 =	vor.u32 s8, v6;
	v17 =	vand.u32 $0x78, v29;
	v34 =	vld.idx.msk [tilespmem:v58+s19+$0x0], $0xffff;
	v18 =	vor.u32 v18, v27;
	[tilespmem:s6+$0x430] =	vst v22  }
0x150: {  	v38 =	vor.u32 s0, v6;
	v17 =	vor.u32 v17, v25;
	v22 =	vand.u32 $0x78, v35;
	[tilespmem:s4+$0x430] =	vst v16;
	v19 =	vld.idx.msk [tilespmem:v19+s19+$0x0], $0xffff  }
0x151: {  	v42 =	vor.u32 s2, v5;
	v6 =	vand.u32 $0x78, v38;
	[tilespmem:s12+$0x440] =	vst v12;
	v43 =	vor.u32 v22, v41;
	v11 =	vld.idx.msk [tilespmem:v11+s19+$0x0], $0xffff  }
0x152: {  	v44 =	vor.u32 s9, v5;
	v6 =	vor.u32 v6, v40;
	v12 =	vand.u32 $0x78, v42;
	v8 =	vld.idx.msk [tilespmem:v8+s19+$0x0], $0xffff;
	[tilespmem:s5+$0x440] =	vst v15  }
0x153: {  	v47 =	vor.u32 s22, v5;
	v46 =	vand.u32 $0x78, v44;
	v45 =	vor.u32 v12, v10;
	[tilespmem:s24+$0x440] =	vst v20;
	v13 =	vld.idx.msk [tilespmem:v13+s19+$0x0], $0xffff  }
0x154: {  	v48 =	vor.u32 s20, v5;
	v12 =	vor.u32 v46, v14;
	v15 =	vand.u32 $0x78, v47;
	[tilespmem:s26+$0x440] =	vst v34;
	v18 =	vld.idx.msk [tilespmem:v18+s19+$0x0], $0xffff  }
0x155: {  	v49 =	vor.u32 s8, v5;
	v14 =	vand.u32 $0x78, v48;
	v15 =	vor.u32 v15, v28;
	v17 =	vld.idx.msk [tilespmem:v17+s19+$0x0], $0xffff;
	[tilespmem:s6+$0x440] =	vst v19  }
0x156: {  	v5 =	vor.u32 s0, v5;
	v14 =	vor.u32 v14, v30;
	v19 =	vand.u32 $0x78, v49;
	[tilespmem:s4+$0x440] =	vst v11;
	v16 =	vld.idx.msk [tilespmem:v43+s19+$0x0], $0xffff  }
0x157: {  	v50 =	vor.u32 s2, v4;
	v5 =	vand.u32 $0x78, v5;
	[tilespmem:s12+$0x450] =	vst v8;
	v51 =	vor.u32 v19, v39;
	v6 =	vld.idx.msk [tilespmem:v6+s19+$0x0], $0xffff  }
0x158: {  	v52 =	vor.u32 s9, v4;
	v5 =	vor.u32 v5, v33;
	v8 =	vand.u32 $0x78, v50;
	v10 =	vld.idx.msk [tilespmem:v45+s19+$0x0], $0xffff;
	[tilespmem:s5+$0x450] =	vst v13  }
0x159: {  	v55 =	vand.u32 $0x78, v52;
	v56 =	vor.u32 s22, v4;
	v53 =	vor.u32 v8, v7;
	[tilespmem:s24+$0x450] =	vst v18;
	v54 =	vld.idx.msk [tilespmem:v12+s19+$0x0], $0xffff  }
0x15a: {  	v59 =	vor.u32 s20, v4;
	v57 =	vor.u32 v55, v9;
	v13 =	vand.u32 $0x78, v56;
	[tilespmem:s26+$0x450] =	vst v17;
	v58 =	vld.idx.msk [tilespmem:v15+s19+$0x0], $0xffff  }
0x15b: {  	v60 =	vor.u32 s8, v4;
	v13 =	vor.u32 v13, v37;
	v14 =	vld.idx.msk [tilespmem:v14+s19+$0x0], $0xffff;
	v15 =	vand.u32 $0x78, v59;
	[tilespmem:s6+$0x450] =	vst v16  }
0x15c: {  	v4 =	vor.u32 s0, v4;
	v15 =	vor.u32 v15, v36;
	v16 =	vand.u32 $0x78, v60;
	[tilespmem:s4+$0x450] =	vst v6;
	v11 =	vld.idx.msk [tilespmem:v51+s19+$0x0], $0xffff  }
0x15d: {  	v4 =	vand.u32 $0x78, v4;
	[tilespmem:s12+$0x460] =	vst v10;
	v61 =	vor.u32 v16, v32;
	v5 =	vld.idx.msk [tilespmem:v5+s19+$0x0], $0xffff  }
0x15e: {  	v4 =	vor.u32 v4, v26;
	v7 =	vld.idx.msk [tilespmem:v53+s19+$0x0], $0xffff;
	[tilespmem:s5+$0x460] =	vst v54  }
0x15f: {  	[tilespmem:s24+$0x460] =	vst v58;
	v8 =	vld.idx.msk [tilespmem:v57+s19+$0x0], $0xffff  }
0x160: {  	[tilespmem:s26+$0x460] =	vst v14;
	v62 =	vld.idx.msk [tilespmem:v13+s19+$0x0], $0xffff  }
0x161: {  	v63 =	vld.idx.msk [tilespmem:v15+s19+$0x0], $0xffff;
	[tilespmem:s6+$0x460] =	vst v11  }
0x162: {  	[tilespmem:s4+$0x460] =	vst v5;
	v6 =	vld.idx.msk [tilespmem:v61+s19+$0x0], $0xffff  }
0x163: {  	[tilespmem:s12+$0x470] =	vst v7;
	v4 =	vld.idx.msk [tilespmem:v4+s19+$0x0], $0xffff  }
0x164: {  	[tilespmem:s5+$0x470] =	vst v8  }
0x165: {  	[tilespmem:s24+$0x470] =	vst v62  }
0x166: {  	[tilespmem:s26+$0x470] =	vst v63  }
0x167: {  	[tilespmem:s6+$0x470] =	vst v6  }
0x168: {  	s29 =	simm.s32 $0x800;
	s30 =	simm.s32 $0x20000;
	[tilespmem:s4+$0x470] =	vst v4  }
0x169: {  	p1 =	seq.s32 @!p0 s7, $0x31;
	s9 =	sshll.u32 s7, $0x10;
	s26 =	rddreg [dreg:$0x3]  }
0x16a: {  	s31 =	simm.s32 $0x16600;
	p1 =	por p0, !p1;
	s0 =	sadd.s32 s9, s26  }
0x16b: {  	[hbm4b:s0+s29] =	stream.strided.scatter [tilespmem:s31], [sflag:$0x3], $0x2000, s30, s29, $0x38;
	[tilespmem:$0x1A600] =	vst v63  }
.Ltmp1:
0x16c: {  	_ = 	snop;
	(pc) =	sbr.rel @!p1 .LBB2_6-.Ltmp1, $4  }
0x16d: {  	s0 =	simm.s32 @!p0 $0x4  }
0x16e: {  	_ =	swait.ge @!p0 [sflag:s0], $0x2000  }
0x16f: {  	[sflag:s0] =	ssyncset.done @!p0 $0x0  }
0x170: {  	[sflag:s0] =	ssyncadd.s32 @!p0 $0xFFFFE000  }
0x171: {  	v4 =	vld [tilespmem:s10+$0x200];
	_ =	sdelay $0x4  }
0x172: {  	v4 =	vshrl.u32 v4, $0x2  }
0x173: {  	[tilespmem:$0x16400] =	vst v4  }
0x174: {  	v4 =	vld [tilespmem:s10+$0x210];
	_ =	sdelay $0x4  }
0x175: {  	v4 =	vshrl.u32 v4, $0x2  }
0x176: {  	[tilespmem:$0x16410] =	vst v4  }
0x177: {  	v4 =	vld [tilespmem:s10+$0x220];
	_ =	sdelay $0x4  }
0x178: {  	v4 =	vshrl.u32 v4, $0x2  }
0x179: {  	[tilespmem:$0x16420] =	vst v4  }
0x17a: {  	v4 =	vld [tilespmem:s10+$0x230];
	_ =	sdelay $0x4  }
0x17b: {  	v4 =	vshrl.u32 v4, $0x2  }
0x17c: {  	s0 =	simm.s32 $0x40;
	s2 =	simm.s32 $0x16400;
	[tilespmem:$0x16430] =	vst v4  }
0x17d: {  	[tilespmem:s13], [sflag:$0x1] =	stream.indirect.gather [hbm4b:s3+s0], $0x80, s2, s0, $0xb8;
	[tilespmem:$0x1A600] =	vst v63  }
0x17e: {  	v4 =	vld [tilespmem:s10+$0x240];
	_ =	sdelay $0x4  }
0x17f: {  	v4 =	vshrl.u32 v4, $0x2  }
0x180: {  	[tilespmem:$0x16440] =	vst v4  }
0x181: {  	v4 =	vld [tilespmem:s10+$0x250];
	_ =	sdelay $0x4  }
0x182: {  	v4 =	vshrl.u32 v4, $0x2  }
0x183: {  	[tilespmem:$0x16450] =	vst v4  }
0x184: {  	v4 =	vld [tilespmem:s10+$0x260];
	_ =	sdelay $0x4  }
0x185: {  	v4 =	vshrl.u32 v4, $0x2  }
0x186: {  	[tilespmem:$0x16460] =	vst v4  }
0x187: {  	v4 =	vld [tilespmem:s10+$0x270];
	_ =	sdelay $0x4  }
0x188: {  	v4 =	vshrl.u32 v4, $0x2  }
0x189: {  	s29 =	simm.s32 $0x16440;
	[tilespmem:$0x16470] =	vst v4  }
0x18a: {  	[tilespmem:s15], [sflag:$0x1] =	stream.indirect.gather [hbm4b:s3+s0], $0x80, s29, s0, $0xb8;
	[tilespmem:$0x1A600] =	vst v63  }
0x18b: {  	v4 =	vld [tilespmem:s10+$0x280];
	_ =	sdelay $0x4  }
0x18c: {  	v4 =	vshrl.u32 v4, $0x2  }
0x18d: {  	[tilespmem:$0x16480] =	vst v4  }
0x18e: {  	v4 =	vld [tilespmem:s10+$0x290];
	_ =	sdelay $0x4  }
0x18f: {  	v4 =	vshrl.u32 v4, $0x2  }
0x190: {  	[tilespmem:$0x16490] =	vst v4  }
0x191: {  	v4 =	vld [tilespmem:s10+$0x2A0];
	_ =	sdelay $0x4  }
0x192: {  	v4 =	vshrl.u32 v4, $0x2  }
0x193: {  	[tilespmem:$0x164A0] =	vst v4  }
0x194: {  	v4 =	vld [tilespmem:s10+$0x2B0];
	_ =	sdelay $0x4  }
0x195: {  	v4 =	vshrl.u32 v4, $0x2  }
0x196: {  	s30 =	simm.s32 $0x16480;
	[tilespmem:$0x164B0] =	vst v4  }
0x197: {  	[tilespmem:s17], [sflag:$0x1] =	stream.indirect.gather [hbm4b:s3+s0], $0x80, s30, s0, $0xb8;
	[tilespmem:$0x1A600] =	vst v63  }
0x198: {  	v4 =	vld [tilespmem:s10+$0x2C0];
	_ =	sdelay $0x4  }
0x199: {  	v4 =	vshrl.u32 v4, $0x2  }
0x19a: {  	[tilespmem:$0x164C0] =	vst v4  }
0x19b: {  	v4 =	vld [tilespmem:s10+$0x2D0];
	_ =	sdelay $0x4  }
0x19c: {  	v4 =	vshrl.u32 v4, $0x2  }
0x19d: {  	[tilespmem:$0x164D0] =	vst v4  }
0x19e: {  	v4 =	vld [tilespmem:s10+$0x2E0];
	_ =	sdelay $0x4  }
0x19f: {  	v4 =	vshrl.u32 v4, $0x2  }
0x1a0: {  	[tilespmem:$0x164E0] =	vst v4  }
0x1a1: {  	v4 =	vld [tilespmem:s10+$0x2F0];
	_ =	sdelay $0x4  }
0x1a2: {  	v4 =	vshrl.u32 v4, $0x2  }
0x1a3: {  	s31 =	simm.s32 $0x164C0;
	[tilespmem:$0x164F0] =	vst v4  }
0x1a4: {  	[tilespmem:s19], [sflag:$0x1] =	stream.indirect.gather [hbm4b:s3+s0], $0x80, s31, s0, $0xb8;
	[tilespmem:$0x1A600] =	vst v63  }
.LBB2_6:
0x1a5: {  	_ =	swait.ge [sflag:s1], $0x2000  }
0x1a6: {  	[sflag:s1] =	ssyncset.done $0x0  }
0x1a7: {  	[sflag:s1] =	ssyncadd.s32 $0xFFFFE000  }
0x1a8: {  	_ =	swait.ge [sflag:s1], $0x2000  }
0x1a9: {  	[sflag:s1] =	ssyncset.done $0x0  }
0x1aa: {  	[sflag:s1] =	ssyncadd.s32 $0xFFFFE000  }
0x1ab: {  	_ =	swait.ge [sflag:s1], $0x2000  }
0x1ac: {  	[sflag:s1] =	ssyncset.done $0x0  }
0x1ad: {  	[sflag:s1] =	ssyncadd.s32 $0xFFFFE000  }
0x1ae: {  	_ =	swait.ge [sflag:s1], $0x2000  }
0x1af: {  	[sflag:s1] =	ssyncset.done $0x0  }
0x1b0: {  	[sflag:s1] =	ssyncadd.s32 $0xFFFFE000  }
0x1b1: {  	v4 =	vld [tilespmem:s10+$0x100];
	_ =	sdelay $0x1  }
0x1b2: {  	v5 =	vld [tilespmem:s10+$0x110]  }
0x1b3: {  	v6 =	vld [tilespmem:s10+$0x120]  }
0x1b4: {  	s6 =	simm.s32 $0x1;
	v7 =	vld [tilespmem:s10+$0x130]  }
0x1b5: {  	v9 =	vmov s6;
	v8 =	vld [tilespmem:s10+$0x140];
	v26 =	vshll.u32 v4, $0x5  }
0x1b6: {  	v9 =	vand.u32 $0x7, v9;
	v10 =	vld [tilespmem:s10+$0x160];
	v11 =	vor.u32 s6, v26  }
0x1b7: {  	v28 =	vor.u32 v0, v9;
	v12 =	vld [tilespmem:s10+$0x170];
	v11 =	vand.u32 $0x78, v11  }
0x1b8: {  	s16 =	simm.s32 $0x0;
	v13 =	vld [tilespmem:s10+$0x180];
	v11 =	vor.u32 v11, v28  }
0x1b9: {  	v15 =	vmov s16;
	v14 =	vld [tilespmem:s10+$0x190]  }
0x1ba: {  	v15 =	vand.u32 $0x6, v15;
	v16 =	vld [tilespmem:s10+$0x1A0];
	v17 =	vor.u32 s16, v26  }
0x1bb: {  	v37 =	vor.u32 v0, v15;
	v23 =	vld [tilespmem:s10+$0x1C0];
	v33 =	vshll.u32 v5, $0x5;
	v17 =	vand.u32 $0x78, v17  }
0x1bc: {  	v25 =	vld [tilespmem:s10+$0x1D0];
	v18 =	vor.u32 s6, v33;
	v17 =	vor.u32 v17, v37  }
0x1bd: {  	v36 =	vor.u32 v1, v9;
	v18 =	vand.u32 $0x78, v18;
	v11 =	vld.idx.msk [tilespmem:v11+s21+$0x0], $0xffff  }
0x1be: {  	v27 =	vld [tilespmem:s10+$0x1E0];
	v18 =	vor.u32 v18, v36  }
0x1bf: {  	s0 =	simm.s32 $0x80;
	s2 =	sand.u32 $0x1800, s16;
	v30 =	vld [tilespmem:s10+$0x1F0]  }
0x1c0: {  	s0 =	sand.u32 $0x380, s0;
	s2 =	sor.u32 $0x16600, s2;
	v4 =	vld [tilespmem:s10+$0x150];
	v19 =	vor.u32 s16, v33  }
0x1c1: {  	v40 =	vor.u32 v1, v15;
	s18 =	sadd.s32 s0, s2;
	v32 =	vshll.u32 v6, $0x5;
	v6 =	vld.idx.msk [tilespmem:v17+s21+$0x0], $0xffff;
	v17 =	vand.u32 $0x78, v19  }
0x1c2: {  	v5 =	vld [tilespmem:s10+$0x1B0];
	v17 =	vor.u32 v17, v40;
	[tilespmem:s18+$0x2000] =	vst v11;
	v11 =	vor.u32 s6, v32  }
0x1c3: {  	s24 =	simm.s32 $0x0;
	v38 =	vor.u32 v2, v9;
	v18 =	vld.idx.msk [tilespmem:v18+s21+$0x0], $0xffff;
	v11 =	vand.u32 $0x78, v11  }
0x1c4: {  	s0 =	sand.u32 $0x300, s24;
	v11 =	vor.u32 v11, v38  }
0x1c5: {  	s14 =	sadd.s32 s0, s2  }
0x1c6: {  	v19 =	vor.u32 s16, v32;
	[tilespmem:s14+$0x2000] =	vst v6  }
0x1c7: {  	v39 =	vor.u32 v2, v15;
	v34 =	vshll.u32 v7, $0x5;
	v7 =	vand.u32 $0x78, v19;
	v6 =	vld.idx.msk [tilespmem:v17+s21+$0x0], $0xffff  }
0x1c8: {  	v7 =	vor.u32 v7, v39;
	v17 =	vor.u32 s6, v34;
	[tilespmem:s18+$0x2010] =	vst v18  }
0x1c9: {  	v19 =	vor.u32 v3, v9;
	v17 =	vand.u32 $0x78, v17;
	v11 =	vld.idx.msk [tilespmem:v11+s21+$0x0], $0xffff  }
0x1ca: {  	v9 =	vor.u32 v17, v19;
	_ =	sdelay $0x1  }
0x1cb: {  	v17 =	vor.u32 s16, v34;
	[tilespmem:s14+$0x2010] =	vst v6  }
0x1cc: {  	v35 =	vshll.u32 v8, $0x5;
	v6 =	vld.idx.msk [tilespmem:v7+s21+$0x0], $0xffff;
	v7 =	vand.u32 $0x78, v17;
	v17 =	vor.u32 v3, v15  }
0x1cd: {  	v8 =	vor.u32 s6, v35;
	v7 =	vor.u32 v7, v17;
	[tilespmem:s18+$0x2020] =	vst v11  }
0x1ce: {  	v8 =	vand.u32 $0x78, v8;
	v9 =	vld.idx.msk [tilespmem:v9+s21+$0x0], $0xffff  }
0x1cf: {  	v8 =	vor.u32 v8, v28  }
0x1d0: {  	v24 =	vshll.u32 v10, $0x5;
	v22 =	vshll.u32 v12, $0x5  }
0x1d1: {  	s2 =	simm.s32 $0x3;
	v21 =	vshll.u32 v13, $0x5;
	v29 =	vshll.u32 v4, $0x5;
	v4 =	vor.u32 s16, v35;
	[tilespmem:s14+$0x2020] =	vst v6  }
0x1d2: {  	v20 =	vshll.u32 v14, $0x5;
	v10 =	vmov s2;
	v4 =	vand.u32 $0x78, v4;
	v7 =	vld.idx.msk [tilespmem:v7+s21+$0x0], $0xffff  }
0x1d3: {  	v31 =	vand.u32 $0x7, v10;
	v4 =	vor.u32 v4, v37;
	[tilespmem:s18+$0x2030] =	vst v9;
	v9 =	vor.u32 s6, v29  }
0x1d4: {  	s10 =	simm.s32 $0x2;
	v12 =	vor.u32 v0, v31;
	v11 =	vor.u32 s2, v26;
	v8 =	vld.idx.msk [tilespmem:v8+s23+$0x0], $0xffff;
	v9 =	vand.u32 $0x78, v9  }
0x1d5: {  	v6 =	vmov s10;
	v10 =	vand.u32 $0x78, v11;
	v9 =	vor.u32 v9, v36  }
0x1d6: {  	v11 =	vor.u32 s10, v26;
	v41 =	vand.u32 $0x6, v6;
	v6 =	vor.u32 v10, v12  }
0x1d7: {  	v10 =	vor.u32 s16, v29;
	v11 =	vand.u32 $0x78, v11;
	v15 =	vor.u32 v0, v41;
	[tilespmem:s14+$0x2030] =	vst v7  }
0x1d8: {  	v18 =	vshll.u32 v16, $0x5;
	v10 =	vand.u32 $0x78, v10;
	v7 =	vor.u32 v11, v15;
	v4 =	vld.idx.msk [tilespmem:v4+s23+$0x0], $0xffff  }
0x1d9: {  	v16 =	vshll.u32 v5, $0x5;
	v5 =	vor.u32 s6, v24;
	v10 =	vor.u32 v10, v40;
	[tilespmem:s18+$0x2040] =	vst v8  }
0x1da: {  	v5 =	vand.u32 $0x78, v5;
	v11 =	vshll.u32 v23, $0x5;
	v8 =	vor.u32 s2, v33;
	v9 =	vld.idx.msk [tilespmem:v9+s23+$0x0], $0xffff  }
0x1db: {  	v23 =	vor.u32 v5, v38;
	v14 =	vld.idx.msk [tilespmem:v6+s21+$0x0], $0xffff;
	v13 =	vand.u32 $0x78, v8;
	v8 =	vor.u32 v1, v31  }
0x1dc: {  	s26 =	simm.s32 $0x200;
	v5 =	vor.u32 s10, v33;
	v6 =	vshll.u32 v25, $0x5;
	v25 =	vor.u32 v13, v8  }
0x1dd: {  	s4 =	simm.s32 $0x180;
	s0 =	sand.u32 $0x1800, s26;
	v42 =	vor.u32 s16, v24;
	v7 =	vld.idx.msk [tilespmem:v7+s21+$0x0], $0xffff;
	[tilespmem:s14+$0x2040] =	vst v4;
	v4 =	vand.u32 $0x78, v5;
	v13 =	vor.u32 v1, v41  }
0x1de: {  	s4 =	sand.u32 $0x380, s4;
	s0 =	sor.u32 $0x16600, s0;
	v5 =	vshll.u32 v27, $0x5;
	v27 =	vld.idx.msk [tilespmem:v10+s23+$0x0], $0xffff;
	v43 =	vor.u32 v4, v13;
	v4 =	vand.u32 $0x78, v42  }
0x1df: {  	s5 =	simm.s32 $0x100;
	s22 =	simm.s32 $0x5;
	s12 =	sadd.s32 s4, s0;
	v10 =	vor.u32 s2, v32;
	v42 =	vor.u32 v4, v39;
	v4 =	vor.u32 s6, v22;
	[tilespmem:s18+$0x2050] =	vst v9  }
0x1e0: {  	s29 =	sand.u32 $0x300, s5;
	v51 =	vmov s22;
	[tilespmem:s12+$0x2000] =	vst v14;
	v45 =	vand.u32 $0x78, v10;
	v4 =	vand.u32 $0x78, v4;
	v23 =	vld.idx.msk [tilespmem:v23+s23+$0x0], $0xffff  }
0x1e1: {  	s5 =	sadd.s32 s29, s0;
	v10 =	vor.u32 v2, v31;
	v9 =	vor.u32 s10, v32;
	v46 =	vor.u32 v4, v19;
	v25 =	vld.idx.msk [tilespmem:v25+s21+$0x0], $0xffff  }
0x1e2: {  	v51 =	vand.u32 $0x7, v51;
	[tilespmem:s5+$0x2000] =	vst v7;
	v7 =	vand.u32 $0x78, v9;
	v9 =	vor.u32 v45, v10  }
0x1e3: {  	v44 =	vor.u32 s16, v22;
	v14 =	vor.u32 v2, v41;
	v4 =	vshll.u32 v30, $0x5;
	[tilespmem:s14+$0x2050] =	vst v27;
	v30 =	vld.idx.msk [tilespmem:v43+s21+$0x0], $0xffff  }
0x1e4: {  	v63 =	vor.u32 s16, v20;
	v27 =	vor.u32 v7, v14;
	v7 =	vand.u32 $0x78, v44;
	v42 =	vld.idx.msk [tilespmem:v42+s23+$0x0], $0xffff  }
0x1e5: {  	v52 =	vor.u32 s16, v21;
	v62 =	vor.u32 v7, v17;
	v7 =	vor.u32 s6, v21;
	[tilespmem:s18+$0x2060] =	vst v23  }
0x1e6: {  	v47 =	vor.u32 s2, v34;
	v60 =	vor.u32 s10, v35;
	v53 =	vand.u32 $0x78, v7;
	[tilespmem:s12+$0x2010] =	vst v25;
	v25 =	vld.idx.msk [tilespmem:v46+s23+$0x0], $0xffff  }
0x1e7: {  	v47 =	vand.u32 $0x78, v47;
	v7 =	vor.u32 v3, v31;
	v31 =	vld.idx.msk [tilespmem:v9+s21+$0x0], $0xffff;
	v46 =	vor.u32 v53, v28  }
0x1e8: {  	v61 =	vor.u32 s6, v20;
	v23 =	vor.u32 s10, v34;
	[tilespmem:s5+$0x2010] =	vst v30;
	v30 =	vor.u32 v47, v7  }
0x1e9: {  	v49 =	vor.u32 s2, v35;
	v23 =	vand.u32 $0x78, v23;
	v9 =	vor.u32 v3, v41;
	v27 =	vld.idx.msk [tilespmem:v27+s21+$0x0], $0xffff;
	[tilespmem:s14+$0x2060] =	vst v42  }
0x1ea: {  	v56 =	vor.u32 s22, v26;
	v54 =	vor.u32 v23, v9;
	v23 =	vand.u32 $0x78, v52;
	v43 =	vld.idx.msk [tilespmem:v62+s23+$0x0], $0xffff  }
0x1eb: {  	v49 =	vand.u32 $0x78, v49;
	v58 =	vand.u32 $0x78, v56;
	v48 =	vor.u32 v23, v37;
	[tilespmem:s18+$0x2070] =	vst v25  }
0x1ec: {  	v49 =	vor.u32 v49, v12;
	v55 =	vor.u32 s10, v29;
	v42 =	vand.u32 $0x78, v61;
	[tilespmem:s12+$0x2020] =	vst v31;
	v31 =	vld.idx.msk [tilespmem:v46+s25+$0x0], $0xffff  }
0x1ed: {  	v57 =	vor.u32 s2, v29;
	v59 =	vor.u32 s16, v18;
	v42 =	vor.u32 v42, v36;
	v30 =	vld.idx.msk [tilespmem:v30+s21+$0x0], $0xffff  }
0x1ee: {  	s20 =	simm.s32 $0x4;
	v56 =	vor.u32 s16, v16;
	v45 =	vand.u32 $0x78, v55;
	v44 =	vand.u32 $0x78, v63;
	[tilespmem:s5+$0x2020] =	vst v27  }
0x1ef: {  	v44 =	vor.u32 v44, v40;
	v62 =	vand.u32 $0x78, v60;
	v25 =	vmov s20;
	v47 =	vld.idx.msk [tilespmem:v54+s21+$0x0], $0xffff;
	[tilespmem:s14+$0x2070] =	vst v43  }
0x1f0: {  	v23 =	vor.u32 s20, v26;
	v41 =	vand.u32 $0x6, v25;
	v25 =	vor.u32 v62, v15;
	v48 =	vld.idx.msk [tilespmem:v48+s25+$0x0], $0xffff  }
0x1f1: {  	v50 =	vand.u32 $0x78, v23;
	v27 =	vor.u32 s6, v18;
	v23 =	vor.u32 v0, v41;
	[tilespmem:s18+$0x2400] =	vst v31  }
0x1f2: {  	v45 =	vor.u32 v45, v13;
	v27 =	vand.u32 $0x78, v27;
	v63 =	vor.u32 v50, v23;
	[tilespmem:s12+$0x2030] =	vst v30;
	v30 =	vld.idx.msk [tilespmem:v42+s25+$0x0], $0xffff  }
0x1f3: {  	v53 =	vor.u32 s6, v16;
	v43 =	vand.u32 $0x78, v57;
	v27 =	vor.u32 v27, v38;
	v49 =	vld.idx.msk [tilespmem:v49+s23+$0x0], $0xffff  }
0x1f4: {  	v61 =	vor.u32 s2, v24;
	v43 =	vor.u32 v43, v8;
	v31 =	vor.u32 v0, v51;
	[tilespmem:s5+$0x2030] =	vst v47  }
0x1f5: {  	v53 =	vand.u32 $0x78, v53;
	v60 =	vor.u32 s10, v24;
	v52 =	vor.u32 v58, v31;
	v54 =	vld.idx.msk [tilespmem:v25+s23+$0x0], $0xffff;
	[tilespmem:s14+$0x2400] =	vst v48  }
0x1f6: {  	v57 =	vor.u32 s6, v11;
	v50 =	vand.u32 $0x78, v59;
	v25 =	vor.u32 s20, v33;
	v44 =	vld.idx.msk [tilespmem:v44+s25+$0x0], $0xffff  }
0x1f7: {  	v50 =	vor.u32 v50, v39;
	v46 =	vld.idx.msk [tilespmem:v63+s21+$0x0], $0xffff;
	v55 =	vand.u32 $0x78, v25;
	v25 =	vor.u32 v1, v41;
	[tilespmem:s18+$0x2410] =	vst v30  }
0x1f8: {  	s4 =	simm.s32 $0x400;
	v53 =	vor.u32 v53, v19;
	v57 =	vand.u32 $0x78, v57;
	v55 =	vor.u32 v55, v25;
	[tilespmem:s12+$0x2040] =	vst v49;
	v62 =	vld.idx.msk [tilespmem:v27+s25+$0x0], $0xffff  }
0x1f9: {  	s8 =	simm.s32 $0x200;
	s31 =	sand.u32 $0x1800, s4;
	v57 =	vor.u32 v57, v28;
	v48 =	vand.u32 $0x78, v61;
	v30 =	vor.u32 s22, v33;
	v43 =	vld.idx.msk [tilespmem:v43+s23+$0x0], $0xffff  }
0x1fa: {  	s8 =	sand.u32 $0x300, s8;
	s0 =	sor.u32 $0x16600, s31;
	v48 =	vor.u32 v48, v10;
	v52 =	vld.idx.msk [tilespmem:v52+s21+$0x0], $0xffff;
	v30 =	vand.u32 $0x78, v30;
	v27 =	vor.u32 v1, v51;
	[tilespmem:s5+$0x2040] =	vst v54  }
0x1fb: {  	s26 =	sadd.s32 s8, s0;
	v59 =	vor.u32 s16, v11;
	v28 =	vor.u32 v2, v51;
	v30 =	vor.u32 v30, v27;
	[tilespmem:s14+$0x2410] =	vst v44;
	v44 =	vld.idx.msk [tilespmem:v45+s23+$0x0], $0xffff  }
0x1fc: {  	s30 =	simm.s32 $0x280;
	v42 =	vor.u32 s16, v5;
	v47 =	vand.u32 $0x78, v60;
	v58 =	vor.u32 s2, v22;
	[tilespmem:s26+$0x2000] =	vst v46;
	v50 =	vld.idx.msk [tilespmem:v50+s25+$0x0], $0xffff  }
0x1fd: {  	s11 =	sand.u32 $0x380, s30;
	v47 =	vor.u32 v47, v14;
	v63 =	vand.u32 $0x78, v56;
	v56 =	vor.u32 s16, v6;
	v55 =	vld.idx.msk [tilespmem:v55+s21+$0x0], $0xffff;
	[tilespmem:s18+$0x2420] =	vst v62  }
0x1fe: {  	s24 =	sadd.s32 s11, s0;
	v61 =	vor.u32 s22, v32;
	v49 =	vor.u32 s20, v32;
	v54 =	vor.u32 v63, v17;
	[tilespmem:s12+$0x2050] =	vst v43;
	v60 =	vld.idx.msk [tilespmem:v53+s25+$0x0], $0xffff  }
0x1ff: {  	v58 =	vand.u32 $0x78, v58;
	v49 =	vand.u32 $0x78, v49;
	v45 =	vor.u32 s10, v22;
	[tilespmem:s24+$0x2000] =	vst v52;
	v48 =	vld.idx.msk [tilespmem:v48+s23+$0x0], $0xffff  }
0x200: {  	v45 =	vand.u32 $0x78, v45;
	v62 =	vand.u32 $0x78, v61;
	v53 =	vor.u32 v58, v7;
	v63 =	vld.idx.msk [tilespmem:v30+s21+$0x0], $0xffff  }
0x201: {  	v45 =	vor.u32 v45, v9;
	v30 =	vor.u32 v2, v41;
	v52 =	vor.u32 v62, v28;
	[tilespmem:s5+$0x2050] =	vst v44  }
0x202: {  	v43 =	vor.u32 s10, v21;
	v61 =	vor.u32 s20, v34;
	v44 =	vor.u32 v49, v30;
	v47 =	vld.idx.msk [tilespmem:v47+s23+$0x0], $0xffff;
	[tilespmem:s14+$0x2420] =	vst v50  }
0x203: {  	v62 =	vor.u32 s2, v21;
	v49 =	vand.u32 $0x78, v59;
	v54 =	vld.idx.msk [tilespmem:v54+s25+$0x0], $0xffff;
	[tilespmem:s18+$0x2430] =	vst v60;
	v60 =	vor.u32 s6, v6  }
0x204: {  	v61 =	vand.u32 $0x78, v61;
	v49 =	vor.u32 v49, v37;
	[tilespmem:s12+$0x2060] =	vst v48;
	v48 =	vld.idx.msk [tilespmem:v57+s28+$0x0], $0xffff;
	v37 =	vand.u32 $0x78, v60  }
0x205: {  	v58 =	vand.u32 $0x78, v62;
	[tilespmem:s24+$0x2010] =	vst v63;
	v63 =	vor.u32 s22, v34;
	v46 =	vld.idx.msk [tilespmem:v53+s23+$0x0], $0xffff;
	v53 =	vor.u32 v37, v36  }
0x206: {  	[tilespmem:s26+$0x2010] =	vst v55;
	v52 =	vld.idx.msk [tilespmem:v52+s21+$0x0], $0xffff;
	v60 =	vand.u32 $0x78, v63;
	v37 =	vor.u32 v3, v51;
	v51 =	vor.u32 v58, v12  }
0x207: {  	v43 =	vand.u32 $0x78, v43;
	[tilespmem:s5+$0x2060] =	vst v47;
	v58 =	vld.idx.msk [tilespmem:v44+s21+$0x0], $0xffff;
	v36 =	vor.u32 v3, v41;
	v62 =	vor.u32 v60, v37  }
0x208: {  	s0 =	simm.s32 $0x6;
	v50 =	vor.u32 s10, v20;
	v59 =	vand.u32 $0x78, v56;
	v45 =	vld.idx.msk [tilespmem:v45+s23+$0x0], $0xffff;
	[tilespmem:s14+$0x2430] =	vst v54;
	v63 =	vor.u32 v61, v36  }
0x209: {  	v43 =	vor.u32 v43, v15;
	v40 =	vor.u32 v59, v40;
	v57 =	vmov s0;
	v55 =	vld.idx.msk [tilespmem:v49+s28+$0x0], $0xffff;
	[tilespmem:s18+$0x2440] =	vst v48  }
0x20a: {  	v59 =	vand.u32 $0x78, v42;
	v44 =	vor.u32 s20, v29;
	v60 =	vor.u32 s6, v5;
	[tilespmem:s12+$0x2070] =	vst v46;
	v56 =	vld.idx.msk [tilespmem:v53+s28+$0x0], $0xffff  }
0x20b: {  	v42 =	vand.u32 $0x6, v57;
	v61 =	vor.u32 s2, v20;
	[tilespmem:s24+$0x2020] =	vst v52;
	v46 =	vand.u32 $0x78, v60;
	v51 =	vld.idx.msk [tilespmem:v51+s25+$0x0], $0xffff  }
0x20c: {  	v52 =	vand.u32 $0x78, v61;
	[tilespmem:s26+$0x2020] =	vst v58;
	v58 =	vor.u32 v46, v38;
	v41 =	vld.idx.msk [tilespmem:v62+s21+$0x0], $0xffff;
	v62 =	vor.u32 s22, v35  }
0x20d: {  	v49 =	vor.u32 s20, v35;
	v52 =	vor.u32 v52, v8;
	v53 =	vld.idx.msk [tilespmem:v63+s21+$0x0], $0xffff;
	v63 =	vand.u32 $0x78, v62  }
0x20e: {  	v48 =	vor.u32 s0, v26;
	v60 =	vand.u32 $0x78, v49;
	[tilespmem:s5+$0x2070] =	vst v45;
	v54 =	vor.u32 v63, v31  }
0x20f: {  	v61 =	vand.u32 $0x78, v50;
	v38 =	vor.u32 v0, v42;
	v49 =	vld.idx.msk [tilespmem:v43+s25+$0x0], $0xffff;
	[tilespmem:s14+$0x2440] =	vst v55;
	v55 =	vor.u32 v60, v23  }
0x210: {  	s8 =	simm.s32 $0x7;
	v46 =	vor.u32 v61, v13;
	v45 =	vor.u32 v59, v39;
	v62 =	vand.u32 $0x78, v48;
	v50 =	vld.idx.msk [tilespmem:v40+s28+$0x0], $0xffff;
	[tilespmem:s18+$0x2450] =	vst v56  }
0x211: {  	v40 =	vor.u32 s8, v26;
	v39 =	vor.u32 v62, v38;
	v63 =	vor.u32 s6, v4;
	[tilespmem:s12+$0x2400] =	vst v51;
	v47 =	vld.idx.msk [tilespmem:v58+s28+$0x0], $0xffff  }
0x212: {  	s6 =	simm.s32 $0x8;
	v51 =	vor.u32 s2, v18;
	v56 =	vor.u32 s22, v29;
	[tilespmem:s24+$0x2030] =	vst v41;
	v48 =	vld.idx.msk [tilespmem:v52+s25+$0x0], $0xffff;
	v52 =	vand.u32 $0x78, v63  }
.LBB2_7:
0x213: {  	p0 =	slt.u32 s6, $0x1E;
	v41 =	vmov s8;
	[tilespmem:s26+$0x2030] =	vst v53;
	v43 =	vld.idx.msk [tilespmem:v54+s23+$0x0], $0xffff;
	v51 =	vand.u32 $0x78, v51;
	v52 =	vor.u32 v52, v19;
	v19 =	vmovc v7;
	v7 =	vmovc v37  }
0x214: {  	v53 =	vand.u32 $0x78, v56;
	v37 =	vand.u32 $0x7, v41;
	v41 =	vld.idx.msk [tilespmem:v55+s23+$0x0], $0xffff;
	[tilespmem:s5+$0x2400] =	vst v49;
	v49 =	vor.u32 v51, v10  }
0x215: {  	v40 =	vand.u32 $0x78, v40;
	v53 =	vor.u32 v53, v27;
	v51 =	vor.u32 v0, v37;
	v46 =	vld.idx.msk [tilespmem:v46+s25+$0x0], $0xffff;
	[tilespmem:s14+$0x2450] =	vst v50  }
0x216: {  	v44 =	vand.u32 $0x78, v44;
	v50 =	vor.u32 s10, v18;
	v40 =	vor.u32 v40, v51;
	v45 =	vld.idx.msk [tilespmem:v45+s28+$0x0], $0xffff  }
0x217: {  	v44 =	vor.u32 v44, v25;
	v54 =	vld.idx.msk [tilespmem:v39+s21+$0x0], $0xffff;
	v39 =	vand.u32 $0x78, v50;
	v50 =	vor.u32 s16, v4;
	[tilespmem:s18+$0x2460] =	vst v47;
	s16 =	smov.u32 s10;
	s10 =	smov.u32 s20;
	s20 =	smov.u32 s0  }
0x218: {  	s0 =	smov.u32 s6;
	v47 =	vor.u32 v39, v14;
	v39 =	vor.u32 s16, v5;
	[tilespmem:s12+$0x2410] =	vst v48;
	v48 =	vand.u32 $0x78, v50;
	v50 =	vld.idx.msk [tilespmem:v52+s28+$0x0], $0xffff  }
0x219: {  	v52 =	vor.u32 s10, v24;
	[tilespmem:s24+$0x2040] =	vst v43;
	v43 =	vld.idx.msk [tilespmem:v49+s25+$0x0], $0xffff;
	v49 =	vor.u32 s2, v16;
	v48 =	vor.u32 v48, v17;
	v17 =	vmovc v9  }
0x21a: {  	v55 =	vor.u32 s20, v33;
	v9 =	vmovc v36;
	[tilespmem:s26+$0x2040] =	vst v41;
	v41 =	vld.idx.msk [tilespmem:v53+s23+$0x0], $0xffff;
	v53 =	vor.u32 s22, v24;
	v49 =	vand.u32 $0x78, v49  }
0x21b: {  	v36 =	vld.idx.msk [tilespmem:v40+s21+$0x0], $0xffff;
	v40 =	vor.u32 s8, v33;
	v53 =	vand.u32 $0x78, v53;
	[tilespmem:s5+$0x2410] =	vst v46;
	v46 =	vor.u32 v49, v19  }
0x21c: {  	v49 =	vor.u32 v1, v37;
	v40 =	vand.u32 $0x78, v40;
	v44 =	vld.idx.msk [tilespmem:v44+s23+$0x0], $0xffff;
	v53 =	vor.u32 v53, v28;
	[tilespmem:s14+$0x2460] =	vst v45  }
0x21d: {  	s4 =	sadd.s32 $0x200, s4;
	v45 =	vand.u32 $0x78, v55;
	v55 =	vor.u32 v1, v42;
	v40 =	vor.u32 v40, v49;
	v47 =	vld.idx.msk [tilespmem:v47+s25+$0x0], $0xffff  }
0x21e: {  	s30 =	sadd.s32 $0x100, s30;
	s11 =	sand.u32 $0x1800, s4;
	v56 =	vor.u32 s16, v16;
	v52 =	vand.u32 $0x78, v52;
	v45 =	vor.u32 v45, v55;
	v48 =	vld.idx.msk [tilespmem:v48+s28+$0x0], $0xffff;
	[tilespmem:s18+$0x2470] =	vst v50;
	s18 =	smov.u32 s12  }
0x21f: {  	s29 =	sand.u32 $0x380, s30;
	s11 =	sor.u32 $0x16600, s11;
	s12 =	sadd.s32 $0xFFFFFF80, s30;
	v50 =	vor.u32 v52, v30;
	v52 =	vand.u32 $0x78, v56;
	v56 =	vor.u32 s16, v6;
	[tilespmem:s18+$0x2420] =	vst v43  }
0x220: {  	s31 =	sand.u32 $0x300, s12;
	v43 =	vor.u32 s10, v22;
	s12 =	smov.u32 s24;
	[tilespmem:s24+$0x2050] =	vst v41;
	v41 =	vor.u32 v52, v17;
	v46 =	vld.idx.msk [tilespmem:v46+s25+$0x0], $0xffff;
	v52 =	vor.u32 s2, v11;
	s24 =	sadd.s32 s29, s11  }
0x221: {  	v57 =	vor.u32 s20, v32;
	s11 =	sadd.s32 s31, s11;
	[tilespmem:s24+$0x2000] =	vst v36;
	v36 =	vld.idx.msk [tilespmem:v53+s23+$0x0], $0xffff;
	v53 =	vor.u32 s22, v22;
	v52 =	vand.u32 $0x78, v52  }
0x222: {  	[tilespmem:s11+$0x2000] =	vst v54;
	v40 =	vld.idx.msk [tilespmem:v40+s21+$0x0], $0xffff;
	v54 =	vor.u32 s8, v32;
	v53 =	vand.u32 $0x78, v53;
	v52 =	vor.u32 v52, v12;
	v12 =	vmovc v31  }
0x223: {  	v45 =	vld.idx.msk [tilespmem:v45+s21+$0x0], $0xffff;
	v59 =	vand.u32 $0x78, v54;
	v54 =	vor.u32 v2, v37;
	[tilespmem:s26+$0x2050] =	vst v44;
	v44 =	vor.u32 v53, v7  }
0x224: {  	v53 =	vand.u32 $0x78, v57;
	v57 =	vor.u32 v2, v42;
	v58 =	vor.u32 v59, v54;
	v50 =	vld.idx.msk [tilespmem:v50+s23+$0x0], $0xffff;
	[tilespmem:s5+$0x2420] =	vst v47  }
0x225: {  	v43 =	vand.u32 $0x78, v43;
	v31 =	vmovc v51;
	v47 =	vor.u32 v53, v57;
	v53 =	vor.u32 s16, v11;
	v41 =	vld.idx.msk [tilespmem:v41+s25+$0x0], $0xffff;
	[tilespmem:s14+$0x2470] =	vst v48;
	s14 =	smov.u32 s5;
	s5 =	smov.u32 s26;
	s26 =	smov.u32 s11  }
0x226: {  	v43 =	vor.u32 v43, v9;
	v48 =	vor.u32 s10, v20;
	v51 =	vand.u32 $0x78, v53;
	[tilespmem:s18+$0x2430] =	vst v46  }
0x227: {  	v46 =	vor.u32 s10, v21;
	v51 =	vor.u32 v51, v15;
	v15 =	vmovc v23;
	[tilespmem:s12+$0x2060] =	vst v36;
	v52 =	vld.idx.msk [tilespmem:v52+s28+$0x0], $0xffff;
	v36 =	vor.u32 s2, v6  }
0x228: {  	v53 =	vor.u32 s20, v34;
	v23 =	vmovc v38;
	[tilespmem:s24+$0x2010] =	vst v40;
	v40 =	vld.idx.msk [tilespmem:v44+s23+$0x0], $0xffff;
	v44 =	vor.u32 s22, v21;
	v36 =	vand.u32 $0x78, v36  }
0x229: {  	[tilespmem:s26+$0x2010] =	vst v45;
	v38 =	vld.idx.msk [tilespmem:v58+s21+$0x0], $0xffff;
	v45 =	vor.u32 s8, v34;
	v44 =	vand.u32 $0x78, v44;
	v58 =	vor.u32 v36, v8;
	v8 =	vmovc v27  }
0x22a: {  	v37 =	vor.u32 v3, v37;
	v47 =	vld.idx.msk [tilespmem:v47+s21+$0x0], $0xffff;
	v59 =	vand.u32 $0x78, v45;
	[tilespmem:s5+$0x2060] =	vst v50;
	v45 =	vor.u32 v44, v12  }
0x22b: {  	v36 =	vor.u32 v3, v42;
	v44 =	vand.u32 $0x78, v53;
	v42 =	vor.u32 v59, v37;
	v43 =	vld.idx.msk [tilespmem:v43+s23+$0x0], $0xffff;
	[tilespmem:s14+$0x2430] =	vst v41  }
0x22c: {  	v46 =	vand.u32 $0x78, v46;
	v27 =	vmovc v49;
	v41 =	vor.u32 v44, v36;
	v44 =	vor.u32 s20, v29;
	v50 =	vld.idx.msk [tilespmem:v51+s28+$0x0], $0xffff  }
0x22d: {  	v46 =	vor.u32 v46, v15;
	v49 =	vor.u32 s20, v35;
	v51 =	vand.u32 $0x78, v56;
	[tilespmem:s18+$0x2440] =	vst v52  }
0x22e: {  	v53 =	vor.u32 s2, v5;
	v52 =	vor.u32 s6, v26;
	[tilespmem:s12+$0x2070] =	vst v40;
	v40 =	vor.u32 v51, v13;
	v51 =	vld.idx.msk [tilespmem:v58+s28+$0x0], $0xffff;
	v13 =	vmovc v25  }
0x22f: {  	v56 =	vmov s6;
	v25 =	vmovc v55;
	[tilespmem:s24+$0x2020] =	vst v38;
	v58 =	vld.idx.msk [tilespmem:v45+s25+$0x0], $0xffff;
	v38 =	vor.u32 s22, v20;
	v45 =	vand.u32 $0x78, v53  }
0x230: {  	[tilespmem:s26+$0x2020] =	vst v47;
	v59 =	vld.idx.msk [tilespmem:v42+s21+$0x0], $0xffff;
	v42 =	vor.u32 s8, v35;
	v38 =	vand.u32 $0x78, v38;
	v47 =	vor.u32 v45, v10;
	v10 =	vmovc v28  }
0x231: {  	v39 =	vand.u32 $0x78, v39;
	v28 =	vmovc v54;
	v53 =	vld.idx.msk [tilespmem:v41+s21+$0x0], $0xffff;
	v41 =	vand.u32 $0x78, v42;
	[tilespmem:s5+$0x2070] =	vst v43;
	v43 =	vor.u32 v38, v8  }
.Ltmp2:
0x232: {  	v38 =	vand.u32 $0x78, v49;
	v54 =	vor.u32 v41, v31;
	v49 =	vld.idx.msk [tilespmem:v46+s25+$0x0], $0xffff;
	v41 =	vand.u32 $0x78, v48;
	[tilespmem:s14+$0x2440] =	vst v50;
	(pc) =	sbr.rel @p0 .LBB2_7-.Ltmp2, $4  }
0x233: {  	v42 =	vand.u32 $0x6, v56;
	v48 =	vand.u32 $0x78, v52;
	v55 =	vor.u32 v38, v23;
	v50 =	vld.idx.msk [tilespmem:v40+s28+$0x0], $0xffff  }
0x234: {  	v45 =	vor.u32 v39, v14;
	v38 =	vor.u32 v0, v42;
	v46 =	vor.u32 v41, v13;
	[tilespmem:s18+$0x2450] =	vst v51  }
0x235: {  	v14 =	vmovc v30;
	v39 =	vor.u32 v48, v38;
	v41 =	vor.u32 s2, v4;
	s2 =	smov.u32 s22;
	v51 =	vor.u32 s22, v18;
	s22 =	smov.u32 s8;
	s8 =	sadd.s32 $0x1, s6;
	[tilespmem:s12+$0x2400] =	vst v58;
	v47 =	vld.idx.msk [tilespmem:v47+s28+$0x0], $0xffff  }
0x236: {  	v30 =	vmovc v57;
	s6 =	sadd.s32 $0x2, s6;
	v52 =	vand.u32 $0x78, v41;
	v40 =	vor.u32 s8, v26;
	v56 =	vor.u32 s22, v29;
	[tilespmem:s24+$0x2030] =	vst v59;
	v48 =	vld.idx.msk [tilespmem:v43+s25+$0x0], $0xffff  }
0x237: {  	v26 =	vmov s8  }
0x238: {  	v26 =	vand.u32 $0x7, v26  }
0x239: {  	v40 =	vand.u32 $0x78, v40;
	v43 =	vor.u32 v0, v26  }
0x23a: {  	v40 =	vor.u32 v40, v43;
	_ =	sdelay $0x3  }
0x23b: {  	v41 =	vor.u32 s8, v33  }
0x23c: {  	v62 =	vor.u32 s0, v33;
	v58 =	vand.u32 $0x78, v41;
	v41 =	vor.u32 v1, v26;
	v57 =	vld.idx.msk [tilespmem:v40+s21+$0x0], $0xffff  }
0x23d: {  	v39 =	vld.idx.msk [tilespmem:v39+s21+$0x0], $0xffff;
	s4 =	sadd.s32 $0x200, s4;
	v33 =	vand.u32 $0x78, v62;
	v58 =	vor.u32 v58, v41;
	v40 =	vor.u32 v1, v42  }
0x23e: {  	s6 =	sadd.s32 $0x100, s30;
	s4 =	sand.u32 $0x1800, s4;
	v33 =	vor.u32 v33, v40  }
0x23f: {  	s11 =	sadd.s32 $0xFFFFFF80, s6;
	s6 =	sand.u32 $0x380, s6;
	s29 =	sor.u32 $0x16600, s4  }
0x240: {  	s11 =	sand.u32 $0x300, s11;
	s4 =	sadd.s32 s6, s29  }
0x241: {  	v63 =	vor.u32 s8, v32;
	s6 =	sadd.s32 s11, s29;
	[tilespmem:s4+$0x2000] =	vst v57  }
0x242: {  	v60 =	vor.u32 s0, v32;
	[tilespmem:s6+$0x2000] =	vst v39;
	v39 =	vor.u32 v2, v26;
	v57 =	vand.u32 $0x78, v63;
	v58 =	vld.idx.msk [tilespmem:v58+s21+$0x0], $0xffff  }
0x243: {  	v32 =	vand.u32 $0x78, v60;
	v59 =	vld.idx.msk [tilespmem:v33+s21+$0x0], $0xffff;
	v33 =	vor.u32 v2, v42;
	v57 =	vor.u32 v57, v39  }
0x244: {  	v60 =	vor.u32 v32, v33;
	_ =	sdelay $0x2  }
0x245: {  	v61 =	vor.u32 s8, v34;
	[tilespmem:s4+$0x2010] =	vst v58  }
0x246: {  	v62 =	vor.u32 s0, v34;
	v63 =	vand.u32 $0x78, v61;
	v32 =	vor.u32 v3, v26;
	[tilespmem:s6+$0x2010] =	vst v59;
	v57 =	vld.idx.msk [tilespmem:v57+s21+$0x0], $0xffff  }
0x247: {  	v34 =	vand.u32 $0x78, v62;
	v26 =	vor.u32 v3, v42;
	v61 =	vor.u32 v63, v32;
	v59 =	vld.idx.msk [tilespmem:v60+s21+$0x0], $0xffff  }
0x248: {  	v34 =	vor.u32 v34, v26;
	_ =	sdelay $0x2  }
0x249: {  	v62 =	vor.u32 s8, v35;
	[tilespmem:s4+$0x2020] =	vst v57  }
0x24a: {  	v63 =	vor.u32 s0, v35;
	[tilespmem:s6+$0x2020] =	vst v59;
	v57 =	vand.u32 $0x78, v62;
	v42 =	vld.idx.msk [tilespmem:v61+s21+$0x0], $0xffff  }
0x24b: {  	v35 =	vand.u32 $0x78, v63;
	v34 =	vld.idx.msk [tilespmem:v34+s21+$0x0], $0xffff;
	v57 =	vor.u32 v57, v43  }
0x24c: {  	v35 =	vor.u32 v35, v38;
	_ =	sdelay $0x1  }
0x24d: {  	[tilespmem:s26+$0x2030] =	vst v53;
	v60 =	vld.idx.msk [tilespmem:v54+s23+$0x0], $0xffff;
	v61 =	vand.u32 $0x78, v56  }
0x24e: {  	v44 =	vand.u32 $0x78, v44;
	v55 =	vld.idx.msk [tilespmem:v55+s23+$0x0], $0xffff;
	v62 =	vor.u32 s8, v29;
	v54 =	vor.u32 v61, v27;
	[tilespmem:s4+$0x2030] =	vst v42  }
0x24f: {  	v63 =	vor.u32 v44, v25;
	v56 =	vor.u32 s0, v29;
	[tilespmem:s6+$0x2030] =	vst v34;
	v42 =	vand.u32 $0x78, v62;
	v58 =	vld.idx.msk [tilespmem:v57+s23+$0x0], $0xffff  }
0x250: {  	v29 =	vand.u32 $0x78, v56;
	v35 =	vld.idx.msk [tilespmem:v35+s23+$0x0], $0xffff;
	v42 =	vor.u32 v42, v41  }
0x251: {  	v29 =	vor.u32 v29, v40  }
0x252: {  	[tilespmem:s24+$0x2040] =	vst v60;
	v59 =	vor.u32 s22, v24  }
0x253: {  	[tilespmem:s26+$0x2040] =	vst v55;
	v60 =	vor.u32 s20, v24;
	v53 =	vand.u32 $0x78, v59;
	v54 =	vld.idx.msk [tilespmem:v54+s23+$0x0], $0xffff  }
0x254: {  	v55 =	vand.u32 $0x78, v60;
	v53 =	vor.u32 v53, v28;
	v61 =	vor.u32 s8, v24;
	v34 =	vld.idx.msk [tilespmem:v63+s23+$0x0], $0xffff;
	[tilespmem:s4+$0x2040] =	vst v58  }
0x255: {  	v55 =	vor.u32 v55, v30;
	v62 =	vor.u32 s0, v24;
	v57 =	vand.u32 $0x78, v61;
	[tilespmem:s6+$0x2040] =	vst v35;
	v63 =	vld.idx.msk [tilespmem:v42+s23+$0x0], $0xffff  }
0x256: {  	v24 =	vand.u32 $0x78, v62;
	v29 =	vld.idx.msk [tilespmem:v29+s23+$0x0], $0xffff;
	v42 =	vor.u32 v57, v39  }
0x257: {  	v24 =	vor.u32 v24, v33  }
0x258: {  	[tilespmem:s24+$0x2050] =	vst v54;
	v58 =	vor.u32 s22, v22  }
0x259: {  	v59 =	vor.u32 s20, v22;
	[tilespmem:s26+$0x2050] =	vst v34;
	v53 =	vld.idx.msk [tilespmem:v53+s23+$0x0], $0xffff;
	v44 =	vand.u32 $0x78, v58  }
0x25a: {  	v62 =	vor.u32 s8, v22;
	v61 =	vld.idx.msk [tilespmem:v55+s23+$0x0], $0xffff;
	v54 =	vand.u32 $0x78, v59;
	v60 =	vor.u32 v44, v37;
	[tilespmem:s4+$0x2050] =	vst v63  }
0x25b: {  	v35 =	vand.u32 $0x78, v62;
	v54 =	vor.u32 v54, v36;
	v63 =	vor.u32 s0, v22;
	[tilespmem:s6+$0x2050] =	vst v29;
	v42 =	vld.idx.msk [tilespmem:v42+s23+$0x0], $0xffff  }
0x25c: {  	[tilespmem:s5+$0x2400] =	vst v49;
	v55 =	vor.u32 v35, v32;
	v24 =	vld.idx.msk [tilespmem:v24+s23+$0x0], $0xffff;
	v22 =	vand.u32 $0x78, v63  }
0x25d: {  	[tilespmem:s14+$0x2450] =	vst v50;
	v22 =	vor.u32 v22, v26  }
0x25e: {  	v19 =	vor.u32 v52, v19;
	v45 =	vld.idx.msk [tilespmem:v45+s28+$0x0], $0xffff;
	v56 =	vor.u32 s22, v21;
	[tilespmem:s24+$0x2060] =	vst v53  }
0x25f: {  	v57 =	vor.u32 s20, v21;
	v35 =	vand.u32 $0x78, v56;
	[tilespmem:s26+$0x2060] =	vst v61;
	v34 =	vld.idx.msk [tilespmem:v60+s23+$0x0], $0xffff  }
0x260: {  	v58 =	vor.u32 s8, v21;
	v35 =	vor.u32 v35, v31;
	v49 =	vand.u32 $0x78, v57;
	v44 =	vld.idx.msk [tilespmem:v54+s23+$0x0], $0xffff;
	[tilespmem:s4+$0x2060] =	vst v42  }
0x261: {  	v59 =	vor.u32 s0, v21;
	v49 =	vor.u32 v49, v23;
	v42 =	vand.u32 $0x78, v58;
	[tilespmem:s6+$0x2060] =	vst v24;
	v29 =	vld.idx.msk [tilespmem:v55+s23+$0x0], $0xffff  }
0x262: {  	[tilespmem:s18+$0x2460] =	vst v47;
	v21 =	vand.u32 $0x78, v59;
	v60 =	vor.u32 v42, v43;
	v22 =	vld.idx.msk [tilespmem:v22+s23+$0x0], $0xffff  }
0x263: {  	[tilespmem:s12+$0x2410] =	vst v48;
	v19 =	vld.idx.msk [tilespmem:v19+s28+$0x0], $0xffff;
	v21 =	vor.u32 v21, v38  }
0x264: {  	v62 =	vand.u32 $0x78, v51;
	v61 =	vld.idx.msk [tilespmem:v46+s25+$0x0], $0xffff;
	v63 =	vor.u32 s22, v20;
	[tilespmem:s24+$0x2070] =	vst v34  }
0x265: {  	v48 =	vor.u32 s20, v20;
	v46 =	vor.u32 v62, v10;
	[tilespmem:s26+$0x2070] =	vst v44;
	v34 =	vand.u32 $0x78, v63;
	v35 =	vld.idx.msk [tilespmem:v35+s25+$0x0], $0xffff  }
0x266: {  	v47 =	vand.u32 $0x78, v48;
	v44 =	vld.idx.msk [tilespmem:v49+s25+$0x0], $0xffff;
	v49 =	vor.u32 s8, v20;
	v34 =	vor.u32 v34, v27;
	[tilespmem:s4+$0x2070] =	vst v29  }
0x267: {  	v50 =	vor.u32 s0, v20;
	v47 =	vor.u32 v47, v25;
	v29 =	vand.u32 $0x78, v49;
	[tilespmem:s6+$0x2070] =	vst v22;
	v24 =	vld.idx.msk [tilespmem:v60+s25+$0x0], $0xffff  }
0x268: {  	v52 =	vor.u32 s16, v4;
	[tilespmem:s14+$0x2460] =	vst v45;
	v20 =	vand.u32 $0x78, v50;
	v29 =	vor.u32 v29, v41;
	v21 =	vld.idx.msk [tilespmem:v21+s25+$0x0], $0xffff  }
0x269: {  	[tilespmem:s18+$0x2470] =	vst v19;
	v51 =	vor.u32 s10, v18;
	v20 =	vor.u32 v20, v40;
	v42 =	vand.u32 $0x78, v52  }
0x26a: {  	v54 =	vor.u32 s22, v18;
	v53 =	vld.idx.msk [tilespmem:v46+s25+$0x0], $0xffff;
	v17 =	vor.u32 v42, v17;
	v22 =	vand.u32 $0x78, v51;
	[tilespmem:s24+$0x2400] =	vst v35  }
0x26b: {  	v55 =	vor.u32 s20, v18;
	[tilespmem:s26+$0x2400] =	vst v44;
	v35 =	vand.u32 $0x78, v54;
	v22 =	vor.u32 v22, v14;
	v34 =	vld.idx.msk [tilespmem:v34+s25+$0x0], $0xffff  }
0x26c: {  	v56 =	vor.u32 s8, v18;
	v42 =	vand.u32 $0x78, v55;
	v44 =	vld.idx.msk [tilespmem:v47+s25+$0x0], $0xffff;
	v35 =	vor.u32 v35, v28;
	[tilespmem:s4+$0x2400] =	vst v24  }
0x26d: {  	v57 =	vor.u32 s0, v18;
	v42 =	vor.u32 v42, v30;
	v24 =	vand.u32 $0x78, v56;
	[tilespmem:s6+$0x2400] =	vst v21;
	v29 =	vld.idx.msk [tilespmem:v29+s25+$0x0], $0xffff  }
0x26e: {  	[tilespmem:s5+$0x2410] =	vst v61;
	v58 =	vor.u32 s2, v16;
	v18 =	vand.u32 $0x78, v57;
	v59 =	vor.u32 v24, v39;
	v20 =	vld.idx.msk [tilespmem:v20+s25+$0x0], $0xffff  }
0x26f: {  	v18 =	vor.u32 v18, v33;
	[tilespmem:s12+$0x2420] =	vst v53;
	v60 =	vor.u32 s10, v16;
	v17 =	vld.idx.msk [tilespmem:v17+s28+$0x0], $0xffff;
	v21 =	vand.u32 $0x78, v58  }
0x270: {  	v61 =	vor.u32 s22, v16;
	v22 =	vld.idx.msk [tilespmem:v22+s25+$0x0], $0xffff;
	[tilespmem:s24+$0x2410] =	vst v34;
	v21 =	vor.u32 v21, v7;
	v24 =	vand.u32 $0x78, v60  }
0x271: {  	v62 =	vor.u32 s20, v16;
	[tilespmem:s26+$0x2410] =	vst v44;
	v34 =	vand.u32 $0x78, v61;
	v35 =	vld.idx.msk [tilespmem:v35+s25+$0x0], $0xffff;
	v24 =	vor.u32 v24, v9  }
0x272: {  	v63 =	vor.u32 s8, v16;
	v44 =	vand.u32 $0x78, v62;
	v42 =	vld.idx.msk [tilespmem:v42+s25+$0x0], $0xffff;
	v34 =	vor.u32 v34, v37;
	[tilespmem:s4+$0x2410] =	vst v29  }
0x273: {  	v47 =	vor.u32 s0, v16;
	v44 =	vor.u32 v44, v36;
	v29 =	vand.u32 $0x78, v63;
	[tilespmem:s6+$0x2410] =	vst v20;
	v19 =	vld.idx.msk [tilespmem:v59+s25+$0x0], $0xffff  }
0x274: {  	v48 =	vor.u32 s2, v11;
	v16 =	vand.u32 $0x78, v47;
	[tilespmem:s14+$0x2470] =	vst v17;
	v49 =	vor.u32 v29, v32;
	v18 =	vld.idx.msk [tilespmem:v18+s25+$0x0], $0xffff  }
0x275: {  	v50 =	vor.u32 s10, v11;
	v16 =	vor.u32 v16, v26;
	[tilespmem:s5+$0x2420] =	vst v22;
	v21 =	vld.idx.msk [tilespmem:v21+s25+$0x0], $0xffff;
	v20 =	vand.u32 $0x78, v48  }
0x276: {  	v52 =	vand.u32 $0x78, v50;
	v53 =	vor.u32 s22, v11;
	[tilespmem:s24+$0x2420] =	vst v35;
	v12 =	vor.u32 v20, v12;
	v51 =	vld.idx.msk [tilespmem:v24+s25+$0x0], $0xffff  }
0x277: {  	v15 =	vor.u32 v52, v15;
	v55 =	vor.u32 s20, v11;
	[tilespmem:s26+$0x2420] =	vst v42;
	v54 =	vld.idx.msk [tilespmem:v34+s25+$0x0], $0xffff;
	v24 =	vand.u32 $0x78, v53  }
0x278: {  	v57 =	vor.u32 s8, v11;
	v56 =	vld.idx.msk [tilespmem:v44+s25+$0x0], $0xffff;
	v29 =	vand.u32 $0x78, v55;
	v24 =	vor.u32 v24, v31;
	[tilespmem:s4+$0x2420] =	vst v19  }
0x279: {  	v59 =	vor.u32 s0, v11;
	v58 =	vor.u32 v29, v23;
	v19 =	vand.u32 $0x78, v57;
	[tilespmem:s6+$0x2420] =	vst v18;
	v22 =	vld.idx.msk [tilespmem:v49+s25+$0x0], $0xffff  }
0x27a: {  	v60 =	vor.u32 s2, v6;
	v11 =	vand.u32 $0x78, v59;
	[tilespmem:s12+$0x2430] =	vst v21;
	v19 =	vor.u32 v19, v43;
	v16 =	vld.idx.msk [tilespmem:v16+s25+$0x0], $0xffff  }
0x27b: {  	v61 =	vor.u32 s10, v6;
	v11 =	vor.u32 v11, v38;
	v12 =	vld.idx.msk [tilespmem:v12+s28+$0x0], $0xffff;
	v18 =	vand.u32 $0x78, v60;
	[tilespmem:s5+$0x2430] =	vst v51  }
0x27c: {  	v62 =	vand.u32 $0x78, v61;
	v63 =	vor.u32 s22, v6;
	[tilespmem:s24+$0x2430] =	vst v54;
	v8 =	vor.u32 v18, v8;
	v15 =	vld.idx.msk [tilespmem:v15+s28+$0x0], $0xffff  }
0x27d: {  	v13 =	vor.u32 v62, v13;
	v29 =	vor.u32 s20, v6;
	[tilespmem:s26+$0x2430] =	vst v56;
	v20 =	vld.idx.msk [tilespmem:v24+s28+$0x0], $0xffff;
	v18 =	vand.u32 $0x78, v63  }
0x27e: {  	v35 =	vor.u32 s8, v6;
	v17 =	vand.u32 $0x78, v29;
	v34 =	vld.idx.msk [tilespmem:v58+s28+$0x0], $0xffff;
	v18 =	vor.u32 v18, v27;
	[tilespmem:s4+$0x2430] =	vst v22  }
0x27f: {  	v38 =	vor.u32 s0, v6;
	v17 =	vor.u32 v17, v25;
	v22 =	vand.u32 $0x78, v35;
	[tilespmem:s6+$0x2430] =	vst v16;
	v19 =	vld.idx.msk [tilespmem:v19+s28+$0x0], $0xffff  }
0x280: {  	v42 =	vor.u32 s2, v5;
	v6 =	vand.u32 $0x78, v38;
	[tilespmem:s12+$0x2440] =	vst v12;
	v43 =	vor.u32 v22, v41;
	v11 =	vld.idx.msk [tilespmem:v11+s28+$0x0], $0xffff  }
0x281: {  	v44 =	vor.u32 s10, v5;
	v6 =	vor.u32 v6, v40;
	v12 =	vand.u32 $0x78, v42;
	v8 =	vld.idx.msk [tilespmem:v8+s28+$0x0], $0xffff;
	[tilespmem:s5+$0x2440] =	vst v15  }
0x282: {  	v47 =	vor.u32 s22, v5;
	v46 =	vand.u32 $0x78, v44;
	v45 =	vor.u32 v12, v10;
	[tilespmem:s24+$0x2440] =	vst v20;
	v13 =	vld.idx.msk [tilespmem:v13+s28+$0x0], $0xffff  }
0x283: {  	v48 =	vor.u32 s20, v5;
	v12 =	vor.u32 v46, v14;
	v15 =	vand.u32 $0x78, v47;
	[tilespmem:s26+$0x2440] =	vst v34;
	v18 =	vld.idx.msk [tilespmem:v18+s28+$0x0], $0xffff  }
0x284: {  	v49 =	vor.u32 s8, v5;
	v14 =	vand.u32 $0x78, v48;
	v15 =	vor.u32 v15, v28;
	v17 =	vld.idx.msk [tilespmem:v17+s28+$0x0], $0xffff;
	[tilespmem:s4+$0x2440] =	vst v19  }
0x285: {  	v5 =	vor.u32 s0, v5;
	v14 =	vor.u32 v14, v30;
	v19 =	vand.u32 $0x78, v49;
	[tilespmem:s6+$0x2440] =	vst v11;
	v16 =	vld.idx.msk [tilespmem:v43+s28+$0x0], $0xffff  }
0x286: {  	v50 =	vor.u32 s2, v4;
	v5 =	vand.u32 $0x78, v5;
	[tilespmem:s12+$0x2450] =	vst v8;
	v51 =	vor.u32 v19, v39;
	v6 =	vld.idx.msk [tilespmem:v6+s28+$0x0], $0xffff  }
0x287: {  	v52 =	vor.u32 s10, v4;
	v5 =	vor.u32 v5, v33;
	v8 =	vand.u32 $0x78, v50;
	v10 =	vld.idx.msk [tilespmem:v45+s28+$0x0], $0xffff;
	[tilespmem:s5+$0x2450] =	vst v13  }
0x288: {  	v55 =	vand.u32 $0x78, v52;
	v56 =	vor.u32 s22, v4;
	v53 =	vor.u32 v8, v7;
	[tilespmem:s24+$0x2450] =	vst v18;
	v54 =	vld.idx.msk [tilespmem:v12+s28+$0x0], $0xffff  }
0x289: {  	v59 =	vor.u32 s20, v4;
	v57 =	vor.u32 v55, v9;
	v13 =	vand.u32 $0x78, v56;
	[tilespmem:s26+$0x2450] =	vst v17;
	v58 =	vld.idx.msk [tilespmem:v15+s28+$0x0], $0xffff  }
0x28a: {  	v60 =	vor.u32 s8, v4;
	v13 =	vor.u32 v13, v37;
	v14 =	vld.idx.msk [tilespmem:v14+s28+$0x0], $0xffff;
	v15 =	vand.u32 $0x78, v59;
	[tilespmem:s4+$0x2450] =	vst v16  }
0x28b: {  	v4 =	vor.u32 s0, v4;
	v15 =	vor.u32 v15, v36;
	v16 =	vand.u32 $0x78, v60;
	[tilespmem:s6+$0x2450] =	vst v6;
	v11 =	vld.idx.msk [tilespmem:v51+s28+$0x0], $0xffff  }
0x28c: {  	v4 =	vand.u32 $0x78, v4;
	[tilespmem:s12+$0x2460] =	vst v10;
	v61 =	vor.u32 v16, v32;
	v5 =	vld.idx.msk [tilespmem:v5+s28+$0x0], $0xffff  }
0x28d: {  	v4 =	vor.u32 v4, v26;
	v7 =	vld.idx.msk [tilespmem:v53+s28+$0x0], $0xffff;
	[tilespmem:s5+$0x2460] =	vst v54  }
0x28e: {  	[tilespmem:s24+$0x2460] =	vst v58;
	v8 =	vld.idx.msk [tilespmem:v57+s28+$0x0], $0xffff  }
0x28f: {  	[tilespmem:s26+$0x2460] =	vst v14;
	v62 =	vld.idx.msk [tilespmem:v13+s28+$0x0], $0xffff  }
0x290: {  	v63 =	vld.idx.msk [tilespmem:v15+s28+$0x0], $0xffff;
	[tilespmem:s4+$0x2460] =	vst v11  }
0x291: {  	[tilespmem:s6+$0x2460] =	vst v5;
	v6 =	vld.idx.msk [tilespmem:v61+s28+$0x0], $0xffff  }
0x292: {  	[tilespmem:s12+$0x2470] =	vst v7;
	v4 =	vld.idx.msk [tilespmem:v4+s28+$0x0], $0xffff  }
0x293: {  	[tilespmem:s5+$0x2470] =	vst v8  }
0x294: {  	s7 =	sadd.s32 $0x1, s7;
	[tilespmem:s24+$0x2470] =	vst v62  }
0x295: {  	p0 =	sne.s32 s7, $0x32;
	[tilespmem:s26+$0x2470] =	vst v63  }
.Ltmp3:
0x296: {  	[tilespmem:s4+$0x2470] =	vst v6;
	(pc) =	sbr.rel @p0 .LBB2_2-.Ltmp3, $4  }
0x297: {  	[tilespmem:s6+$0x2470] =	vst v4  }
0x298: {  	s30 =	simm.s32 $0x20000;
	s26 =	rddreg [dreg:$0x5]  }
0x299: {  	s31 =	simm.s32 $0x18600;
	s29 =	simm.s32 $0x800;
	s0 =	sadd.s32 s9, s26  }
0x29a: {  	[hbm4b:s0+s29] =	stream.strided.scatter [tilespmem:s31], [sflag:$0x4], $0x2000, s30, s29, $0x38;
	[tilespmem:$0x1A600] =	vst v63  }
0x29b: {  	s0 =	simm.s32 $0x3  }
0x29c: {  	_ =	swait.ge [sflag:s0], $0x2000  }
0x29d: {  	[sflag:s0] =	ssyncset.done $0x0  }
0x29e: {  	s2 =	simm.s32 $0x4;
	[sflag:s0] =	ssyncadd.s32 $0xFFFFE000  }
0x29f: {  	_ =	swait.ge [sflag:s2], $0x2000  }
0x2a0: {  	s4 =	rddreg [dreg:$0x7]  }
0x2a1: {  	s31 =	rddreg [dreg:$0x6];
	s4 =	sadd.s32 $0x1, s4  }
0x2a2: {  	p0 =	sne.s32 s4, s31  }
.Ltmp4:
0x2a3: {  	_ = 	snop;
	(pc) =	sbr.rel @p0 .LBB2_1-.Ltmp4, $3  }
0x2a4: {  	_ =	sdelay $0x1  }
0x2a5: {  	[sflag:s2] =	ssyncset.done $0x0  }
0x2a6: {  	[sflag:s2] =	ssyncadd.s32 $0xFFFFE000  }
0x2a7: {  	_ =	sfence.sel $0x180000  }
0x2a8: {  	[bflag:$0x0] =	sbarrier.arrive $0xFFFF  }
0x2a9: {  	_ =	strace $0x90000047  }
0x2aa: {  	s0 =	stileid.u32;
	[bflag:$0x2] =	sbarrier.arrive $0xFFFF  }
0x2ab: {  	p0 =	sne.s32 s0, $0x0;
	s0 =	rddreg [dreg:$0x2]  }
0x2ac: {  	s0 =	sadd.s32 @!p0 $0x100000, s0  }
0x2ad: {  	[sflag:s0] =	ssyncadd.tile.s32 @!p0 $0x1;
	_ =	shalt  }
.Lfunc_end2:
_tile_overlayer_lowered:
.L_overlay_start_2:
0x2ae: {  	(tag) =	ssettag $0x2  }
0x2af: {  	s0 =	rddreg [dreg:$0x0];
	s2 =	stileid.u32  }
0x2b0: {  	s1 =	rddreg [dreg:$0x1];
	p0 =	sne.s32 s2, $0x0  }
0x2b1: {  	s3 =	rddreg [dreg:$0x2];
	[bflag:$0x3] =	sbarrier.arrive $0xFFFF;
	s2 =	simm.s32 @!p0 $0x1C05  }
0x2b2: {  	[timem:s3], [sflag:s2] =	dma.local @!p0 [hbm:s0], s1  }
0x2b3: {  	s0 =	simm.s32 @!p0 $0x5  }
0x2b4: {  	_ =	swait.ge @!p0 [sflag:s0], s1  }
0x2b5: {  	s1 =	ssub.s32 @!p0 $0x0, s1;
	[sflag:s0] =	ssyncset.done @!p0 $0x0  }
0x2b6: {  	[sflag:s0] =	ssyncadd.s32 @!p0 s1  }
0x2b7: {  	[bflag:$0x3] =	sbarrier.arrive $0xFFFF  }
0x2b8: {  	_ =	shalt  }

</sc_bundles>
